<compile_context>
chip_gen: v7x
topology: tpu7x:2x2x1
jax: 0.10.2.dev20260603
libtpu: 0.0.44.dev20260713+nightly
codegen_flags: <defaults>
</compile_context>

<pallas_src>
import functools

import jax
import jax.numpy as jnp
from jax import lax
from jax.experimental import pallas as pl
from jax.experimental.pallas import tpu as pltpu
from jax.experimental.pallas import tpu_sc as plsc

N_NODES = 10000
N_EDGES = 320000
D_FEAT = 128
N_PERM = 5000

NC = 2
NS = 16
NW = NC * NS

CHUNK = 128
EDGE_CHUNKS = 80
E_PAD = NW * EDGE_CHUNKS * CHUNK
ACC_ROWS = 10240
TRASH = N_NODES
ROWS_PER_TILE = ACC_ROWS // NS
PERM_CHUNKS = 2
P_PAD = NW * PERM_CHUNKS * CHUNK

_mesh = functools.partial(
    plsc.VectorSubcoreMesh, core_axis_name="c", subcore_axis_name="s")


@functools.partial(
    pl.kernel,
    mesh=_mesh(),
    out_type=jax.ShapeDtypeStruct((NC * ACC_ROWS, D_FEAT), jnp.float32),
    scratch_types=[
        pltpu.VMEM((EDGE_CHUNKS, CHUNK), jnp.int32),
        pltpu.VMEM((2, CHUNK), jnp.int32),
        pltpu.VMEM((2, CHUNK), jnp.int32),
        pltpu.VMEM((CHUNK, D_FEAT), jnp.float32),
        pltpu.VMEM((CHUNK, D_FEAT), jnp.float32),
        pltpu.VMEM_SHARED((ACC_ROWS, D_FEAT), jnp.float32),
        pltpu.SemaphoreType.DMA,
        pltpu.SemaphoreType.DMA,
        pltpu.SemaphoreType.DMA,
        pltpu.SemaphoreType.DMA,
        pltpu.SemaphoreType.DMA,
        pltpu.SemaphoreType.DMA,
    ],
)
def _edge_accumulate(row_hbm, col_hbm, x_hbm, out_hbm,
                     col_v, row_v, tgt_v, xg, xg1, acc,
                     gs0, gs1, rs0, rs1, ss0, ss1):
    c = lax.axis_index("c")
    s = lax.axis_index("s")
    wid = c * NS + s

    def _zbody(r, _):
        for j in range(D_FEAT // 16):
            xg[r, pl.ds(j * 16, 16)] = jnp.zeros((16,), jnp.float32)
        return 0
    lax.fori_loop(0, CHUNK, _zbody, 0)
    for b in range(ROWS_PER_TILE // CHUNK):
        pltpu.sync_copy(xg, acc.at[pl.ds(s * ROWS_PER_TILE + b * CHUNK, CHUNK)])
    plsc.subcore_barrier()

    pltpu.sync_copy(col_hbm.at[wid], col_v)

    bufs = (xg, xg1)
    gsems = (gs0, gs1)
    rsems = (rs0, rs1)
    ssems = (ss0, ss1)
    n_groups = EDGE_CHUNKS // 2
    rbase = wid * EDGE_CHUNKS
    for b in range(2):
        pltpu.async_copy(x_hbm.at[col_v.at[b]], bufs[b], gsems[b])
        pltpu.async_copy(row_hbm.at[rbase + b], row_v.at[b], rsems[b])

    def _ebody(g, _):
        for b in range(2):
            k = g * 2 + b

            @pl.when(g >= 1)
            def _():
                pltpu.make_async_copy(
                    bufs[b], acc.at[tgt_v.at[b]], ssems[b]).wait()
                pltpu.async_copy(x_hbm.at[col_v.at[k]], bufs[b], gsems[b])

            pltpu.make_async_copy(
                row_hbm.at[rbase + k], row_v.at[b], rsems[b]).wait()
            for j in range(CHUNK // 16):
                sl = pl.ds(j * 16, 16)
                r = row_v[b, sl]
                cc = col_v[k, sl]
                tgt_v[b, sl] = jnp.where(
                    r == cc, jnp.full((16,), TRASH, jnp.int32), r)

            @pl.when(g < n_groups - 1)
            def _():
                pltpu.async_copy(
                    row_hbm.at[rbase + k + 2], row_v.at[b], rsems[b])

            pltpu.make_async_copy(
                x_hbm.at[col_v.at[k]], bufs[b], gsems[b]).wait()
            pltpu.async_copy(
                bufs[b], acc.at[tgt_v.at[b]], ssems[b], add=True)
        return 0
    lax.fori_loop(0, n_groups, _ebody, 0)
    for b in range(2):
        pltpu.make_async_copy(bufs[b], acc.at[tgt_v.at[b]], ssems[b]).wait()
    plsc.subcore_barrier()

    for b in range(ROWS_PER_TILE // CHUNK):
        base = s * ROWS_PER_TILE + b * CHUNK
        pltpu.sync_copy(acc.at[pl.ds(base, CHUNK)], xg)
        pltpu.sync_copy(xg, out_hbm.at[pl.ds(c * ACC_ROWS + base, CHUNK)])


@functools.partial(
    pl.kernel,
    mesh=_mesh(),
    out_type=jax.ShapeDtypeStruct((P_PAD, D_FEAT), jnp.float32),
    scratch_types=[
        pltpu.VMEM((PERM_CHUNKS, CHUNK), jnp.int32),
        pltpu.VMEM((PERM_CHUNKS, CHUNK), jnp.int32),
        pltpu.VMEM((CHUNK, D_FEAT), jnp.float32),
        pltpu.VMEM((CHUNK, D_FEAT), jnp.float32),
        pltpu.VMEM((CHUNK, D_FEAT), jnp.float32),
        pltpu.SemaphoreType.DMA,
        pltpu.SemaphoreType.DMA,
        pltpu.SemaphoreType.DMA,
    ],
)
def _combine(parts_hbm, x_hbm, perm_hbm, out_hbm,
             pi, pi2, ga, gb, gx, sa, sb, sx):
    c = lax.axis_index("c")
    s = lax.axis_index("s")
    wid = c * NS + s

    pltpu.sync_copy(perm_hbm.at[wid], pi)
    for k in range(PERM_CHUNKS):
        for j in range(CHUNK // 16):
            pi2[k, pl.ds(j * 16, 16)] = (
                pi[k, pl.ds(j * 16, 16)] + jnp.full((16,), ACC_ROWS, jnp.int32))

    for k in range(PERM_CHUNKS):
        ca = pltpu.async_copy(parts_hbm.at[pi.at[k]], ga, sa)
        cb = pltpu.async_copy(parts_hbm.at[pi2.at[k]], gb, sb)
        cx = pltpu.async_copy(x_hbm.at[pi.at[k]], gx, sx)
        ca.wait()
        cb.wait()
        cx.wait()

        def _sbody(r, _):
            for j in range(D_FEAT // 16):
                sl = pl.ds(j * 16, 16)
                ga[r, sl] = ga[r, sl] + gb[r, sl] + gx[r, sl]
            return 0
        lax.fori_loop(0, CHUNK, _sbody, 0)
        pltpu.sync_copy(
            ga, out_hbm.at[pl.ds((wid * PERM_CHUNKS + k) * CHUNK, CHUNK)])


def kernel(original_x, original_edge_index, perm):
    row = original_edge_index[0]
    col = original_edge_index[1]
    zpad = jnp.zeros((E_PAD - N_EDGES,), jnp.int32)
    row3 = jnp.concatenate([row, zpad]).reshape(NW * EDGE_CHUNKS, CHUNK)
    col3 = jnp.concatenate([col, zpad]).reshape(NW, EDGE_CHUNKS, CHUNK)
    perm3 = jnp.concatenate(
        [perm, jnp.zeros((P_PAD - N_PERM,), perm.dtype)]
    ).reshape(NW, PERM_CHUNKS, CHUNK)

    parts = _edge_accumulate(row3, col3, original_x)
    out = _combine(parts, original_x, perm3)
    return out[:N_PERM]

# --- scband reference (transcript-rebuilt; emitter-appended) ---
"""Pipeline reference for scband-smm-88656714924904 (READ-ONLY COPY).

The authoritative reference and input builder live on the scoring server;
editing this copy changes nothing except your own understanding.
"""

import jax, jax.numpy as jnp
import numpy as np

N_NODES = 10000
N_EDGES = 320000
D_FEAT = 128
N_PERM = 5000


def setup_inputs(seed: int = 0) -> dict:
    key = jax.random.key(seed)
    k1, k2, k3 = jax.random.split(key, 3)
    original_x = jax.random.normal(k1, (N_NODES, D_FEAT), dtype=jnp.float32)
    original_edge_index = jax.random.randint(k2, (2, N_EDGES), 0, N_NODES, dtype=jnp.int32)
    perm = jax.random.randint(k3, (N_PERM,), 0, N_NODES, dtype=jnp.int32)
    return {"original_x": original_x, "original_edge_index": original_edge_index, "perm": perm}


def reference(original_x, original_edge_index, perm):
    num_nodes = original_x.shape[0]
    row = original_edge_index[0]
    col = original_edge_index[1]
    # add_remaining_self_loops: drop existing self-loops, append self-loop for every node
    nonself = row != col
    loop = jnp.arange(num_nodes, dtype=row.dtype)
    row = jnp.concatenate([row, loop])
    col = jnp.concatenate([col, loop])
    valid = jnp.concatenate([nonself, jnp.ones((num_nodes,), dtype=jnp.bool_)])
    # filter_topk_neighbor: keep edges whose dst (row) is in perm
    mask = jnp.full((num_nodes,), -1, dtype=jnp.int32).at[perm].set(
        jnp.arange(perm.shape[0], dtype=jnp.int32))
    keep = valid & (mask[row] >= 0)
    row2 = jnp.where(keep, row, 0)
    # x = scatter_add(original_x[col].T, row); x = x.T[perm]
    gathered = jnp.take(original_x, col, axis=0)  # [E, d]
    gathered = jnp.where(keep[:, None], gathered, jnp.zeros((), dtype=gathered.dtype))
    agg = jax.ops.segment_sum(gathered, row2, num_segments=num_nodes)  # [N, d]
    return jnp.take(agg, perm, axis=0)  # [P, d]

if __name__ == "__main__":
    import jax
    _d = setup_inputs()
    print(jax.jit(kernel)(*tuple(_d.values())))

</pallas_src>

<mosaic_0001>
#map = affine_map<(d0, d1) -> (0, 0)>
#map1 = affine_map<(d0, d1) -> (0, 0, 0)>
module attributes {stable_mosaic.version = 14 : i64} {
  func.func @_combine(%arg0: i32, %arg1: i32, %arg2: memref<20480x128xf32, #tpu.memory_space<hbm>>, %arg3: memref<10000x128xf32, #tpu.memory_space<hbm>>, %arg4: memref<32x2x128xi32, #tpu.memory_space<hbm>>, %arg5: memref<8192x128xf32, #tpu.memory_space<hbm>>, %arg6: memref<2x128xi32, #tpu.memory_space<vmem>>, %arg7: memref<2x128xi32, #tpu.memory_space<vmem>>, %arg8: memref<128x128xf32, #tpu.memory_space<vmem>>, %arg9: memref<128x128xf32, #tpu.memory_space<vmem>>, %arg10: memref<128x128xf32, #tpu.memory_space<vmem>>, %arg11: memref<!tpu.dma_semaphore, #tpu.memory_space<semaphore_mem>>, %arg12: memref<!tpu.dma_semaphore, #tpu.memory_space<semaphore_mem>>, %arg13: memref<!tpu.dma_semaphore, #tpu.memory_space<semaphore_mem>>) attributes {dimension_semantics = [#tpu.dimension_semantics<core_parallel>, #tpu.dimension_semantics<subcore_parallel>], iteration_bounds = array<i64: 2, 16>, scalar_prefetch = 0 : i64, scratch_operands = 8 : i64, tpu.core_type = #tpu.core_type<sc_vector_subcore>, window_params = [{transform_indices = #map}, {transform_indices = #map}, {transform_indices = #map1}, {transform_indices = #map}]} {
    %mul3A = arith.constant 16 : i32
    %mul3A_0 = arith.muli %arg0, %mul3A : i32
    %add3A = arith.addi %mul3A_0, %arg1 : i32
    "tpu.region"() ({
      %run_scoped3A = tpu.sem_alloc : memref<!tpu.dma_semaphore, #tpu.memory_space<semaphore_mem>>
      %dma_start3A_329 = arith.constant 0 : i32
      %dma_start3A_330 = arith.constant 0 : i32
      %dma_start3A_331 = tpu.memref_slice %arg4[%add3A, %dma_start3A_329, %dma_start3A_330] : memref<32x2x128xi32, #tpu.memory_space<hbm>> -> memref<1x2x128xi32, #tpu.memory_space<hbm>>
      %dma_start3A_332 = tpu.memref_squeeze %dma_start3A_331 : memref<1x2x128xi32, #tpu.memory_space<hbm>> -> memref<2x128xi32, #tpu.memory_space<hbm>>
      %dma_start3A_333 = arith.constant 0 : i32
      %dma_start3A_334 = arith.constant 0 : i32
      %dma_start3A_335 = tpu.memref_slice %arg4[%add3A, %dma_start3A_333, %dma_start3A_334] : memref<32x2x128xi32, #tpu.memory_space<hbm>> -> memref<1x2x128xi32, #tpu.memory_space<hbm>>
      %dma_start3A_336 = tpu.memref_squeeze %dma_start3A_335 : memref<1x2x128xi32, #tpu.memory_space<hbm>> -> memref<2x128xi32, #tpu.memory_space<hbm>>
      tpu.enqueue_dma source(%dma_start3A_336 : memref<2x128xi32, #tpu.memory_space<hbm>>) target(%arg6 : memref<2x128xi32, #tpu.memory_space<vmem>>) target_semaphore(%run_scoped3A : memref<!tpu.dma_semaphore, #tpu.memory_space<semaphore_mem>>)
      %dma_wait3A_337 = arith.constant 0 : i32
      %dma_wait3A_338 = arith.constant 0 : i32
      %dma_wait3A_339 = tpu.memref_slice %arg4[%add3A, %dma_wait3A_337, %dma_wait3A_338] : memref<32x2x128xi32, #tpu.memory_space<hbm>> -> memref<1x2x128xi32, #tpu.memory_space<hbm>>
      %dma_wait3A_340 = tpu.memref_squeeze %dma_wait3A_339 : memref<1x2x128xi32, #tpu.memory_space<hbm>> -> memref<2x128xi32, #tpu.memory_space<hbm>>
      %dma_wait3A_341 = arith.constant 0 : i32
      %dma_wait3A_342 = arith.constant 0 : i32
      %dma_wait3A_343 = tpu.memref_slice %arg4[%add3A, %dma_wait3A_341, %dma_wait3A_342] : memref<32x2x128xi32, #tpu.memory_space<hbm>> -> memref<1x2x128xi32, #tpu.memory_space<hbm>>
      %dma_wait3A_344 = tpu.memref_squeeze %dma_wait3A_343 : memref<1x2x128xi32, #tpu.memory_space<hbm>> -> memref<2x128xi32, #tpu.memory_space<hbm>>
      tpu.wait_dma2 semaphore(%run_scoped3A : memref<!tpu.dma_semaphore, #tpu.memory_space<semaphore_mem>>) src(%dma_wait3A_344 : memref<2x128xi32, #tpu.memory_space<hbm>>) dst(%arg6 : memref<2x128xi32, #tpu.memory_space<vmem>>)
      tpu.yield
    }) : () -> ()
    %get3A = arith.constant 0 : i32
    %get3A_1 = arith.index_cast %get3A : i32 to index
    %get3A_2 = arith.constant 0 : index
    %get3A_3 = tpu.vector_load %arg6[%get3A_1, %get3A_2] {strides = array<i32>} : memref<2x128xi32, #tpu.memory_space<vmem>>, vector<1x16xi32>,
    %get3A_4 = vector.shape_cast %get3A_3 : vector<1x16xi32> to vector<16xi32>
    %broadcast_in_dim3A = arith.constant 10240 : i32
    %broadcast_in_dim3A_5 = vector.broadcast %broadcast_in_dim3A : i32 to vector<16xi32>
    %add3A_6 = arith.addi %get3A_4, %broadcast_in_dim3A_5 : vector<16xi32>
    %swap3A = arith.constant 0 : i32
    %swap3A_7 = arith.index_cast %swap3A : i32 to index
    %swap3A_8 = arith.constant 0 : index
    %swap3A_9 = tpu.vector_load %arg7[%swap3A_7, %swap3A_8] {strides = array<i32>} : memref<2x128xi32, #tpu.memory_space<vmem>>, vector<1x16xi32>,
    %swap3A_10 = vector.shape_cast %swap3A_9 : vector<1x16xi32> to vector<16xi32>
    %swap3A_11 = vector.shape_cast %add3A_6 : vector<16xi32> to vector<1x16xi32>
    tpu.vector_store %arg7[%swap3A_7, %swap3A_8], %swap3A_11 {strides = array<i32>} : memref<2x128xi32, #tpu.memory_space<vmem>>, vector<1x16xi32>,
    %get3A_12 = arith.constant 0 : i32
    %get3A_13 = arith.index_cast %get3A_12 : i32 to index
    %get3A_14 = arith.constant 16 : index
    %get3A_15 = tpu.vector_load %arg6[%get3A_13, %get3A_14] {strides = array<i32>} : memref<2x128xi32, #tpu.memory_space<vmem>>, vector<1x16xi32>,
    %get3A_16 = vector.shape_cast %get3A_15 : vector<1x16xi32> to vector<16xi32>
    %broadcast_in_dim3A_17 = arith.constant 10240 : i32
    %broadcast_in_dim3A_18 = vector.broadcast %broadcast_in_dim3A_17 : i32 to vector<16xi32>
    %add3A_19 = arith.addi %get3A_16, %broadcast_in_dim3A_18 : vector<16xi32>
    %swap3A_20 = arith.constant 0 : i32
    %swap3A_21 = arith.index_cast %swap3A_20 : i32 to index
    %swap3A_22 = arith.constant 16 : index
    %swap3A_23 = tpu.vector_load %arg7[%swap3A_21, %swap3A_22] {strides = array<i32>} : memref<2x128xi32, #tpu.memory_space<vmem>>, vector<1x16xi32>,
    %swap3A_24 = vector.shape_cast %swap3A_23 : vector<1x16xi32> to vector<16xi32>
    %swap3A_25 = vector.shape_cast %add3A_19 : vector<16xi32> to vector<1x16xi32>
    tpu.vector_store %arg7[%swap3A_21, %swap3A_22], %swap3A_25 {strides = array<i32>} : memref<2x128xi32, #tpu.memory_space<vmem>>, vector<1x16xi32>,
    %get3A_26 = arith.constant 0 : i32
    %get3A_27 = arith.index_cast %get3A_26 : i32 to index
    %get3A_28 = arith.constant 32 : index
    %get3A_29 = tpu.vector_load %arg6[%get3A_27, %get3A_28] {strides = array<i32>} : memref<2x128xi32, #tpu.memory_space<vmem>>, vector<1x16xi32>,
    %get3A_30 = vector.shape_cast %get3A_29 : vector<1x16xi32> to vector<16xi32>
    %broadcast_in_dim3A_31 = arith.constant 10240 : i32
    %broadcast_in_dim3A_32 = vector.broadcast %broadcast_in_dim3A_31 : i32 to vector<16xi32>
    %add3A_33 = arith.addi %get3A_30, %broadcast_in_dim3A_32 : vector<16xi32>
    %swap3A_34 = arith.constant 0 : i32
    %swap3A_35 = arith.index_cast %swap3A_34 : i32 to index
    %swap3A_36 = arith.constant 32 : index
    %swap3A_37 = tpu.vector_load %arg7[%swap3A_35, %swap3A_36] {strides = array<i32>} : memref<2x128xi32, #tpu.memory_space<vmem>>, vector<1x16xi32>,
    %swap3A_38 = vector.shape_cast %swap3A_37 : vector<1x16xi32> to vector<16xi32>
    %swap3A_39 = vector.shape_cast %add3A_33 : vector<16xi32> to vector<1x16xi32>
    tpu.vector_store %arg7[%swap3A_35, %swap3A_36], %swap3A_39 {strides = array<i32>} : memref<2x128xi32, #tpu.memory_space<vmem>>, vector<1x16xi32>,
    %get3A_40 = arith.constant 0 : i32
    %get3A_41 = arith.index_cast %get3A_40 : i32 to index
    %get3A_42 = arith.constant 48 : index
    %get3A_43 = tpu.vector_load %arg6[%get3A_41, %get3A_42] {strides = array<i32>} : memref<2x128xi32, #tpu.memory_space<vmem>>, vector<1x16xi32>,
    %get3A_44 = vector.shape_cast %get3A_43 : vector<1x16xi32> to vector<16xi32>
    %broadcast_in_dim3A_45 = arith.constant 10240 : i32
    %broadcast_in_dim3A_46 = vector.broadcast %broadcast_in_dim3A_45 : i32 to vector<16xi32>
    %add3A_47 = arith.addi %get3A_44, %broadcast_in_dim3A_46 : vector<16xi32>
    %swap3A_48 = arith.constant 0 : i32
    %swap3A_49 = arith.index_cast %swap3A_48 : i32 to index
    %swap3A_50 = arith.constant 48 : index
    %swap3A_51 = tpu.vector_load %arg7[%swap3A_49, %swap3A_50] {strides = array<i32>} : memref<2x128xi32, #tpu.memory_space<vmem>>, vector<1x16xi32>,
    %swap3A_52 = vector.shape_cast %swap3A_51 : vector<1x16xi32> to vector<16xi32>
    %swap3A_53 = vector.shape_cast %add3A_47 : vector<16xi32> to vector<1x16xi32>
    tpu.vector_store %arg7[%swap3A_49, %swap3A_50], %swap3A_53 {strides = array<i32>} : memref<2x128xi32, #tpu.memory_space<vmem>>, vector<1x16xi32>,
    %get3A_54 = arith.constant 0 : i32
    %get3A_55 = arith.index_cast %get3A_54 : i32 to index
    %get3A_56 = arith.constant 64 : index
    %get3A_57 = tpu.vector_load %arg6[%get3A_55, %get3A_56] {strides = array<i32>} : memref<2x128xi32, #tpu.memory_space<vmem>>, vector<1x16xi32>,
    %get3A_58 = vector.shape_cast %get3A_57 : vector<1x16xi32> to vector<16xi32>
    %broadcast_in_dim3A_59 = arith.constant 10240 : i32
    %broadcast_in_dim3A_60 = vector.broadcast %broadcast_in_dim3A_59 : i32 to vector<16xi32>
    %add3A_61 = arith.addi %get3A_58, %broadcast_in_dim3A_60 : vector<16xi32>
    %swap3A_62 = arith.constant 0 : i32
    %swap3A_63 = arith.index_cast %swap3A_62 : i32 to index
    %swap3A_64 = arith.constant 64 : index
    %swap3A_65 = tpu.vector_load %arg7[%swap3A_63, %swap3A_64] {strides = array<i32>} : memref<2x128xi32, #tpu.memory_space<vmem>>, vector<1x16xi32>,
    %swap3A_66 = vector.shape_cast %swap3A_65 : vector<1x16xi32> to vector<16xi32>
    %swap3A_67 = vector.shape_cast %add3A_61 : vector<16xi32> to vector<1x16xi32>
    tpu.vector_store %arg7[%swap3A_63, %swap3A_64], %swap3A_67 {strides = array<i32>} : memref<2x128xi32, #tpu.memory_space<vmem>>, vector<1x16xi32>,
    %get3A_68 = arith.constant 0 : i32
    %get3A_69 = arith.index_cast %get3A_68 : i32 to index
    %get3A_70 = arith.constant 80 : index
    %get3A_71 = tpu.vector_load %arg6[%get3A_69, %get3A_70] {strides = array<i32>} : memref<2x128xi32, #tpu.memory_space<vmem>>, vector<1x16xi32>,
    %get3A_72 = vector.shape_cast %get3A_71 : vector<1x16xi32> to vector<16xi32>
    %broadcast_in_dim3A_73 = arith.constant 10240 : i32
    %broadcast_in_dim3A_74 = vector.broadcast %broadcast_in_dim3A_73 : i32 to vector<16xi32>
    %add3A_75 = arith.addi %get3A_72, %broadcast_in_dim3A_74 : vector<16xi32>
    %swap3A_76 = arith.constant 0 : i32
    %swap3A_77 = arith.index_cast %swap3A_76 : i32 to index
    %swap3A_78 = arith.constant 80 : index
    %swap3A_79 = tpu.vector_load %arg7[%swap3A_77, %swap3A_78] {strides = array<i32>} : memref<2x128xi32, #tpu.memory_space<vmem>>, vector<1x16xi32>,
    %swap3A_80 = vector.shape_cast %swap3A_79 : vector<1x16xi32> to vector<16xi32>
    %swap3A_81 = vector.shape_cast %add3A_75 : vector<16xi32> to vector<1x16xi32>
    tpu.vector_store %arg7[%swap3A_77, %swap3A_78], %swap3A_81 {strides = array<i32>} : memref<2x128xi32, #tpu.memory_space<vmem>>, vector<1x16xi32>,
    %get3A_82 = arith.constant 0 : i32
    %get3A_83 = arith.index_cast %get3A_82 : i32 to index
    %get3A_84 = arith.constant 96 : index
    %get3A_85 = tpu.vector_load %arg6[%get3A_83, %get3A_84] {strides = array<i32>} : memref<2x128xi32, #tpu.memory_space<vmem>>, vector<1x16xi32>,
    %get3A_86 = vector.shape_cast %get3A_85 : vector<1x16xi32> to vector<16xi32>
    %broadcast_in_dim3A_87 = arith.constant 10240 : i32
    %broadcast_in_dim3A_88 = vector.broadcast %broadcast_in_dim3A_87 : i32 to vector<16xi32>
    %add3A_89 = arith.addi %get3A_86, %broadcast_in_dim3A_88 : vector<16xi32>
    %swap3A_90 = arith.constant 0 : i32
    %swap3A_91 = arith.index_cast %swap3A_90 : i32 to index
    %swap3A_92 = arith.constant 96 : index
    %swap3A_93 = tpu.vector_load %arg7[%swap3A_91, %swap3A_92] {strides = array<i32>} : memref<2x128xi32, #tpu.memory_space<vmem>>, vector<1x16xi32>,
    %swap3A_94 = vector.shape_cast %swap3A_93 : vector<1x16xi32> to vector<16xi32>
    %swap3A_95 = vector.shape_cast %add3A_89 : vector<16xi32> to vector<1x16xi32>
    tpu.vector_store %arg7[%swap3A_91, %swap3A_92], %swap3A_95 {strides = array<i32>} : memref<2x128xi32, #tpu.memory_space<vmem>>, vector<1x16xi32>,
    %get3A_96 = arith.constant 0 : i32
    %get3A_97 = arith.index_cast %get3A_96 : i32 to index
    %get3A_98 = arith.constant 112 : index
    %get3A_99 = tpu.vector_load %arg6[%get3A_97, %get3A_98] {strides = array<i32>} : memref<2x128xi32, #tpu.memory_space<vmem>>, vector<1x16xi32>,
    %get3A_100 = vector.shape_cast %get3A_99 : vector<1x16xi32> to vector<16xi32>
    %broadcast_in_dim3A_101 = arith.constant 10240 : i32
    %broadcast_in_dim3A_102 = vector.broadcast %broadcast_in_dim3A_101 : i32 to vector<16xi32>
    %add3A_103 = arith.addi %get3A_100, %broadcast_in_dim3A_102 : vector<16xi32>
    %swap3A_104 = arith.constant 0 : i32
    %swap3A_105 = arith.index_cast %swap3A_104 : i32 to index
    %swap3A_106 = arith.constant 112 : index
    %swap3A_107 = tpu.vector_load %arg7[%swap3A_105, %swap3A_106] {strides = array<i32>} : memref<2x128xi32, #tpu.memory_space<vmem>>, vector<1x16xi32>,
    %swap3A_108 = vector.shape_cast %swap3A_107 : vector<1x16xi32> to vector<16xi32>
    %swap3A_109 = vector.shape_cast %add3A_103 : vector<16xi32> to vector<1x16xi32>
    tpu.vector_store %arg7[%swap3A_105, %swap3A_106], %swap3A_109 {strides = array<i32>} : memref<2x128xi32, #tpu.memory_space<vmem>>, vector<1x16xi32>,
    %get3A_110 = arith.constant 1 : i32
    %get3A_111 = arith.index_cast %get3A_110 : i32 to index
    %get3A_112 = arith.constant 0 : index
    %get3A_113 = tpu.vector_load %arg6[%get3A_111, %get3A_112] {strides = array<i32>} : memref<2x128xi32, #tpu.memory_space<vmem>>, vector<1x16xi32>,
    %get3A_114 = vector.shape_cast %get3A_113 : vector<1x16xi32> to vector<16xi32>
    %broadcast_in_dim3A_115 = arith.constant 10240 : i32
    %broadcast_in_dim3A_116 = vector.broadcast %broadcast_in_dim3A_115 : i32 to vector<16xi32>
    %add3A_117 = arith.addi %get3A_114, %broadcast_in_dim3A_116 : vector<16xi32>
    %swap3A_118 = arith.constant 1 : i32
    %swap3A_119 = arith.index_cast %swap3A_118 : i32 to index
    %swap3A_120 = arith.constant 0 : index
    %swap3A_121 = tpu.vector_load %arg7[%swap3A_119, %swap3A_120] {strides = array<i32>} : memref<2x128xi32, #tpu.memory_space<vmem>>, vector<1x16xi32>,
    %swap3A_122 = vector.shape_cast %swap3A_121 : vector<1x16xi32> to vector<16xi32>
    %swap3A_123 = vector.shape_cast %add3A_117 : vector<16xi32> to vector<1x16xi32>
    tpu.vector_store %arg7[%swap3A_119, %swap3A_120], %swap3A_123 {strides = array<i32>} : memref<2x128xi32, #tpu.memory_space<vmem>>, vector<1x16xi32>,
    %get3A_124 = arith.constant 1 : i32
    %get3A_125 = arith.index_cast %get3A_124 : i32 to index
    %get3A_126 = arith.constant 16 : index
    %get3A_127 = tpu.vector_load %arg6[%get3A_125, %get3A_126] {strides = array<i32>} : memref<2x128xi32, #tpu.memory_space<vmem>>, vector<1x16xi32>,
    %get3A_128 = vector.shape_cast %get3A_127 : vector<1x16xi32> to vector<16xi32>
    %broadcast_in_dim3A_129 = arith.constant 10240 : i32
    %broadcast_in_dim3A_130 = vector.broadcast %broadcast_in_dim3A_129 : i32 to vector<16xi32>
    %add3A_131 = arith.addi %get3A_128, %broadcast_in_dim3A_130 : vector<16xi32>
    %swap3A_132 = arith.constant 1 : i32
    %swap3A_133 = arith.index_cast %swap3A_132 : i32 to index
    %swap3A_134 = arith.constant 16 : index
    %swap3A_135 = tpu.vector_load %arg7[%swap3A_133, %swap3A_134] {strides = array<i32>} : memref<2x128xi32, #tpu.memory_space<vmem>>, vector<1x16xi32>,
    %swap3A_136 = vector.shape_cast %swap3A_135 : vector<1x16xi32> to vector<16xi32>
    %swap3A_137 = vector.shape_cast %add3A_131 : vector<16xi32> to vector<1x16xi32>
    tpu.vector_store %arg7[%swap3A_133, %swap3A_134], %swap3A_137 {strides = array<i32>} : memref<2x128xi32, #tpu.memory_space<vmem>>, vector<1x16xi32>,
    %get3A_138 = arith.constant 1 : i32
    %get3A_139 = arith.index_cast %get3A_138 : i32 to index
    %get3A_140 = arith.constant 32 : index
    %get3A_141 = tpu.vector_load %arg6[%get3A_139, %get3A_140] {strides = array<i32>} : memref<2x128xi32, #tpu.memory_space<vmem>>, vector<1x16xi32>,
    %get3A_142 = vector.shape_cast %get3A_141 : vector<1x16xi32> to vector<16xi32>
    %broadcast_in_dim3A_143 = arith.constant 10240 : i32
    %broadcast_in_dim3A_144 = vector.broadcast %broadcast_in_dim3A_143 : i32 to vector<16xi32>
    %add3A_145 = arith.addi %get3A_142, %broadcast_in_dim3A_144 : vector<16xi32>
    %swap3A_146 = arith.constant 1 : i32
    %swap3A_147 = arith.index_cast %swap3A_146 : i32 to index
    %swap3A_148 = arith.constant 32 : index
    %swap3A_149 = tpu.vector_load %arg7[%swap3A_147, %swap3A_148] {strides = array<i32>} : memref<2x128xi32, #tpu.memory_space<vmem>>, vector<1x16xi32>,
    %swap3A_150 = vector.shape_cast %swap3A_149 : vector<1x16xi32> to vector<16xi32>
    %swap3A_151 = vector.shape_cast %add3A_145 : vector<16xi32> to vector<1x16xi32>
    tpu.vector_store %arg7[%swap3A_147, %swap3A_148], %swap3A_151 {strides = array<i32>} : memref<2x128xi32, #tpu.memory_space<vmem>>, vector<1x16xi32>,
    %get3A_152 = arith.constant 1 : i32
    %get3A_153 = arith.index_cast %get3A_152 : i32 to index
    %get3A_154 = arith.constant 48 : index
    %get3A_155 = tpu.vector_load %arg6[%get3A_153, %get3A_154] {strides = array<i32>} : memref<2x128xi32, #tpu.memory_space<vmem>>, vector<1x16xi32>,
    %get3A_156 = vector.shape_cast %get3A_155 : vector<1x16xi32> to vector<16xi32>
    %broadcast_in_dim3A_157 = arith.constant 10240 : i32
    %broadcast_in_dim3A_158 = vector.broadcast %broadcast_in_dim3A_157 : i32 to vector<16xi32>
    %add3A_159 = arith.addi %get3A_156, %broadcast_in_dim3A_158 : vector<16xi32>
    %swap3A_160 = arith.constant 1 : i32
    %swap3A_161 = arith.index_cast %swap3A_160 : i32 to index
    %swap3A_162 = arith.constant 48 : index
    %swap3A_163 = tpu.vector_load %arg7[%swap3A_161, %swap3A_162] {strides = array<i32>} : memref<2x128xi32, #tpu.memory_space<vmem>>, vector<1x16xi32>,
    %swap3A_164 = vector.shape_cast %swap3A_163 : vector<1x16xi32> to vector<16xi32>
    %swap3A_165 = vector.shape_cast %add3A_159 : vector<16xi32> to vector<1x16xi32>
    tpu.vector_store %arg7[%swap3A_161, %swap3A_162], %swap3A_165 {strides = array<i32>} : memref<2x128xi32, #tpu.memory_space<vmem>>, vector<1x16xi32>,
    %get3A_166 = arith.constant 1 : i32
    %get3A_167 = arith.index_cast %get3A_166 : i32 to index
    %get3A_168 = arith.constant 64 : index
    %get3A_169 = tpu.vector_load %arg6[%get3A_167, %get3A_168] {strides = array<i32>} : memref<2x128xi32, #tpu.memory_space<vmem>>, vector<1x16xi32>,
    %get3A_170 = vector.shape_cast %get3A_169 : vector<1x16xi32> to vector<16xi32>
    %broadcast_in_dim3A_171 = arith.constant 10240 : i32
    %broadcast_in_dim3A_172 = vector.broadcast %broadcast_in_dim3A_171 : i32 to vector<16xi32>
    %add3A_173 = arith.addi %get3A_170, %broadcast_in_dim3A_172 : vector<16xi32>
    %swap3A_174 = arith.constant 1 : i32
    %swap3A_175 = arith.index_cast %swap3A_174 : i32 to index
    %swap3A_176 = arith.constant 64 : index
    %swap3A_177 = tpu.vector_load %arg7[%swap3A_175, %swap3A_176] {strides = array<i32>} : memref<2x128xi32, #tpu.memory_space<vmem>>, vector<1x16xi32>,
    %swap3A_178 = vector.shape_cast %swap3A_177 : vector<1x16xi32> to vector<16xi32>
    %swap3A_179 = vector.shape_cast %add3A_173 : vector<16xi32> to vector<1x16xi32>
    tpu.vector_store %arg7[%swap3A_175, %swap3A_176], %swap3A_179 {strides = array<i32>} : memref<2x128xi32, #tpu.memory_space<vmem>>, vector<1x16xi32>,
    %get3A_180 = arith.constant 1 : i32
    %get3A_181 = arith.index_cast %get3A_180 : i32 to index
    %get3A_182 = arith.constant 80 : index
    %get3A_183 = tpu.vector_load %arg6[%get3A_181, %get3A_182] {strides = array<i32>} : memref<2x128xi32, #tpu.memory_space<vmem>>, vector<1x16xi32>,
    %get3A_184 = vector.shape_cast %get3A_183 : vector<1x16xi32> to vector<16xi32>
    %broadcast_in_dim3A_185 = arith.constant 10240 : i32
    %broadcast_in_dim3A_186 = vector.broadcast %broadcast_in_dim3A_185 : i32 to vector<16xi32>
    %add3A_187 = arith.addi %get3A_184, %broadcast_in_dim3A_186 : vector<16xi32>
    %swap3A_188 = arith.constant 1 : i32
    %swap3A_189 = arith.index_cast %swap3A_188 : i32 to index
    %swap3A_190 = arith.constant 80 : index
    %swap3A_191 = tpu.vector_load %arg7[%swap3A_189, %swap3A_190] {strides = array<i32>} : memref<2x128xi32, #tpu.memory_space<vmem>>, vector<1x16xi32>,
    %swap3A_192 = vector.shape_cast %swap3A_191 : vector<1x16xi32> to vector<16xi32>
    %swap3A_193 = vector.shape_cast %add3A_187 : vector<16xi32> to vector<1x16xi32>
    tpu.vector_store %arg7[%swap3A_189, %swap3A_190], %swap3A_193 {strides = array<i32>} : memref<2x128xi32, #tpu.memory_space<vmem>>, vector<1x16xi32>,
    %get3A_194 = arith.constant 1 : i32
    %get3A_195 = arith.index_cast %get3A_194 : i32 to index
    %get3A_196 = arith.constant 96 : index
    %get3A_197 = tpu.vector_load %arg6[%get3A_195, %get3A_196] {strides = array<i32>} : memref<2x128xi32, #tpu.memory_space<vmem>>, vector<1x16xi32>,
    %get3A_198 = vector.shape_cast %get3A_197 : vector<1x16xi32> to vector<16xi32>
    %broadcast_in_dim3A_199 = arith.constant 10240 : i32
    %broadcast_in_dim3A_200 = vector.broadcast %broadcast_in_dim3A_199 : i32 to vector<16xi32>
    %add3A_201 = arith.addi %get3A_198, %broadcast_in_dim3A_200 : vector<16xi32>
    %swap3A_202 = arith.constant 1 : i32
    %swap3A_203 = arith.index_cast %swap3A_202 : i32 to index
    %swap3A_204 = arith.constant 96 : index
    %swap3A_205 = tpu.vector_load %arg7[%swap3A_203, %swap3A_204] {strides = array<i32>} : memref<2x128xi32, #tpu.memory_space<vmem>>, vector<1x16xi32>,
    %swap3A_206 = vector.shape_cast %swap3A_205 : vector<1x16xi32> to vector<16xi32>
    %swap3A_207 = vector.shape_cast %add3A_201 : vector<16xi32> to vector<1x16xi32>
    tpu.vector_store %arg7[%swap3A_203, %swap3A_204], %swap3A_207 {strides = array<i32>} : memref<2x128xi32, #tpu.memory_space<vmem>>, vector<1x16xi32>,
    %get3A_208 = arith.constant 1 : i32
    %get3A_209 = arith.index_cast %get3A_208 : i32 to index
    %get3A_210 = arith.constant 112 : index
    %get3A_211 = tpu.vector_load %arg6[%get3A_209, %get3A_210] {strides = array<i32>} : memref<2x128xi32, #tpu.memory_space<vmem>>, vector<1x16xi32>,
    %get3A_212 = vector.shape_cast %get3A_211 : vector<1x16xi32> to vector<16xi32>
    %broadcast_in_dim3A_213 = arith.constant 10240 : i32
    %broadcast_in_dim3A_214 = vector.broadcast %broadcast_in_dim3A_213 : i32 to vector<16xi32>
    %add3A_215 = arith.addi %get3A_212, %broadcast_in_dim3A_214 : vector<16xi32>
    %swap3A_216 = arith.constant 1 : i32
    %swap3A_217 = arith.index_cast %swap3A_216 : i32 to index
    %swap3A_218 = arith.constant 112 : index
    %swap3A_219 = tpu.vector_load %arg7[%swap3A_217, %swap3A_218] {strides = array<i32>} : memref<2x128xi32, #tpu.memory_space<vmem>>, vector<1x16xi32>,
    %swap3A_220 = vector.shape_cast %swap3A_219 : vector<1x16xi32> to vector<16xi32>
    %swap3A_221 = vector.shape_cast %add3A_215 : vector<16xi32> to vector<1x16xi32>
    tpu.vector_store %arg7[%swap3A_217, %swap3A_218], %swap3A_221 {strides = array<i32>} : memref<2x128xi32, #tpu.memory_space<vmem>>, vector<1x16xi32>,
    %dma_start3A = arith.constant 0 : i32
    %dma_start3A_222 = arith.constant 0 : i32
    %dma_start3A_223 = tpu.memref_slice %arg6[%dma_start3A, %dma_start3A_222] : memref<2x128xi32, #tpu.memory_space<vmem>> -> memref<1x128xi32, #tpu.memory_space<vmem>>
    %dma_start3A_224 = tpu.memref_squeeze %dma_start3A_223 : memref<1x128xi32, #tpu.memory_space<vmem>> -> memref<128xi32, #tpu.memory_space<vmem>>
    %dma_start3A_225 = arith.constant 0 : i32
    %dma_start3A_226 = arith.constant 0 : i32
    %dma_start3A_227 = tpu.memref_slice %arg2[%dma_start3A_225, %dma_start3A_226] : memref<20480x128xf32, #tpu.memory_space<hbm>> -> memref<20480x128xf32, #tpu.memory_space<hbm>>
    tpu.enqueue_indirect_dma source(%dma_start3A_227 : memref<20480x128xf32, #tpu.memory_space<hbm>>) target(%arg8 : memref<128x128xf32, #tpu.memory_space<vmem>>) offsets(%dma_start3A_224 : memref<128xi32, #tpu.memory_space<vmem>>) semaphore(%arg11 : memref<!tpu.dma_semaphore, #tpu.memory_space<semaphore_mem>>)
    %dma_start3A_228 = arith.constant 0 : i32
    %dma_start3A_229 = arith.constant 0 : i32
    %dma_start3A_230 = tpu.memref_slice %arg7[%dma_start3A_228, %dma_start3A_229] : memref<2x128xi32, #tpu.memory_space<vmem>> -> memref<1x128xi32, #tpu.memory_space<vmem>>
    %dma_start3A_231 = tpu.memref_squeeze %dma_start3A_230 : memref<1x128xi32, #tpu.memory_space<vmem>> -> memref<128xi32, #tpu.memory_space<vmem>>
    %dma_start3A_232 = arith.constant 0 : i32
    %dma_start3A_233 = arith.constant 0 : i32
    %dma_start3A_234 = tpu.memref_slice %arg2[%dma_start3A_232, %dma_start3A_233] : memref<20480x128xf32, #tpu.memory_space<hbm>> -> memref<20480x128xf32, #tpu.memory_space<hbm>>
    tpu.enqueue_indirect_dma source(%dma_start3A_234 : memref<20480x128xf32, #tpu.memory_space<hbm>>) target(%arg9 : memref<128x128xf32, #tpu.memory_space<vmem>>) offsets(%dma_start3A_231 : memref<128xi32, #tpu.memory_space<vmem>>) semaphore(%arg12 : memref<!tpu.dma_semaphore, #tpu.memory_space<semaphore_mem>>)
    %dma_start3A_235 = arith.constant 0 : i32
    %dma_start3A_236 = arith.constant 0 : i32
    %dma_start3A_237 = tpu.memref_slice %arg6[%dma_start3A_235, %dma_start3A_236] : memref<2x128xi32, #tpu.memory_space<vmem>> -> memref<1x128xi32, #tpu.memory_space<vmem>>
    %dma_start3A_238 = tpu.memref_squeeze %dma_start3A_237 : memref<1x128xi32, #tpu.memory_space<vmem>> -> memref<128xi32, #tpu.memory_space<vmem>>
    %dma_start3A_239 = arith.constant 0 : i32
    %dma_start3A_240 = arith.constant 0 : i32
    %dma_start3A_241 = tpu.memref_slice %arg3[%dma_start3A_239, %dma_start3A_240] : memref<10000x128xf32, #tpu.memory_space<hbm>> -> memref<10000x128xf32, #tpu.memory_space<hbm>>
    tpu.enqueue_indirect_dma source(%dma_start3A_241 : memref<10000x128xf32, #tpu.memory_space<hbm>>) target(%arg10 : memref<128x128xf32, #tpu.memory_space<vmem>>) offsets(%dma_start3A_238 : memref<128xi32, #tpu.memory_space<vmem>>) semaphore(%arg13 : memref<!tpu.dma_semaphore, #tpu.memory_space<semaphore_mem>>)
    %dma_wait3A = arith.constant 0 : i32
    %dma_wait3A_242 = arith.constant 0 : i32
    %dma_wait3A_243 = tpu.memref_slice %arg6[%dma_wait3A, %dma_wait3A_242] : memref<2x128xi32, #tpu.memory_space<vmem>> -> memref<1x128xi32, #tpu.memory_space<vmem>>
    %dma_wait3A_244 = tpu.memref_squeeze %dma_wait3A_243 : memref<1x128xi32, #tpu.memory_space<vmem>> -> memref<128xi32, #tpu.memory_space<vmem>>
    %dma_wait3A_245 = arith.constant 0 : i32
    %dma_wait3A_246 = arith.constant 0 : i32
    %dma_wait3A_247 = tpu.memref_slice %arg2[%dma_wait3A_245, %dma_wait3A_246] : memref<20480x128xf32, #tpu.memory_space<hbm>> -> memref<20480x128xf32, #tpu.memory_space<hbm>>
    tpu.wait_indirect_dma semaphore(%arg11 : memref<!tpu.dma_semaphore, #tpu.memory_space<semaphore_mem>>) src(%dma_wait3A_247 : memref<20480x128xf32, #tpu.memory_space<hbm>>) dst(%arg8 : memref<128x128xf32, #tpu.memory_space<vmem>>)
    %dma_wait3A_248 = arith.constant 0 : i32
    %dma_wait3A_249 = arith.constant 0 : i32
    %dma_wait3A_250 = tpu.memref_slice %arg7[%dma_wait3A_248, %dma_wait3A_249] : memref<2x128xi32, #tpu.memory_space<vmem>> -> memref<1x128xi32, #tpu.memory_space<vmem>>
    %dma_wait3A_251 = tpu.memref_squeeze %dma_wait3A_250 : memref<1x128xi32, #tpu.memory_space<vmem>> -> memref<128xi32, #tpu.memory_space<vmem>>
    %dma_wait3A_252 = arith.constant 0 : i32
    %dma_wait3A_253 = arith.constant 0 : i32
    %dma_wait3A_254 = tpu.memref_slice %arg2[%dma_wait3A_252, %dma_wait3A_253] : memref<20480x128xf32, #tpu.memory_space<hbm>> -> memref<20480x128xf32, #tpu.memory_space<hbm>>
    tpu.wait_indirect_dma semaphore(%arg12 : memref<!tpu.dma_semaphore, #tpu.memory_space<semaphore_mem>>) src(%dma_wait3A_254 : memref<20480x128xf32, #tpu.memory_space<hbm>>) dst(%arg9 : memref<128x128xf32, #tpu.memory_space<vmem>>)
    %dma_wait3A_255 = arith.constant 0 : i32
    %dma_wait3A_256 = arith.constant 0 : i32
    %dma_wait3A_257 = tpu.memref_slice %arg6[%dma_wait3A_255, %dma_wait3A_256] : memref<2x128xi32, #tpu.memory_space<vmem>> -> memref<1x128xi32, #tpu.memory_space<vmem>>
    %dma_wait3A_258 = tpu.memref_squeeze %dma_wait3A_257 : memref<1x128xi32, #tpu.memory_space<vmem>> -> memref<128xi32, #tpu.memory_space<vmem>>
    %dma_wait3A_259 = arith.constant 0 : i32
    %dma_wait3A_260 = arith.constant 0 : i32
    %dma_wait3A_261 = tpu.memref_slice %arg3[%dma_wait3A_259, %dma_wait3A_260] : memref<10000x128xf32, #tpu.memory_space<hbm>> -> memref<10000x128xf32, #tpu.memory_space<hbm>>
    tpu.wait_indirect_dma semaphore(%arg13 : memref<!tpu.dma_semaphore, #tpu.memory_space<semaphore_mem>>) src(%dma_wait3A_261 : memref<10000x128xf32, #tpu.memory_space<hbm>>) dst(%arg10 : memref<128x128xf32, #tpu.memory_space<vmem>>)
    %scan3A = arith.constant 0 : i32
    %scan3A_262 = arith.constant 0 : i32
    %scan3A_263 = arith.constant 128 : i32
    %scan3A_264 = arith.addi %scan3A_262, %scan3A_263 : i32
    %scan3A_265 = arith.constant 1 : i32
    %scan3A_266 = scf.for %scan3A_329 = %scan3A_262 to %scan3A_264 step %scan3A_265 iter_args(%scan3A_330 = %scan3A) -> (i32)  : i32 {
      %get3A_331 = arith.index_cast %scan3A_329 : i32 to index
      %get3A_332 = arith.constant 0 : index
      %get3A_333 = tpu.vector_load %arg8[%get3A_331, %get3A_332] {strides = array<i32>} : memref<128x128xf32, #tpu.memory_space<vmem>>, vector<1x16xf32>,
      %get3A_334 = vector.shape_cast %get3A_333 : vector<1x16xf32> to vector<16xf32>
      %get3A_335 = arith.index_cast %scan3A_329 : i32 to index
      %get3A_336 = arith.constant 0 : index
      %get3A_337 = tpu.vector_load %arg9[%get3A_335, %get3A_336] {strides = array<i32>} : memref<128x128xf32, #tpu.memory_space<vmem>>, vector<1x16xf32>,
      %get3A_338 = vector.shape_cast %get3A_337 : vector<1x16xf32> to vector<16xf32>
      %add3A_339 = arith.addf %get3A_334, %get3A_338 : vector<16xf32>
      %get3A_340 = arith.index_cast %scan3A_329 : i32 to index
      %get3A_341 = arith.constant 0 : index
      %get3A_342 = tpu.vector_load %arg10[%get3A_340, %get3A_341] {strides = array<i32>} : memref<128x128xf32, #tpu.memory_space<vmem>>, vector<1x16xf32>,
      %get3A_343 = vector.shape_cast %get3A_342 : vector<1x16xf32> to vector<16xf32>
      %add3A_344 = arith.addf %add3A_339, %get3A_343 : vector<16xf32>
      %swap3A_345 = arith.index_cast %scan3A_329 : i32 to index
      %swap3A_346 = arith.constant 0 : index
      %swap3A_347 = tpu.vector_load %arg8[%swap3A_345, %swap3A_346] {strides = array<i32>} : memref<128x128xf32, #tpu.memory_space<vmem>>, vector<1x16xf32>,
      %swap3A_348 = vector.shape_cast %swap3A_347 : vector<1x16xf32> to vector<16xf32>
      %swap3A_349 = vector.shape_cast %add3A_344 : vector<16xf32> to vector<1x16xf32>
      tpu.vector_store %arg8[%swap3A_345, %swap3A_346], %swap3A_349 {strides = array<i32>} : memref<128x128xf32, #tpu.memory_space<vmem>>, vector<1x16xf32>,
      %get3A_350 = arith.index_cast %scan3A_329 : i32 to index
      %get3A_351 = arith.constant 16 : index
      %get3A_352 = tpu.vector_load %arg8[%get3A_350, %get3A_351] {strides = array<i32>} : memref<128x128xf32, #tpu.memory_space<vmem>>, vector<1x16xf32>,
      %get3A_353 = vector.shape_cast %get3A_352 : vector<1x16xf32> to vector<16xf32>
      %get3A_354 = arith.index_cast %scan3A_329 : i32 to index
      %get3A_355 = arith.constant 16 : index
      %get3A_356 = tpu.vector_load %arg9[%get3A_354, %get3A_355] {strides = array<i32>} : memref<128x128xf32, #tpu.memory_space<vmem>>, vector<1x16xf32>,
      %get3A_357 = vector.shape_cast %get3A_356 : vector<1x16xf32> to vector<16xf32>
      %add3A_358 = arith.addf %get3A_353, %get3A_357 : vector<16xf32>
      %get3A_359 = arith.index_cast %scan3A_329 : i32 to index
      %get3A_360 = arith.constant 16 : index
      %get3A_361 = tpu.vector_load %arg10[%get3A_359, %get3A_360] {strides = array<i32>} : memref<128x128xf32, #tpu.memory_space<vmem>>, vector<1x16xf32>,
      %get3A_362 = vector.shape_cast %get3A_361 : vector<1x16xf32> to vector<16xf32>
      %add3A_363 = arith.addf %add3A_358, %get3A_362 : vector<16xf32>
      %swap3A_364 = arith.index_cast %scan3A_329 : i32 to index
      %swap3A_365 = arith.constant 16 : index
      %swap3A_366 = tpu.vector_load %arg8[%swap3A_364, %swap3A_365] {strides = array<i32>} : memref<128x128xf32, #tpu.memory_space<vmem>>, vector<1x16xf32>,
      %swap3A_367 = vector.shape_cast %swap3A_366 : vector<1x16xf32> to vector<16xf32>
      %swap3A_368 = vector.shape_cast %add3A_363 : vector<16xf32> to vector<1x16xf32>
      tpu.vector_store %arg8[%swap3A_364, %swap3A_365], %swap3A_368 {strides = array<i32>} : memref<128x128xf32, #tpu.memory_space<vmem>>, vector<1x16xf32>,
      %get3A_369 = arith.index_cast %scan3A_329 : i32 to index
      %get3A_370 = arith.constant 32 : index
      %get3A_371 = tpu.vector_load %arg8[%get3A_369, %get3A_370] {strides = array<i32>} : memref<128x128xf32, #tpu.memory_space<vmem>>, vector<1x16xf32>,
      %get3A_372 = vector.shape_cast %get3A_371 : vector<1x16xf32> to vector<16xf32>
      %get3A_373 = arith.index_cast %scan3A_329 : i32 to index
      %get3A_374 = arith.constant 32 : index
      %get3A_375 = tpu.vector_load %arg9[%get3A_373, %get3A_374] {strides = array<i32>} : memref<128x128xf32, #tpu.memory_space<vmem>>, vector<1x16xf32>,
      %get3A_376 = vector.shape_cast %get3A_375 : vector<1x16xf32> to vector<16xf32>
      %add3A_377 = arith.addf %get3A_372, %get3A_376 : vector<16xf32>
      %get3A_378 = arith.index_cast %scan3A_329 : i32 to index
      %get3A_379 = arith.constant 32 : index
      %get3A_380 = tpu.vector_load %arg10[%get3A_378, %get3A_379] {strides = array<i32>} : memref<128x128xf32, #tpu.memory_space<vmem>>, vector<1x16xf32>,
      %get3A_381 = vector.shape_cast %get3A_380 : vector<1x16xf32> to vector<16xf32>
      %add3A_382 = arith.addf %add3A_377, %get3A_381 : vector<16xf32>
      %swap3A_383 = arith.index_cast %scan3A_329 : i32 to index
      %swap3A_384 = arith.constant 32 : index
      %swap3A_385 = tpu.vector_load %arg8[%swap3A_383, %swap3A_384] {strides = array<i32>} : memref<128x128xf32, #tpu.memory_space<vmem>>, vector<1x16xf32>,
      %swap3A_386 = vector.shape_cast %swap3A_385 : vector<1x16xf32> to vector<16xf32>
      %swap3A_387 = vector.shape_cast %add3A_382 : vector<16xf32> to vector<1x16xf32>
      tpu.vector_store %arg8[%swap3A_383, %swap3A_384], %swap3A_387 {strides = array<i32>} : memref<128x128xf32, #tpu.memory_space<vmem>>, vector<1x16xf32>,
      %get3A_388 = arith.index_cast %scan3A_329 : i32 to index
      %get3A_389 = arith.constant 48 : index
      %get3A_390 = tpu.vector_load %arg8[%get3A_388, %get3A_389] {strides = array<i32>} : memref<128x128xf32, #tpu.memory_space<vmem>>, vector<1x16xf32>,
      %get3A_391 = vector.shape_cast %get3A_390 : vector<1x16xf32> to vector<16xf32>
      %get3A_392 = arith.index_cast %scan3A_329 : i32 to index
      %get3A_393 = arith.constant 48 : index
      %get3A_394 = tpu.vector_load %arg9[%get3A_392, %get3A_393] {strides = array<i32>} : memref<128x128xf32, #tpu.memory_space<vmem>>, vector<1x16xf32>,
      %get3A_395 = vector.shape_cast %get3A_394 : vector<1x16xf32> to vector<16xf32>
      %add3A_396 = arith.addf %get3A_391, %get3A_395 : vector<16xf32>
      %get3A_397 = arith.index_cast %scan3A_329 : i32 to index
      %get3A_398 = arith.constant 48 : index
      %get3A_399 = tpu.vector_load %arg10[%get3A_397, %get3A_398] {strides = array<i32>} : memref<128x128xf32, #tpu.memory_space<vmem>>, vector<1x16xf32>,
      %get3A_400 = vector.shape_cast %get3A_399 : vector<1x16xf32> to vector<16xf32>
      %add3A_401 = arith.addf %add3A_396, %get3A_400 : vector<16xf32>
      %swap3A_402 = arith.index_cast %scan3A_329 : i32 to index
      %swap3A_403 = arith.constant 48 : index
      %swap3A_404 = tpu.vector_load %arg8[%swap3A_402, %swap3A_403] {strides = array<i32>} : memref<128x128xf32, #tpu.memory_space<vmem>>, vector<1x16xf32>,
      %swap3A_405 = vector.shape_cast %swap3A_404 : vector<1x16xf32> to vector<16xf32>
      %swap3A_406 = vector.shape_cast %add3A_401 : vector<16xf32> to vector<1x16xf32>
      tpu.vector_store %arg8[%swap3A_402, %swap3A_403], %swap3A_406 {strides = array<i32>} : memref<128x128xf32, #tpu.memory_space<vmem>>, vector<1x16xf32>,
      %get3A_407 = arith.index_cast %scan3A_329 : i32 to index
      %get3A_408 = arith.constant 64 : index
      %get3A_409 = tpu.vector_load %arg8[%get3A_407, %get3A_408] {strides = array<i32>} : memref<128x128xf32, #tpu.memory_space<vmem>>, vector<1x16xf32>,
      %get3A_410 = vector.shape_cast %get3A_409 : vector<1x16xf32> to vector<16xf32>
      %get3A_411 = arith.index_cast %scan3A_329 : i32 to index
      %get3A_412 = arith.constant 64 : index
      %get3A_413 = tpu.vector_load %arg9[%get3A_411, %get3A_412] {strides = array<i32>} : memref<128x128xf32, #tpu.memory_space<vmem>>, vector<1x16xf32>,
      %get3A_414 = vector.shape_cast %get3A_413 : vector<1x16xf32> to vector<16xf32>
      %add3A_415 = arith.addf %get3A_410, %get3A_414 : vector<16xf32>
      %get3A_416 = arith.index_cast %scan3A_329 : i32 to index
      %get3A_417 = arith.constant 64 : index
      %get3A_418 = tpu.vector_load %arg10[%get3A_416, %get3A_417] {strides = array<i32>} : memref<128x128xf32, #tpu.memory_space<vmem>>, vector<1x16xf32>,
      %get3A_419 = vector.shape_cast %get3A_418 : vector<1x16xf32> to vector<16xf32>
      %add3A_420 = arith.addf %add3A_415, %get3A_419 : vector<16xf32>
      %swap3A_421 = arith.index_cast %scan3A_329 : i32 to index
      %swap3A_422 = arith.constant 64 : index
      %swap3A_423 = tpu.vector_load %arg8[%swap3A_421, %swap3A_422] {strides = array<i32>} : memref<128x128xf32, #tpu.memory_space<vmem>>, vector<1x16xf32>,
      %swap3A_424 = vector.shape_cast %swap3A_423 : vector<1x16xf32> to vector<16xf32>
      %swap3A_425 = vector.shape_cast %add3A_420 : vector<16xf32> to vector<1x16xf32>
      tpu.vector_store %arg8[%swap3A_421, %swap3A_422], %swap3A_425 {strides = array<i32>} : memref<128x128xf32, #tpu.memory_space<vmem>>, vector<1x16xf32>,
      %get3A_426 = arith.index_cast %scan3A_329 : i32 to index
      %get3A_427 = arith.constant 80 : index
      %get3A_428 = tpu.vector_load %arg8[%get3A_426, %get3A_427] {strides = array<i32>} : memref<128x128xf32, #tpu.memory_space<vmem>>, vector<1x16xf32>,
      %get3A_429 = vector.shape_cast %get3A_428 : vector<1x16xf32> to vector<16xf32>
      %get3A_430 = arith.index_cast %scan3A_329 : i32 to index
      %get3A_431 = arith.constant 80 : index
      %get3A_432 = tpu.vector_load %arg9[%get3A_430, %get3A_431] {strides = array<i32>} : memref<128x128xf32, #tpu.memory_space<vmem>>, vector<1x16xf32>,
      %get3A_433 = vector.shape_cast %get3A_432 : vector<1x16xf32> to vector<16xf32>
      %add3A_434 = arith.addf %get3A_429, %get3A_433 : vector<16xf32>
      %get3A_435 = arith.index_cast %scan3A_329 : i32 to index
      %get3A_436 = arith.constant 80 : index
      %get3A_437 = tpu.vector_load %arg10[%get3A_435, %get3A_436] {strides = array<i32>} : memref<128x128xf32, #tpu.memory_space<vmem>>, vector<1x16xf32>,
      %get3A_438 = vector.shape_cast %get3A_437 : vector<1x16xf32> to vector<16xf32>
      %add3A_439 = arith.addf %add3A_434, %get3A_438 : vector<16xf32>
      %swap3A_440 = arith.index_cast %scan3A_329 : i32 to index
      %swap3A_441 = arith.constant 80 : index
      %swap3A_442 = tpu.vector_load %arg8[%swap3A_440, %swap3A_441] {strides = array<i32>} : memref<128x128xf32, #tpu.memory_space<vmem>>, vector<1x16xf32>,
      %swap3A_443 = vector.shape_cast %swap3A_442 : vector<1x16xf32> to vector<16xf32>
      %swap3A_444 = vector.shape_cast %add3A_439 : vector<16xf32> to vector<1x16xf32>
      tpu.vector_store %arg8[%swap3A_440, %swap3A_441], %swap3A_444 {strides = array<i32>} : memref<128x128xf32, #tpu.memory_space<vmem>>, vector<1x16xf32>,
      %get3A_445 = arith.index_cast %scan3A_329 : i32 to index
      %get3A_446 = arith.constant 96 : index
      %get3A_447 = tpu.vector_load %arg8[%get3A_445, %get3A_446] {strides = array<i32>} : memref<128x128xf32, #tpu.memory_space<vmem>>, vector<1x16xf32>,
      %get3A_448 = vector.shape_cast %get3A_447 : vector<1x16xf32> to vector<16xf32>
      %get3A_449 = arith.index_cast %scan3A_329 : i32 to index
      %get3A_450 = arith.constant 96 : index
      %get3A_451 = tpu.vector_load %arg9[%get3A_449, %get3A_450] {strides = array<i32>} : memref<128x128xf32, #tpu.memory_space<vmem>>, vector<1x16xf32>,
      %get3A_452 = vector.shape_cast %get3A_451 : vector<1x16xf32> to vector<16xf32>
      %add3A_453 = arith.addf %get3A_448, %get3A_452 : vector<16xf32>
      %get3A_454 = arith.index_cast %scan3A_329 : i32 to index
      %get3A_455 = arith.constant 96 : index
      %get3A_456 = tpu.vector_load %arg10[%get3A_454, %get3A_455] {strides = array<i32>} : memref<128x128xf32, #tpu.memory_space<vmem>>, vector<1x16xf32>,
      %get3A_457 = vector.shape_cast %get3A_456 : vector<1x16xf32> to vector<16xf32>
      %add3A_458 = arith.addf %add3A_453, %get3A_457 : vector<16xf32>
      %swap3A_459 = arith.index_cast %scan3A_329 : i32 to index
      %swap3A_460 = arith.constant 96 : index
      %swap3A_461 = tpu.vector_load %arg8[%swap3A_459, %swap3A_460] {strides = array<i32>} : memref<128x128xf32, #tpu.memory_space<vmem>>, vector<1x16xf32>,
      %swap3A_462 = vector.shape_cast %swap3A_461 : vector<1x16xf32> to vector<16xf32>
      %swap3A_463 = vector.shape_cast %add3A_458 : vector<16xf32> to vector<1x16xf32>
      tpu.vector_store %arg8[%swap3A_459, %swap3A_460], %swap3A_463 {strides = array<i32>} : memref<128x128xf32, #tpu.memory_space<vmem>>, vector<1x16xf32>,
      %get3A_464 = arith.index_cast %scan3A_329 : i32 to index
      %get3A_465 = arith.constant 112 : index
      %get3A_466 = tpu.vector_load %arg8[%get3A_464, %get3A_465] {strides = array<i32>} : memref<128x128xf32, #tpu.memory_space<vmem>>, vector<1x16xf32>,
      %get3A_467 = vector.shape_cast %get3A_466 : vector<1x16xf32> to vector<16xf32>
      %get3A_468 = arith.index_cast %scan3A_329 : i32 to index
      %get3A_469 = arith.constant 112 : index
      %get3A_470 = tpu.vector_load %arg9[%get3A_468, %get3A_469] {strides = array<i32>} : memref<128x128xf32, #tpu.memory_space<vmem>>, vector<1x16xf32>,
      %get3A_471 = vector.shape_cast %get3A_470 : vector<1x16xf32> to vector<16xf32>
      %add3A_472 = arith.addf %get3A_467, %get3A_471 : vector<16xf32>
      %get3A_473 = arith.index_cast %scan3A_329 : i32 to index
      %get3A_474 = arith.constant 112 : index
      %get3A_475 = tpu.vector_load %arg10[%get3A_473, %get3A_474] {strides = array<i32>} : memref<128x128xf32, #tpu.memory_space<vmem>>, vector<1x16xf32>,
      %get3A_476 = vector.shape_cast %get3A_475 : vector<1x16xf32> to vector<16xf32>
      %add3A_477 = arith.addf %add3A_472, %get3A_476 : vector<16xf32>
      %swap3A_478 = arith.index_cast %scan3A_329 : i32 to index
      %swap3A_479 = arith.constant 112 : index
      %swap3A_480 = tpu.vector_load %arg8[%swap3A_478, %swap3A_479] {strides = array<i32>} : memref<128x128xf32, #tpu.memory_space<vmem>>, vector<1x16xf32>,
      %swap3A_481 = vector.shape_cast %swap3A_480 : vector<1x16xf32> to vector<16xf32>
      %swap3A_482 = vector.shape_cast %add3A_477 : vector<16xf32> to vector<1x16xf32>
      tpu.vector_store %arg8[%swap3A_478, %swap3A_479], %swap3A_482 {strides = array<i32>} : memref<128x128xf32, #tpu.memory_space<vmem>>, vector<1x16xf32>,
      %scan3A_483 = arith.constant 0 : i32
      scf.yield %scan3A_483 : i32
    }
    %scan3A_267 = arith.constant 128 : i32
    %mul3A_268 = arith.constant 2 : i32
    %mul3A_269 = arith.muli %add3A, %mul3A_268 : i32
    %add3A_270 = arith.constant 0 : i32
    %add3A_271 = arith.addi %mul3A_269, %add3A_270 : i32
    %mul3A_272 = arith.constant 128 : i32
    %mul3A_273 = arith.muli %add3A_271, %mul3A_272 : i32
    "tpu.region"() ({
      %run_scoped3A = tpu.sem_alloc : memref<!tpu.dma_semaphore, #tpu.memory_space<semaphore_mem>>
      %dma_start3A_329 = arith.constant 0 : i32
      %dma_start3A_330 = tpu.memref_slice %arg5[%mul3A_273, %dma_start3A_329] : memref<8192x128xf32, #tpu.memory_space<hbm>> -> memref<128x128xf32, #tpu.memory_space<hbm>>
      %dma_start3A_331 = arith.constant 0 : i32
      %dma_start3A_332 = tpu.memref_slice %arg5[%mul3A_273, %dma_start3A_331] : memref<8192x128xf32, #tpu.memory_space<hbm>> -> memref<128x128xf32, #tpu.memory_space<hbm>>
      tpu.enqueue_dma source(%arg8 : memref<128x128xf32, #tpu.memory_space<vmem>>) target(%dma_start3A_332 : memref<128x128xf32, #tpu.memory_space<hbm>>) target_semaphore(%run_scoped3A : memref<!tpu.dma_semaphore, #tpu.memory_space<semaphore_mem>>)
      %dma_wait3A_333 = arith.constant 0 : i32
      %dma_wait3A_334 = tpu.memref_slice %arg5[%mul3A_273, %dma_wait3A_333] : memref<8192x128xf32, #tpu.memory_space<hbm>> -> memref<128x128xf32, #tpu.memory_space<hbm>>
      %dma_wait3A_335 = arith.constant 0 : i32
      %dma_wait3A_336 = tpu.memref_slice %arg5[%mul3A_273, %dma_wait3A_335] : memref<8192x128xf32, #tpu.memory_space<hbm>> -> memref<128x128xf32, #tpu.memory_space<hbm>>
      tpu.wait_dma2 semaphore(%run_scoped3A : memref<!tpu.dma_semaphore, #tpu.memory_space<semaphore_mem>>) src(%arg8 : memref<128x128xf32, #tpu.memory_space<vmem>>) dst(%dma_wait3A_336 : memref<128x128xf32, #tpu.memory_space<hbm>>)
      tpu.yield
    }) : () -> ()
    %dma_start3A_274 = arith.constant 1 : i32
    %dma_start3A_275 = arith.constant 0 : i32
    %dma_start3A_276 = tpu.memref_slice %arg6[%dma_start3A_274, %dma_start3A_275] : memref<2x128xi32, #tpu.memory_space<vmem>> -> memref<1x128xi32, #tpu.memory_space<vmem>>
    %dma_start3A_277 = tpu.memref_squeeze %dma_start3A_276 : memref<1x128xi32, #tpu.memory_space<vmem>> -> memref<128xi32, #tpu.memory_space<vmem>>
    %dma_start3A_278 = arith.constant 0 : i32
    %dma_start3A_279 = arith.constant 0 : i32
    %dma_start3A_280 = tpu.memref_slice %arg2[%dma_start3A_278, %dma_start3A_279] : memref<20480x128xf32, #tpu.memory_space<hbm>> -> memref<20480x128xf32, #tpu.memory_space<hbm>>
    tpu.enqueue_indirect_dma source(%dma_start3A_280 : memref<20480x128xf32, #tpu.memory_space<hbm>>) target(%arg8 : memref<128x128xf32, #tpu.memory_space<vmem>>) offsets(%dma_start3A_277 : memref<128xi32, #tpu.memory_space<vmem>>) semaphore(%arg11 : memref<!tpu.dma_semaphore, #tpu.memory_space<semaphore_mem>>)
    %dma_start3A_281 = arith.constant 1 : i32
    %dma_start3A_282 = arith.constant 0 : i32
    %dma_start3A_283 = tpu.memref_slice %arg7[%dma_start3A_281, %dma_start3A_282] : memref<2x128xi32, #tpu.memory_space<vmem>> -> memref<1x128xi32, #tpu.memory_space<vmem>>
    %dma_start3A_284 = tpu.memref_squeeze %dma_start3A_283 : memref<1x128xi32, #tpu.memory_space<vmem>> -> memref<128xi32, #tpu.memory_space<vmem>>
    %dma_start3A_285 = arith.constant 0 : i32
    %dma_start3A_286 = arith.constant 0 : i32
    %dma_start3A_287 = tpu.memref_slice %arg2[%dma_start3A_285, %dma_start3A_286] : memref<20480x128xf32, #tpu.memory_space<hbm>> -> memref<20480x128xf32, #tpu.memory_space<hbm>>
    tpu.enqueue_indirect_dma source(%dma_start3A_287 : memref<20480x128xf32, #tpu.memory_space<hbm>>) target(%arg9 : memref<128x128xf32, #tpu.memory_space<vmem>>) offsets(%dma_start3A_284 : memref<128xi32, #tpu.memory_space<vmem>>) semaphore(%arg12 : memref<!tpu.dma_semaphore, #tpu.memory_space<semaphore_mem>>)
    %dma_start3A_288 = arith.constant 1 : i32
    %dma_start3A_289 = arith.constant 0 : i32
    %dma_start3A_290 = tpu.memref_slice %arg6[%dma_start3A_288, %dma_start3A_289] : memref<2x128xi32, #tpu.memory_space<vmem>> -> memref<1x128xi32, #tpu.memory_space<vmem>>
    %dma_start3A_291 = tpu.memref_squeeze %dma_start3A_290 : memref<1x128xi32, #tpu.memory_space<vmem>> -> memref<128xi32, #tpu.memory_space<vmem>>
    %dma_start3A_292 = arith.constant 0 : i32
    %dma_start3A_293 = arith.constant 0 : i32
    %dma_start3A_294 = tpu.memref_slice %arg3[%dma_start3A_292, %dma_start3A_293] : memref<10000x128xf32, #tpu.memory_space<hbm>> -> memref<10000x128xf32, #tpu.memory_space<hbm>>
    tpu.enqueue_indirect_dma source(%dma_start3A_294 : memref<10000x128xf32, #tpu.memory_space<hbm>>) target(%arg10 : memref<128x128xf32, #tpu.memory_space<vmem>>) offsets(%dma_start3A_291 : memref<128xi32, #tpu.memory_space<vmem>>) semaphore(%arg13 : memref<!tpu.dma_semaphore, #tpu.memory_space<semaphore_mem>>)
    %dma_wait3A_295 = arith.constant 1 : i32
    %dma_wait3A_296 = arith.constant 0 : i32
    %dma_wait3A_297 = tpu.memref_slice %arg6[%dma_wait3A_295, %dma_wait3A_296] : memref<2x128xi32, #tpu.memory_space<vmem>> -> memref<1x128xi32, #tpu.memory_space<vmem>>
    %dma_wait3A_298 = tpu.memref_squeeze %dma_wait3A_297 : memref<1x128xi32, #tpu.memory_space<vmem>> -> memref<128xi32, #tpu.memory_space<vmem>>
    %dma_wait3A_299 = arith.constant 0 : i32
    %dma_wait3A_300 = arith.constant 0 : i32
    %dma_wait3A_301 = tpu.memref_slice %arg2[%dma_wait3A_299, %dma_wait3A_300] : memref<20480x128xf32, #tpu.memory_space<hbm>> -> memref<20480x128xf32, #tpu.memory_space<hbm>>
    tpu.wait_indirect_dma semaphore(%arg11 : memref<!tpu.dma_semaphore, #tpu.memory_space<semaphore_mem>>) src(%dma_wait3A_301 : memref<20480x128xf32, #tpu.memory_space<hbm>>) dst(%arg8 : memref<128x128xf32, #tpu.memory_space<vmem>>)
    %dma_wait3A_302 = arith.constant 1 : i32
    %dma_wait3A_303 = arith.constant 0 : i32
    %dma_wait3A_304 = tpu.memref_slice %arg7[%dma_wait3A_302, %dma_wait3A_303] : memref<2x128xi32, #tpu.memory_space<vmem>> -> memref<1x128xi32, #tpu.memory_space<vmem>>
    %dma_wait3A_305 = tpu.memref_squeeze %dma_wait3A_304 : memref<1x128xi32, #tpu.memory_space<vmem>> -> memref<128xi32, #tpu.memory_space<vmem>>
    %dma_wait3A_306 = arith.constant 0 : i32
    %dma_wait3A_307 = arith.constant 0 : i32
    %dma_wait3A_308 = tpu.memref_slice %arg2[%dma_wait3A_306, %dma_wait3A_307] : memref<20480x128xf32, #tpu.memory_space<hbm>> -> memref<20480x128xf32, #tpu.memory_space<hbm>>
    tpu.wait_indirect_dma semaphore(%arg12 : memref<!tpu.dma_semaphore, #tpu.memory_space<semaphore_mem>>) src(%dma_wait3A_308 : memref<20480x128xf32, #tpu.memory_space<hbm>>) dst(%arg9 : memref<128x128xf32, #tpu.memory_space<vmem>>)
    %dma_wait3A_309 = arith.constant 1 : i32
    %dma_wait3A_310 = arith.constant 0 : i32
    %dma_wait3A_311 = tpu.memref_slice %arg6[%dma_wait3A_309, %dma_wait3A_310] : memref<2x128xi32, #tpu.memory_space<vmem>> -> memref<1x128xi32, #tpu.memory_space<vmem>>
    %dma_wait3A_312 = tpu.memref_squeeze %dma_wait3A_311 : memref<1x128xi32, #tpu.memory_space<vmem>> -> memref<128xi32, #tpu.memory_space<vmem>>
    %dma_wait3A_313 = arith.constant 0 : i32
    %dma_wait3A_314 = arith.constant 0 : i32
    %dma_wait3A_315 = tpu.memref_slice %arg3[%dma_wait3A_313, %dma_wait3A_314] : memref<10000x128xf32, #tpu.memory_space<hbm>> -> memref<10000x128xf32, #tpu.memory_space<hbm>>
    tpu.wait_indirect_dma semaphore(%arg13 : memref<!tpu.dma_semaphore, #tpu.memory_space<semaphore_mem>>) src(%dma_wait3A_315 : memref<10000x128xf32, #tpu.memory_space<hbm>>) dst(%arg10 : memref<128x128xf32, #tpu.memory_space<vmem>>)
    %scan3A_316 = arith.constant 0 : i32
    %scan3A_317 = arith.constant 0 : i32
    %scan3A_318 = arith.constant 128 : i32
    %scan3A_319 = arith.addi %scan3A_317, %scan3A_318 : i32
    %scan3A_320 = arith.constant 1 : i32
    %scan3A_321 = scf.for %scan3A_329 = %scan3A_317 to %scan3A_319 step %scan3A_320 iter_args(%scan3A_330 = %scan3A_316) -> (i32)  : i32 {
      %get3A_331 = arith.index_cast %scan3A_329 : i32 to index
      %get3A_332 = arith.constant 0 : index
      %get3A_333 = tpu.vector_load %arg8[%get3A_331, %get3A_332] {strides = array<i32>} : memref<128x128xf32, #tpu.memory_space<vmem>>, vector<1x16xf32>,
      %get3A_334 = vector.shape_cast %get3A_333 : vector<1x16xf32> to vector<16xf32>
      %get3A_335 = arith.index_cast %scan3A_329 : i32 to index
      %get3A_336 = arith.constant 0 : index
      %get3A_337 = tpu.vector_load %arg9[%get3A_335, %get3A_336] {strides = array<i32>} : memref<128x128xf32, #tpu.memory_space<vmem>>, vector<1x16xf32>,
      %get3A_338 = vector.shape_cast %get3A_337 : vector<1x16xf32> to vector<16xf32>
      %add3A_339 = arith.addf %get3A_334, %get3A_338 : vector<16xf32>
      %get3A_340 = arith.index_cast %scan3A_329 : i32 to index
      %get3A_341 = arith.constant 0 : index
      %get3A_342 = tpu.vector_load %arg10[%get3A_340, %get3A_341] {strides = array<i32>} : memref<128x128xf32, #tpu.memory_space<vmem>>, vector<1x16xf32>,
      %get3A_343 = vector.shape_cast %get3A_342 : vector<1x16xf32> to vector<16xf32>
      %add3A_344 = arith.addf %add3A_339, %get3A_343 : vector<16xf32>
      %swap3A_345 = arith.index_cast %scan3A_329 : i32 to index
      %swap3A_346 = arith.constant 0 : index
      %swap3A_347 = tpu.vector_load %arg8[%swap3A_345, %swap3A_346] {strides = array<i32>} : memref<128x128xf32, #tpu.memory_space<vmem>>, vector<1x16xf32>,
      %swap3A_348 = vector.shape_cast %swap3A_347 : vector<1x16xf32> to vector<16xf32>
      %swap3A_349 = vector.shape_cast %add3A_344 : vector<16xf32> to vector<1x16xf32>
      tpu.vector_store %arg8[%swap3A_345, %swap3A_346], %swap3A_349 {strides = array<i32>} : memref<128x128xf32, #tpu.memory_space<vmem>>, vector<1x16xf32>,
      %get3A_350 = arith.index_cast %scan3A_329 : i32 to index
      %get3A_351 = arith.constant 16 : index
      %get3A_352 = tpu.vector_load %arg8[%get3A_350, %get3A_351] {strides = array<i32>} : memref<128x128xf32, #tpu.memory_space<vmem>>, vector<1x16xf32>,
      %get3A_353 = vector.shape_cast %get3A_352 : vector<1x16xf32> to vector<16xf32>
      %get3A_354 = arith.index_cast %scan3A_329 : i32 to index
      %get3A_355 = arith.constant 16 : index
      %get3A_356 = tpu.vector_load %arg9[%get3A_354, %get3A_355] {strides = array<i32>} : memref<128x128xf32, #tpu.memory_space<vmem>>, vector<1x16xf32>,
      %get3A_357 = vector.shape_cast %get3A_356 : vector<1x16xf32> to vector<16xf32>
      %add3A_358 = arith.addf %get3A_353, %get3A_357 : vector<16xf32>
      %get3A_359 = arith.index_cast %scan3A_329 : i32 to index
      %get3A_360 = arith.constant 16 : index
      %get3A_361 = tpu.vector_load %arg10[%get3A_359, %get3A_360] {strides = array<i32>} : memref<128x128xf32, #tpu.memory_space<vmem>>, vector<1x16xf32>,
      %get3A_362 = vector.shape_cast %get3A_361 : vector<1x16xf32> to vector<16xf32>
      %add3A_363 = arith.addf %add3A_358, %get3A_362 : vector<16xf32>
      %swap3A_364 = arith.index_cast %scan3A_329 : i32 to index
      %swap3A_365 = arith.constant 16 : index
      %swap3A_366 = tpu.vector_load %arg8[%swap3A_364, %swap3A_365] {strides = array<i32>} : memref<128x128xf32, #tpu.memory_space<vmem>>, vector<1x16xf32>,
      %swap3A_367 = vector.shape_cast %swap3A_366 : vector<1x16xf32> to vector<16xf32>
      %swap3A_368 = vector.shape_cast %add3A_363 : vector<16xf32> to vector<1x16xf32>
      tpu.vector_store %arg8[%swap3A_364, %swap3A_365], %swap3A_368 {strides = array<i32>} : memref<128x128xf32, #tpu.memory_space<vmem>>, vector<1x16xf32>,
      %get3A_369 = arith.index_cast %scan3A_329 : i32 to index
      %get3A_370 = arith.constant 32 : index
      %get3A_371 = tpu.vector_load %arg8[%get3A_369, %get3A_370] {strides = array<i32>} : memref<128x128xf32, #tpu.memory_space<vmem>>, vector<1x16xf32>,
      %get3A_372 = vector.shape_cast %get3A_371 : vector<1x16xf32> to vector<16xf32>
      %get3A_373 = arith.index_cast %scan3A_329 : i32 to index
      %get3A_374 = arith.constant 32 : index
      %get3A_375 = tpu.vector_load %arg9[%get3A_373, %get3A_374] {strides = array<i32>} : memref<128x128xf32, #tpu.memory_space<vmem>>, vector<1x16xf32>,
      %get3A_376 = vector.shape_cast %get3A_375 : vector<1x16xf32> to vector<16xf32>
      %add3A_377 = arith.addf %get3A_372, %get3A_376 : vector<16xf32>
      %get3A_378 = arith.index_cast %scan3A_329 : i32 to index
      %get3A_379 = arith.constant 32 : index
      %get3A_380 = tpu.vector_load %arg10[%get3A_378, %get3A_379] {strides = array<i32>} : memref<128x128xf32, #tpu.memory_space<vmem>>, vector<1x16xf32>,
      %get3A_381 = vector.shape_cast %get3A_380 : vector<1x16xf32> to vector<16xf32>
      %add3A_382 = arith.addf %add3A_377, %get3A_381 : vector<16xf32>
      %swap3A_383 = arith.index_cast %scan3A_329 : i32 to index
      %swap3A_384 = arith.constant 32 : index
      %swap3A_385 = tpu.vector_load %arg8[%swap3A_383, %swap3A_384] {strides = array<i32>} : memref<128x128xf32, #tpu.memory_space<vmem>>, vector<1x16xf32>,
      %swap3A_386 = vector.shape_cast %swap3A_385 : vector<1x16xf32> to vector<16xf32>
      %swap3A_387 = vector.shape_cast %add3A_382 : vector<16xf32> to vector<1x16xf32>
      tpu.vector_store %arg8[%swap3A_383, %swap3A_384], %swap3A_387 {strides = array<i32>} : memref<128x128xf32, #tpu.memory_space<vmem>>, vector<1x16xf32>,
      %get3A_388 = arith.index_cast %scan3A_329 : i32 to index
      %get3A_389 = arith.constant 48 : index
      %get3A_390 = tpu.vector_load %arg8[%get3A_388, %get3A_389] {strides = array<i32>} : memref<128x128xf32, #tpu.memory_space<vmem>>, vector<1x16xf32>,
      %get3A_391 = vector.shape_cast %get3A_390 : vector<1x16xf32> to vector<16xf32>
      %get3A_392 = arith.index_cast %scan3A_329 : i32 to index
      %get3A_393 = arith.constant 48 : index
      %get3A_394 = tpu.vector_load %arg9[%get3A_392, %get3A_393] {strides = array<i32>} : memref<128x128xf32, #tpu.memory_space<vmem>>, vector<1x16xf32>,
      %get3A_395 = vector.shape_cast %get3A_394 : vector<1x16xf32> to vector<16xf32>
      %add3A_396 = arith.addf %get3A_391, %get3A_395 : vector<16xf32>
      %get3A_397 = arith.index_cast %scan3A_329 : i32 to index
      %get3A_398 = arith.constant 48 : index
      %get3A_399 = tpu.vector_load %arg10[%get3A_397, %get3A_398] {strides = array<i32>} : memref<128x128xf32, #tpu.memory_space<vmem>>, vector<1x16xf32>,
      %get3A_400 = vector.shape_cast %get3A_399 : vector<1x16xf32> to vector<16xf32>
      %add3A_401 = arith.addf %add3A_396, %get3A_400 : vector<16xf32>
      %swap3A_402 = arith.index_cast %scan3A_329 : i32 to index
      %swap3A_403 = arith.constant 48 : index
      %swap3A_404 = tpu.vector_load %arg8[%swap3A_402, %swap3A_403] {strides = array<i32>} : memref<128x128xf32, #tpu.memory_space<vmem>>, vector<1x16xf32>,
      %swap3A_405 = vector.shape_cast %swap3A_404 : vector<1x16xf32> to vector<16xf32>
      %swap3A_406 = vector.shape_cast %add3A_401 : vector<16xf32> to vector<1x16xf32>
      tpu.vector_store %arg8[%swap3A_402, %swap3A_403], %swap3A_406 {strides = array<i32>} : memref<128x128xf32, #tpu.memory_space<vmem>>, vector<1x16xf32>,
      %get3A_407 = arith.index_cast %scan3A_329 : i32 to index
      %get3A_408 = arith.constant 64 : index
      %get3A_409 = tpu.vector_load %arg8[%get3A_407, %get3A_408] {strides = array<i32>} : memref<128x128xf32, #tpu.memory_space<vmem>>, vector<1x16xf32>,
      %get3A_410 = vector.shape_cast %get3A_409 : vector<1x16xf32> to vector<16xf32>
      %get3A_411 = arith.index_cast %scan3A_329 : i32 to index
      %get3A_412 = arith.constant 64 : index
      %get3A_413 = tpu.vector_load %arg9[%get3A_411, %get3A_412] {strides = array<i32>} : memref<128x128xf32, #tpu.memory_space<vmem>>, vector<1x16xf32>,
      %get3A_414 = vector.shape_cast %get3A_413 : vector<1x16xf32> to vector<16xf32>
      %add3A_415 = arith.addf %get3A_410, %get3A_414 : vector<16xf32>
      %get3A_416 = arith.index_cast %scan3A_329 : i32 to index
      %get3A_417 = arith.constant 64 : index
      %get3A_418 = tpu.vector_load %arg10[%get3A_416, %get3A_417] {strides = array<i32>} : memref<128x128xf32, #tpu.memory_space<vmem>>, vector<1x16xf32>,
      %get3A_419 = vector.shape_cast %get3A_418 : vector<1x16xf32> to vector<16xf32>
      %add3A_420 = arith.addf %add3A_415, %get3A_419 : vector<16xf32>
      %swap3A_421 = arith.index_cast %scan3A_329 : i32 to index
      %swap3A_422 = arith.constant 64 : index
      %swap3A_423 = tpu.vector_load %arg8[%swap3A_421, %swap3A_422] {strides = array<i32>} : memref<128x128xf32, #tpu.memory_space<vmem>>, vector<1x16xf32>,
      %swap3A_424 = vector.shape_cast %swap3A_423 : vector<1x16xf32> to vector<16xf32>
      %swap3A_425 = vector.shape_cast %add3A_420 : vector<16xf32> to vector<1x16xf32>
      tpu.vector_store %arg8[%swap3A_421, %swap3A_422], %swap3A_425 {strides = array<i32>} : memref<128x128xf32, #tpu.memory_space<vmem>>, vector<1x16xf32>,
      %get3A_426 = arith.index_cast %scan3A_329 : i32 to index
      %get3A_427 = arith.constant 80 : index
      %get3A_428 = tpu.vector_load %arg8[%get3A_426, %get3A_427] {strides = array<i32>} : memref<128x128xf32, #tpu.memory_space<vmem>>, vector<1x16xf32>,
      %get3A_429 = vector.shape_cast %get3A_428 : vector<1x16xf32> to vector<16xf32>
      %get3A_430 = arith.index_cast %scan3A_329 : i32 to index
      %get3A_431 = arith.constant 80 : index
      %get3A_432 = tpu.vector_load %arg9[%get3A_430, %get3A_431] {strides = array<i32>} : memref<128x128xf32, #tpu.memory_space<vmem>>, vector<1x16xf32>,
      %get3A_433 = vector.shape_cast %get3A_432 : vector<1x16xf32> to vector<16xf32>
      %add3A_434 = arith.addf %get3A_429, %get3A_433 : vector<16xf32>
      %get3A_435 = arith.index_cast %scan3A_329 : i32 to index
      %get3A_436 = arith.constant 80 : index
      %get3A_437 = tpu.vector_load %arg10[%get3A_435, %get3A_436] {strides = array<i32>} : memref<128x128xf32, #tpu.memory_space<vmem>>, vector<1x16xf32>,
      %get3A_438 = vector.shape_cast %get3A_437 : vector<1x16xf32> to vector<16xf32>
      %add3A_439 = arith.addf %add3A_434, %get3A_438 : vector<16xf32>
      %swap3A_440 = arith.index_cast %scan3A_329 : i32 to index
      %swap3A_441 = arith.constant 80 : index
      %swap3A_442 = tpu.vector_load %arg8[%swap3A_440, %swap3A_441] {strides = array<i32>} : memref<128x128xf32, #tpu.memory_space<vmem>>, vector<1x16xf32>,
      %swap3A_443 = vector.shape_cast %swap3A_442 : vector<1x16xf32> to vector<16xf32>
      %swap3A_444 = vector.shape_cast %add3A_439 : vector<16xf32> to vector<1x16xf32>
      tpu.vector_store %arg8[%swap3A_440, %swap3A_441], %swap3A_444 {strides = array<i32>} : memref<128x128xf32, #tpu.memory_space<vmem>>, vector<1x16xf32>,
      %get3A_445 = arith.index_cast %scan3A_329 : i32 to index
      %get3A_446 = arith.constant 96 : index
      %get3A_447 = tpu.vector_load %arg8[%get3A_445, %get3A_446] {strides = array<i32>} : memref<128x128xf32, #tpu.memory_space<vmem>>, vector<1x16xf32>,
      %get3A_448 = vector.shape_cast %get3A_447 : vector<1x16xf32> to vector<16xf32>
      %get3A_449 = arith.index_cast %scan3A_329 : i32 to index
      %get3A_450 = arith.constant 96 : index
      %get3A_451 = tpu.vector_load %arg9[%get3A_449, %get3A_450] {strides = array<i32>} : memref<128x128xf32, #tpu.memory_space<vmem>>, vector<1x16xf32>,
      %get3A_452 = vector.shape_cast %get3A_451 : vector<1x16xf32> to vector<16xf32>
      %add3A_453 = arith.addf %get3A_448, %get3A_452 : vector<16xf32>
      %get3A_454 = arith.index_cast %scan3A_329 : i32 to index
      %get3A_455 = arith.constant 96 : index
      %get3A_456 = tpu.vector_load %arg10[%get3A_454, %get3A_455] {strides = array<i32>} : memref<128x128xf32, #tpu.memory_space<vmem>>, vector<1x16xf32>,
      %get3A_457 = vector.shape_cast %get3A_456 : vector<1x16xf32> to vector<16xf32>
      %add3A_458 = arith.addf %add3A_453, %get3A_457 : vector<16xf32>
      %swap3A_459 = arith.index_cast %scan3A_329 : i32 to index
      %swap3A_460 = arith.constant 96 : index
      %swap3A_461 = tpu.vector_load %arg8[%swap3A_459, %swap3A_460] {strides = array<i32>} : memref<128x128xf32, #tpu.memory_space<vmem>>, vector<1x16xf32>,
      %swap3A_462 = vector.shape_cast %swap3A_461 : vector<1x16xf32> to vector<16xf32>
      %swap3A_463 = vector.shape_cast %add3A_458 : vector<16xf32> to vector<1x16xf32>
      tpu.vector_store %arg8[%swap3A_459, %swap3A_460], %swap3A_463 {strides = array<i32>} : memref<128x128xf32, #tpu.memory_space<vmem>>, vector<1x16xf32>,
      %get3A_464 = arith.index_cast %scan3A_329 : i32 to index
      %get3A_465 = arith.constant 112 : index
      %get3A_466 = tpu.vector_load %arg8[%get3A_464, %get3A_465] {strides = array<i32>} : memref<128x128xf32, #tpu.memory_space<vmem>>, vector<1x16xf32>,
      %get3A_467 = vector.shape_cast %get3A_466 : vector<1x16xf32> to vector<16xf32>
      %get3A_468 = arith.index_cast %scan3A_329 : i32 to index
      %get3A_469 = arith.constant 112 : index
      %get3A_470 = tpu.vector_load %arg9[%get3A_468, %get3A_469] {strides = array<i32>} : memref<128x128xf32, #tpu.memory_space<vmem>>, vector<1x16xf32>,
      %get3A_471 = vector.shape_cast %get3A_470 : vector<1x16xf32> to vector<16xf32>
      %add3A_472 = arith.addf %get3A_467, %get3A_471 : vector<16xf32>
      %get3A_473 = arith.index_cast %scan3A_329 : i32 to index
      %get3A_474 = arith.constant 112 : index
      %get3A_475 = tpu.vector_load %arg10[%get3A_473, %get3A_474] {strides = array<i32>} : memref<128x128xf32, #tpu.memory_space<vmem>>, vector<1x16xf32>,
      %get3A_476 = vector.shape_cast %get3A_475 : vector<1x16xf32> to vector<16xf32>
      %add3A_477 = arith.addf %add3A_472, %get3A_476 : vector<16xf32>
      %swap3A_478 = arith.index_cast %scan3A_329 : i32 to index
      %swap3A_479 = arith.constant 112 : index
      %swap3A_480 = tpu.vector_load %arg8[%swap3A_478, %swap3A_479] {strides = array<i32>} : memref<128x128xf32, #tpu.memory_space<vmem>>, vector<1x16xf32>,
      %swap3A_481 = vector.shape_cast %swap3A_480 : vector<1x16xf32> to vector<16xf32>
      %swap3A_482 = vector.shape_cast %add3A_477 : vector<16xf32> to vector<1x16xf32>
      tpu.vector_store %arg8[%swap3A_478, %swap3A_479], %swap3A_482 {strides = array<i32>} : memref<128x128xf32, #tpu.memory_space<vmem>>, vector<1x16xf32>,
      %scan3A_483 = arith.constant 0 : i32
      scf.yield %scan3A_483 : i32
    }
    %scan3A_322 = arith.constant 128 : i32
    %mul3A_323 = arith.constant 2 : i32
    %mul3A_324 = arith.muli %add3A, %mul3A_323 : i32
    %add3A_325 = arith.constant 1 : i32
    %add3A_326 = arith.addi %mul3A_324, %add3A_325 : i32
    %mul3A_327 = arith.constant 128 : i32
    %mul3A_328 = arith.muli %add3A_326, %mul3A_327 : i32
    "tpu.region"() ({
      %run_scoped3A = tpu.sem_alloc : memref<!tpu.dma_semaphore, #tpu.memory_space<semaphore_mem>>
      %dma_start3A_329 = arith.constant 0 : i32
      %dma_start3A_330 = tpu.memref_slice %arg5[%mul3A_328, %dma_start3A_329] : memref<8192x128xf32, #tpu.memory_space<hbm>> -> memref<128x128xf32, #tpu.memory_space<hbm>>
      %dma_start3A_331 = arith.constant 0 : i32
      %dma_start3A_332 = tpu.memref_slice %arg5[%mul3A_328, %dma_start3A_331] : memref<8192x128xf32, #tpu.memory_space<hbm>> -> memref<128x128xf32, #tpu.memory_space<hbm>>
      tpu.enqueue_dma source(%arg8 : memref<128x128xf32, #tpu.memory_space<vmem>>) target(%dma_start3A_332 : memref<128x128xf32, #tpu.memory_space<hbm>>) target_semaphore(%run_scoped3A : memref<!tpu.dma_semaphore, #tpu.memory_space<semaphore_mem>>)
      %dma_wait3A_333 = arith.constant 0 : i32
      %dma_wait3A_334 = tpu.memref_slice %arg5[%mul3A_328, %dma_wait3A_333] : memref<8192x128xf32, #tpu.memory_space<hbm>> -> memref<128x128xf32, #tpu.memory_space<hbm>>
      %dma_wait3A_335 = arith.constant 0 : i32
      %dma_wait3A_336 = tpu.memref_slice %arg5[%mul3A_328, %dma_wait3A_335] : memref<8192x128xf32, #tpu.memory_space<hbm>> -> memref<128x128xf32, #tpu.memory_space<hbm>>
      tpu.wait_dma2 semaphore(%run_scoped3A : memref<!tpu.dma_semaphore, #tpu.memory_space<semaphore_mem>>) src(%arg8 : memref<128x128xf32, #tpu.memory_space<vmem>>) dst(%dma_wait3A_336 : memref<128x128xf32, #tpu.memory_space<hbm>>)
      tpu.yield
    }) : () -> ()
    return
  }
}

#map = affine_map<(d0, d1) -> (0, 0)>
#map1 = affine_map<(d0, d1) -> (0, 0, 0)>
module attributes {stable_mosaic.version = 14 : i64} {
  func.func @_edge_accumulate(%arg0: i32, %arg1: i32, %arg2: memref<2560x128xi32, #tpu.memory_space<hbm>>, %arg3: memref<32x80x128xi32, #tpu.memory_space<hbm>>, %arg4: memref<10000x128xf32, #tpu.memory_space<hbm>>, %arg5: memref<20480x128xf32, #tpu.memory_space<hbm>>, %arg6: memref<80x128xi32, #tpu.memory_space<vmem>>, %arg7: memref<2x128xi32, #tpu.memory_space<vmem>>, %arg8: memref<2x128xi32, #tpu.memory_space<vmem>>, %arg9: memref<128x128xf32, #tpu.memory_space<vmem>>, %arg10: memref<128x128xf32, #tpu.memory_space<vmem>>, %arg11: memref<10240x128xf32, #tpu.memory_space<vmem_shared>>, %arg12: memref<!tpu.dma_semaphore, #tpu.memory_space<semaphore_mem>>, %arg13: memref<!tpu.dma_semaphore, #tpu.memory_space<semaphore_mem>>, %arg14: memref<!tpu.dma_semaphore, #tpu.memory_space<semaphore_mem>>, %arg15: memref<!tpu.dma_semaphore, #tpu.memory_space<semaphore_mem>>, %arg16: memref<!tpu.dma_semaphore, #tpu.memory_space<semaphore_mem>>, %arg17: memref<!tpu.dma_semaphore, #tpu.memory_space<semaphore_mem>>) attributes {dimension_semantics = [#tpu.dimension_semantics<core_parallel>, #tpu.dimension_semantics<subcore_parallel>], iteration_bounds = array<i64: 2, 16>, scalar_prefetch = 0 : i64, scratch_operands = 12 : i64, tpu.core_type = #tpu.core_type<sc_vector_subcore>, window_params = [{transform_indices = #map}, {transform_indices = #map1}, {transform_indices = #map}, {transform_indices = #map}]} {
    %mul3A = arith.constant 16 : i32
    %mul3A_0 = arith.muli %arg0, %mul3A : i32
    %add3A = arith.addi %mul3A_0, %arg1 : i32
    %scan3A = arith.constant 0 : i32
    %scan3A_1 = arith.constant 0 : i32
    %scan3A_2 = arith.constant 128 : i32
    %scan3A_3 = arith.addi %scan3A_1, %scan3A_2 : i32
    %scan3A_4 = arith.constant 1 : i32
    %scan3A_5 = scf.for %scan3A_128 = %scan3A_1 to %scan3A_3 step %scan3A_4 iter_args(%scan3A_129 = %scan3A) -> (i32)  : i32 {
      %broadcast_in_dim3A = arith.constant 0.000000e+00 : f32
      %broadcast_in_dim3A_130 = vector.broadcast %broadcast_in_dim3A : f32 to vector<16xf32>
      %swap3A = arith.index_cast %scan3A_128 : i32 to index
      %swap3A_131 = arith.constant 0 : index
      %swap3A_132 = tpu.vector_load %arg9[%swap3A, %swap3A_131] {strides = array<i32>} : memref<128x128xf32, #tpu.memory_space<vmem>>, vector<1x16xf32>,
      %swap3A_133 = vector.shape_cast %swap3A_132 : vector<1x16xf32> to vector<16xf32>
      %swap3A_134 = vector.shape_cast %broadcast_in_dim3A_130 : vector<16xf32> to vector<1x16xf32>
      tpu.vector_store %arg9[%swap3A, %swap3A_131], %swap3A_134 {strides = array<i32>} : memref<128x128xf32, #tpu.memory_space<vmem>>, vector<1x16xf32>,
      %broadcast_in_dim3A_135 = arith.constant 0.000000e+00 : f32
      %broadcast_in_dim3A_136 = vector.broadcast %broadcast_in_dim3A_135 : f32 to vector<16xf32>
      %swap3A_137 = arith.index_cast %scan3A_128 : i32 to index
      %swap3A_138 = arith.constant 16 : index
      %swap3A_139 = tpu.vector_load %arg9[%swap3A_137, %swap3A_138] {strides = array<i32>} : memref<128x128xf32, #tpu.memory_space<vmem>>, vector<1x16xf32>,
      %swap3A_140 = vector.shape_cast %swap3A_139 : vector<1x16xf32> to vector<16xf32>
      %swap3A_141 = vector.shape_cast %broadcast_in_dim3A_136 : vector<16xf32> to vector<1x16xf32>
      tpu.vector_store %arg9[%swap3A_137, %swap3A_138], %swap3A_141 {strides = array<i32>} : memref<128x128xf32, #tpu.memory_space<vmem>>, vector<1x16xf32>,
      %broadcast_in_dim3A_142 = arith.constant 0.000000e+00 : f32
      %broadcast_in_dim3A_143 = vector.broadcast %broadcast_in_dim3A_142 : f32 to vector<16xf32>
      %swap3A_144 = arith.index_cast %scan3A_128 : i32 to index
      %swap3A_145 = arith.constant 32 : index
      %swap3A_146 = tpu.vector_load %arg9[%swap3A_144, %swap3A_145] {strides = array<i32>} : memref<128x128xf32, #tpu.memory_space<vmem>>, vector<1x16xf32>,
      %swap3A_147 = vector.shape_cast %swap3A_146 : vector<1x16xf32> to vector<16xf32>
      %swap3A_148 = vector.shape_cast %broadcast_in_dim3A_143 : vector<16xf32> to vector<1x16xf32>
      tpu.vector_store %arg9[%swap3A_144, %swap3A_145], %swap3A_148 {strides = array<i32>} : memref<128x128xf32, #tpu.memory_space<vmem>>, vector<1x16xf32>,
      %broadcast_in_dim3A_149 = arith.constant 0.000000e+00 : f32
      %broadcast_in_dim3A_150 = vector.broadcast %broadcast_in_dim3A_149 : f32 to vector<16xf32>
      %swap3A_151 = arith.index_cast %scan3A_128 : i32 to index
      %swap3A_152 = arith.constant 48 : index
      %swap3A_153 = tpu.vector_load %arg9[%swap3A_151, %swap3A_152] {strides = array<i32>} : memref<128x128xf32, #tpu.memory_space<vmem>>, vector<1x16xf32>,
      %swap3A_154 = vector.shape_cast %swap3A_153 : vector<1x16xf32> to vector<16xf32>
      %swap3A_155 = vector.shape_cast %broadcast_in_dim3A_150 : vector<16xf32> to vector<1x16xf32>
      tpu.vector_store %arg9[%swap3A_151, %swap3A_152], %swap3A_155 {strides = array<i32>} : memref<128x128xf32, #tpu.memory_space<vmem>>, vector<1x16xf32>,
      %broadcast_in_dim3A_156 = arith.constant 0.000000e+00 : f32
      %broadcast_in_dim3A_157 = vector.broadcast %broadcast_in_dim3A_156 : f32 to vector<16xf32>
      %swap3A_158 = arith.index_cast %scan3A_128 : i32 to index
      %swap3A_159 = arith.constant 64 : index
      %swap3A_160 = tpu.vector_load %arg9[%swap3A_158, %swap3A_159] {strides = array<i32>} : memref<128x128xf32, #tpu.memory_space<vmem>>, vector<1x16xf32>,
      %swap3A_161 = vector.shape_cast %swap3A_160 : vector<1x16xf32> to vector<16xf32>
      %swap3A_162 = vector.shape_cast %broadcast_in_dim3A_157 : vector<16xf32> to vector<1x16xf32>
      tpu.vector_store %arg9[%swap3A_158, %swap3A_159], %swap3A_162 {strides = array<i32>} : memref<128x128xf32, #tpu.memory_space<vmem>>, vector<1x16xf32>,
      %broadcast_in_dim3A_163 = arith.constant 0.000000e+00 : f32
      %broadcast_in_dim3A_164 = vector.broadcast %broadcast_in_dim3A_163 : f32 to vector<16xf32>
      %swap3A_165 = arith.index_cast %scan3A_128 : i32 to index
      %swap3A_166 = arith.constant 80 : index
      %swap3A_167 = tpu.vector_load %arg9[%swap3A_165, %swap3A_166] {strides = array<i32>} : memref<128x128xf32, #tpu.memory_space<vmem>>, vector<1x16xf32>,
      %swap3A_168 = vector.shape_cast %swap3A_167 : vector<1x16xf32> to vector<16xf32>
      %swap3A_169 = vector.shape_cast %broadcast_in_dim3A_164 : vector<16xf32> to vector<1x16xf32>
      tpu.vector_store %arg9[%swap3A_165, %swap3A_166], %swap3A_169 {strides = array<i32>} : memref<128x128xf32, #tpu.memory_space<vmem>>, vector<1x16xf32>,
      %broadcast_in_dim3A_170 = arith.constant 0.000000e+00 : f32
      %broadcast_in_dim3A_171 = vector.broadcast %broadcast_in_dim3A_170 : f32 to vector<16xf32>
      %swap3A_172 = arith.index_cast %scan3A_128 : i32 to index
      %swap3A_173 = arith.constant 96 : index
      %swap3A_174 = tpu.vector_load %arg9[%swap3A_172, %swap3A_173] {strides = array<i32>} : memref<128x128xf32, #tpu.memory_space<vmem>>, vector<1x16xf32>,
      %swap3A_175 = vector.shape_cast %swap3A_174 : vector<1x16xf32> to vector<16xf32>
      %swap3A_176 = vector.shape_cast %broadcast_in_dim3A_171 : vector<16xf32> to vector<1x16xf32>
      tpu.vector_store %arg9[%swap3A_172, %swap3A_173], %swap3A_176 {strides = array<i32>} : memref<128x128xf32, #tpu.memory_space<vmem>>, vector<1x16xf32>,
      %broadcast_in_dim3A_177 = arith.constant 0.000000e+00 : f32
      %broadcast_in_dim3A_178 = vector.broadcast %broadcast_in_dim3A_177 : f32 to vector<16xf32>
      %swap3A_179 = arith.index_cast %scan3A_128 : i32 to index
      %swap3A_180 = arith.constant 112 : index
      %swap3A_181 = tpu.vector_load %arg9[%swap3A_179, %swap3A_180] {strides = array<i32>} : memref<128x128xf32, #tpu.memory_space<vmem>>, vector<1x16xf32>,
      %swap3A_182 = vector.shape_cast %swap3A_181 : vector<1x16xf32> to vector<16xf32>
      %swap3A_183 = vector.shape_cast %broadcast_in_dim3A_178 : vector<16xf32> to vector<1x16xf32>
      tpu.vector_store %arg9[%swap3A_179, %swap3A_180], %swap3A_183 {strides = array<i32>} : memref<128x128xf32, #tpu.memory_space<vmem>>, vector<1x16xf32>,
      %scan3A_184 = arith.constant 0 : i32
      scf.yield %scan3A_184 : i32
    }
    %scan3A_6 = arith.constant 128 : i32
    %mul3A_7 = arith.constant 640 : i32
    %mul3A_8 = arith.muli %arg1, %mul3A_7 : i32
    %add3A_9 = arith.constant 0 : i32
    %add3A_10 = arith.addi %mul3A_8, %add3A_9 : i32
    "tpu.region"() ({
      %run_scoped3A = tpu.sem_alloc : memref<!tpu.dma_semaphore, #tpu.memory_space<semaphore_mem>>
      %dma_start3A_128 = arith.constant 0 : i32
      %dma_start3A_129 = tpu.memref_slice %arg11[%add3A_10, %dma_start3A_128] : memref<10240x128xf32, #tpu.memory_space<vmem_shared>> -> memref<128x128xf32, #tpu.memory_space<vmem_shared>>
      %dma_start3A_130 = arith.constant 0 : i32
      %dma_start3A_131 = tpu.memref_slice %arg11[%add3A_10, %dma_start3A_130] : memref<10240x128xf32, #tpu.memory_space<vmem_shared>> -> memref<128x128xf32, #tpu.memory_space<vmem_shared>>
      tpu.enqueue_dma source(%arg9 : memref<128x128xf32, #tpu.memory_space<vmem>>) target(%dma_start3A_131 : memref<128x128xf32, #tpu.memory_space<vmem_shared>>) target_semaphore(%run_scoped3A : memref<!tpu.dma_semaphore, #tpu.memory_space<semaphore_mem>>)
      %dma_wait3A_132 = arith.constant 0 : i32
      %dma_wait3A_133 = tpu.memref_slice %arg11[%add3A_10, %dma_wait3A_132] : memref<10240x128xf32, #tpu.memory_space<vmem_shared>> -> memref<128x128xf32, #tpu.memory_space<vmem_shared>>
      %dma_wait3A_134 = arith.constant 0 : i32
      %dma_wait3A_135 = tpu.memref_slice %arg11[%add3A_10, %dma_wait3A_134] : memref<10240x128xf32, #tpu.memory_space<vmem_shared>> -> memref<128x128xf32, #tpu.memory_space<vmem_shared>>
      tpu.wait_dma2 semaphore(%run_scoped3A : memref<!tpu.dma_semaphore, #tpu.memory_space<semaphore_mem>>) src(%arg9 : memref<128x128xf32, #tpu.memory_space<vmem>>) dst(%dma_wait3A_135 : memref<128x128xf32, #tpu.memory_space<vmem_shared>>)
      tpu.yield
    }) : () -> ()
    %mul3A_11 = arith.constant 640 : i32
    %mul3A_12 = arith.muli %arg1, %mul3A_11 : i32
    %add3A_13 = arith.constant 128 : i32
    %add3A_14 = arith.addi %mul3A_12, %add3A_13 : i32
    "tpu.region"() ({
      %run_scoped3A = tpu.sem_alloc : memref<!tpu.dma_semaphore, #tpu.memory_space<semaphore_mem>>
      %dma_start3A_128 = arith.constant 0 : i32
      %dma_start3A_129 = tpu.memref_slice %arg11[%add3A_14, %dma_start3A_128] : memref<10240x128xf32, #tpu.memory_space<vmem_shared>> -> memref<128x128xf32, #tpu.memory_space<vmem_shared>>
      %dma_start3A_130 = arith.constant 0 : i32
      %dma_start3A_131 = tpu.memref_slice %arg11[%add3A_14, %dma_start3A_130] : memref<10240x128xf32, #tpu.memory_space<vmem_shared>> -> memref<128x128xf32, #tpu.memory_space<vmem_shared>>
      tpu.enqueue_dma source(%arg9 : memref<128x128xf32, #tpu.memory_space<vmem>>) target(%dma_start3A_131 : memref<128x128xf32, #tpu.memory_space<vmem_shared>>) target_semaphore(%run_scoped3A : memref<!tpu.dma_semaphore, #tpu.memory_space<semaphore_mem>>)
      %dma_wait3A_132 = arith.constant 0 : i32
      %dma_wait3A_133 = tpu.memref_slice %arg11[%add3A_14, %dma_wait3A_132] : memref<10240x128xf32, #tpu.memory_space<vmem_shared>> -> memref<128x128xf32, #tpu.memory_space<vmem_shared>>
      %dma_wait3A_134 = arith.constant 0 : i32
      %dma_wait3A_135 = tpu.memref_slice %arg11[%add3A_14, %dma_wait3A_134] : memref<10240x128xf32, #tpu.memory_space<vmem_shared>> -> memref<128x128xf32, #tpu.memory_space<vmem_shared>>
      tpu.wait_dma2 semaphore(%run_scoped3A : memref<!tpu.dma_semaphore, #tpu.memory_space<semaphore_mem>>) src(%arg9 : memref<128x128xf32, #tpu.memory_space<vmem>>) dst(%dma_wait3A_135 : memref<128x128xf32, #tpu.memory_space<vmem_shared>>)
      tpu.yield
    }) : () -> ()
    %mul3A_15 = arith.constant 640 : i32
    %mul3A_16 = arith.muli %arg1, %mul3A_15 : i32
    %add3A_17 = arith.constant 256 : i32
    %add3A_18 = arith.addi %mul3A_16, %add3A_17 : i32
    "tpu.region"() ({
      %run_scoped3A = tpu.sem_alloc : memref<!tpu.dma_semaphore, #tpu.memory_space<semaphore_mem>>
      %dma_start3A_128 = arith.constant 0 : i32
      %dma_start3A_129 = tpu.memref_slice %arg11[%add3A_18, %dma_start3A_128] : memref<10240x128xf32, #tpu.memory_space<vmem_shared>> -> memref<128x128xf32, #tpu.memory_space<vmem_shared>>
      %dma_start3A_130 = arith.constant 0 : i32
      %dma_start3A_131 = tpu.memref_slice %arg11[%add3A_18, %dma_start3A_130] : memref<10240x128xf32, #tpu.memory_space<vmem_shared>> -> memref<128x128xf32, #tpu.memory_space<vmem_shared>>
      tpu.enqueue_dma source(%arg9 : memref<128x128xf32, #tpu.memory_space<vmem>>) target(%dma_start3A_131 : memref<128x128xf32, #tpu.memory_space<vmem_shared>>) target_semaphore(%run_scoped3A : memref<!tpu.dma_semaphore, #tpu.memory_space<semaphore_mem>>)
      %dma_wait3A_132 = arith.constant 0 : i32
      %dma_wait3A_133 = tpu.memref_slice %arg11[%add3A_18, %dma_wait3A_132] : memref<10240x128xf32, #tpu.memory_space<vmem_shared>> -> memref<128x128xf32, #tpu.memory_space<vmem_shared>>
      %dma_wait3A_134 = arith.constant 0 : i32
      %dma_wait3A_135 = tpu.memref_slice %arg11[%add3A_18, %dma_wait3A_134] : memref<10240x128xf32, #tpu.memory_space<vmem_shared>> -> memref<128x128xf32, #tpu.memory_space<vmem_shared>>
      tpu.wait_dma2 semaphore(%run_scoped3A : memref<!tpu.dma_semaphore, #tpu.memory_space<semaphore_mem>>) src(%arg9 : memref<128x128xf32, #tpu.memory_space<vmem>>) dst(%dma_wait3A_135 : memref<128x128xf32, #tpu.memory_space<vmem_shared>>)
      tpu.yield
    }) : () -> ()
    %mul3A_19 = arith.constant 640 : i32
    %mul3A_20 = arith.muli %arg1, %mul3A_19 : i32
    %add3A_21 = arith.constant 384 : i32
    %add3A_22 = arith.addi %mul3A_20, %add3A_21 : i32
    "tpu.region"() ({
      %run_scoped3A = tpu.sem_alloc : memref<!tpu.dma_semaphore, #tpu.memory_space<semaphore_mem>>
      %dma_start3A_128 = arith.constant 0 : i32
      %dma_start3A_129 = tpu.memref_slice %arg11[%add3A_22, %dma_start3A_128] : memref<10240x128xf32, #tpu.memory_space<vmem_shared>> -> memref<128x128xf32, #tpu.memory_space<vmem_shared>>
      %dma_start3A_130 = arith.constant 0 : i32
      %dma_start3A_131 = tpu.memref_slice %arg11[%add3A_22, %dma_start3A_130] : memref<10240x128xf32, #tpu.memory_space<vmem_shared>> -> memref<128x128xf32, #tpu.memory_space<vmem_shared>>
      tpu.enqueue_dma source(%arg9 : memref<128x128xf32, #tpu.memory_space<vmem>>) target(%dma_start3A_131 : memref<128x128xf32, #tpu.memory_space<vmem_shared>>) target_semaphore(%run_scoped3A : memref<!tpu.dma_semaphore, #tpu.memory_space<semaphore_mem>>)
      %dma_wait3A_132 = arith.constant 0 : i32
      %dma_wait3A_133 = tpu.memref_slice %arg11[%add3A_22, %dma_wait3A_132] : memref<10240x128xf32, #tpu.memory_space<vmem_shared>> -> memref<128x128xf32, #tpu.memory_space<vmem_shared>>
      %dma_wait3A_134 = arith.constant 0 : i32
      %dma_wait3A_135 = tpu.memref_slice %arg11[%add3A_22, %dma_wait3A_134] : memref<10240x128xf32, #tpu.memory_space<vmem_shared>> -> memref<128x128xf32, #tpu.memory_space<vmem_shared>>
      tpu.wait_dma2 semaphore(%run_scoped3A : memref<!tpu.dma_semaphore, #tpu.memory_space<semaphore_mem>>) src(%arg9 : memref<128x128xf32, #tpu.memory_space<vmem>>) dst(%dma_wait3A_135 : memref<128x128xf32, #tpu.memory_space<vmem_shared>>)
      tpu.yield
    }) : () -> ()
    %mul3A_23 = arith.constant 640 : i32
    %mul3A_24 = arith.muli %arg1, %mul3A_23 : i32
    %add3A_25 = arith.constant 512 : i32
    %add3A_26 = arith.addi %mul3A_24, %add3A_25 : i32
    "tpu.region"() ({
      %run_scoped3A = tpu.sem_alloc : memref<!tpu.dma_semaphore, #tpu.memory_space<semaphore_mem>>
      %dma_start3A_128 = arith.constant 0 : i32
      %dma_start3A_129 = tpu.memref_slice %arg11[%add3A_26, %dma_start3A_128] : memref<10240x128xf32, #tpu.memory_space<vmem_shared>> -> memref<128x128xf32, #tpu.memory_space<vmem_shared>>
      %dma_start3A_130 = arith.constant 0 : i32
      %dma_start3A_131 = tpu.memref_slice %arg11[%add3A_26, %dma_start3A_130] : memref<10240x128xf32, #tpu.memory_space<vmem_shared>> -> memref<128x128xf32, #tpu.memory_space<vmem_shared>>
      tpu.enqueue_dma source(%arg9 : memref<128x128xf32, #tpu.memory_space<vmem>>) target(%dma_start3A_131 : memref<128x128xf32, #tpu.memory_space<vmem_shared>>) target_semaphore(%run_scoped3A : memref<!tpu.dma_semaphore, #tpu.memory_space<semaphore_mem>>)
      %dma_wait3A_132 = arith.constant 0 : i32
      %dma_wait3A_133 = tpu.memref_slice %arg11[%add3A_26, %dma_wait3A_132] : memref<10240x128xf32, #tpu.memory_space<vmem_shared>> -> memref<128x128xf32, #tpu.memory_space<vmem_shared>>
      %dma_wait3A_134 = arith.constant 0 : i32
      %dma_wait3A_135 = tpu.memref_slice %arg11[%add3A_26, %dma_wait3A_134] : memref<10240x128xf32, #tpu.memory_space<vmem_shared>> -> memref<128x128xf32, #tpu.memory_space<vmem_shared>>
      tpu.wait_dma2 semaphore(%run_scoped3A : memref<!tpu.dma_semaphore, #tpu.memory_space<semaphore_mem>>) src(%arg9 : memref<128x128xf32, #tpu.memory_space<vmem>>) dst(%dma_wait3A_135 : memref<128x128xf32, #tpu.memory_space<vmem_shared>>)
      tpu.yield
    }) : () -> ()
    %barrier3A = arith.constant 0 : index
    tpu.barrier barrier_id(%barrier3A)
    "tpu.region"() ({
      %run_scoped3A = tpu.sem_alloc : memref<!tpu.dma_semaphore, #tpu.memory_space<semaphore_mem>>
      %dma_start3A_128 = arith.constant 0 : i32
      %dma_start3A_129 = arith.constant 0 : i32
      %dma_start3A_130 = tpu.memref_slice %arg3[%add3A, %dma_start3A_128, %dma_start3A_129] : memref<32x80x128xi32, #tpu.memory_space<hbm>> -> memref<1x80x128xi32, #tpu.memory_space<hbm>>
      %dma_start3A_131 = tpu.memref_squeeze %dma_start3A_130 : memref<1x80x128xi32, #tpu.memory_space<hbm>> -> memref<80x128xi32, #tpu.memory_space<hbm>>
      %dma_start3A_132 = arith.constant 0 : i32
      %dma_start3A_133 = arith.constant 0 : i32
      %dma_start3A_134 = tpu.memref_slice %arg3[%add3A, %dma_start3A_132, %dma_start3A_133] : memref<32x80x128xi32, #tpu.memory_space<hbm>> -> memref<1x80x128xi32, #tpu.memory_space<hbm>>
      %dma_start3A_135 = tpu.memref_squeeze %dma_start3A_134 : memref<1x80x128xi32, #tpu.memory_space<hbm>> -> memref<80x128xi32, #tpu.memory_space<hbm>>
      tpu.enqueue_dma source(%dma_start3A_135 : memref<80x128xi32, #tpu.memory_space<hbm>>) target(%arg6 : memref<80x128xi32, #tpu.memory_space<vmem>>) target_semaphore(%run_scoped3A : memref<!tpu.dma_semaphore, #tpu.memory_space<semaphore_mem>>)
      %dma_wait3A_136 = arith.constant 0 : i32
      %dma_wait3A_137 = arith.constant 0 : i32
      %dma_wait3A_138 = tpu.memref_slice %arg3[%add3A, %dma_wait3A_136, %dma_wait3A_137] : memref<32x80x128xi32, #tpu.memory_space<hbm>> -> memref<1x80x128xi32, #tpu.memory_space<hbm>>
      %dma_wait3A_139 = tpu.memref_squeeze %dma_wait3A_138 : memref<1x80x128xi32, #tpu.memory_space<hbm>> -> memref<80x128xi32, #tpu.memory_space<hbm>>
      %dma_wait3A_140 = arith.constant 0 : i32
      %dma_wait3A_141 = arith.constant 0 : i32
      %dma_wait3A_142 = tpu.memref_slice %arg3[%add3A, %dma_wait3A_140, %dma_wait3A_141] : memref<32x80x128xi32, #tpu.memory_space<hbm>> -> memref<1x80x128xi32, #tpu.memory_space<hbm>>
      %dma_wait3A_143 = tpu.memref_squeeze %dma_wait3A_142 : memref<1x80x128xi32, #tpu.memory_space<hbm>> -> memref<80x128xi32, #tpu.memory_space<hbm>>
      tpu.wait_dma2 semaphore(%run_scoped3A : memref<!tpu.dma_semaphore, #tpu.memory_space<semaphore_mem>>) src(%dma_wait3A_143 : memref<80x128xi32, #tpu.memory_space<hbm>>) dst(%arg6 : memref<80x128xi32, #tpu.memory_space<vmem>>)
      tpu.yield
    }) : () -> ()
    %mul3A_27 = arith.constant 80 : i32
    %mul3A_28 = arith.muli %add3A, %mul3A_27 : i32
    %dma_start3A = arith.constant 0 : i32
    %dma_start3A_29 = arith.constant 0 : i32
    %dma_start3A_30 = tpu.memref_slice %arg6[%dma_start3A, %dma_start3A_29] : memref<80x128xi32, #tpu.memory_space<vmem>> -> memref<1x128xi32, #tpu.memory_space<vmem>>
    %dma_start3A_31 = tpu.memref_squeeze %dma_start3A_30 : memref<1x128xi32, #tpu.memory_space<vmem>> -> memref<128xi32, #tpu.memory_space<vmem>>
    %dma_start3A_32 = arith.constant 0 : i32
    %dma_start3A_33 = arith.constant 0 : i32
    %dma_start3A_34 = tpu.memref_slice %arg4[%dma_start3A_32, %dma_start3A_33] : memref<10000x128xf32, #tpu.memory_space<hbm>> -> memref<10000x128xf32, #tpu.memory_space<hbm>>
    tpu.enqueue_indirect_dma source(%dma_start3A_34 : memref<10000x128xf32, #tpu.memory_space<hbm>>) target(%arg9 : memref<128x128xf32, #tpu.memory_space<vmem>>) offsets(%dma_start3A_31 : memref<128xi32, #tpu.memory_space<vmem>>) semaphore(%arg12 : memref<!tpu.dma_semaphore, #tpu.memory_space<semaphore_mem>>)
    %add3A_35 = arith.constant 0 : i32
    %add3A_36 = arith.addi %mul3A_28, %add3A_35 : i32
    %dma_start3A_37 = arith.constant 0 : i32
    %dma_start3A_38 = arith.constant 0 : i32
    %dma_start3A_39 = tpu.memref_slice %arg7[%dma_start3A_37, %dma_start3A_38] : memref<2x128xi32, #tpu.memory_space<vmem>> -> memref<1x128xi32, #tpu.memory_space<vmem>>
    %dma_start3A_40 = tpu.memref_squeeze %dma_start3A_39 : memref<1x128xi32, #tpu.memory_space<vmem>> -> memref<128xi32, #tpu.memory_space<vmem>>
    %dma_start3A_41 = arith.constant 0 : i32
    %dma_start3A_42 = tpu.memref_slice %arg2[%add3A_36, %dma_start3A_41] : memref<2560x128xi32, #tpu.memory_space<hbm>> -> memref<1x128xi32, #tpu.memory_space<hbm>>
    %dma_start3A_43 = tpu.memref_squeeze %dma_start3A_42 : memref<1x128xi32, #tpu.memory_space<hbm>> -> memref<128xi32, #tpu.memory_space<hbm>>
    %dma_start3A_44 = arith.constant 0 : i32
    %dma_start3A_45 = tpu.memref_slice %arg7[%dma_start3A_37, %dma_start3A_44] : memref<2x128xi32, #tpu.memory_space<vmem>> -> memref<1x128xi32, #tpu.memory_space<vmem>>
    %dma_start3A_46 = tpu.memref_squeeze %dma_start3A_45 : memref<1x128xi32, #tpu.memory_space<vmem>> -> memref<128xi32, #tpu.memory_space<vmem>>
    %dma_start3A_47 = arith.constant 0 : i32
    %dma_start3A_48 = tpu.memref_slice %arg2[%add3A_36, %dma_start3A_47] : memref<2560x128xi32, #tpu.memory_space<hbm>> -> memref<1x128xi32, #tpu.memory_space<hbm>>
    %dma_start3A_49 = tpu.memref_squeeze %dma_start3A_48 : memref<1x128xi32, #tpu.memory_space<hbm>> -> memref<128xi32, #tpu.memory_space<hbm>>
    tpu.enqueue_dma source(%dma_start3A_49 : memref<128xi32, #tpu.memory_space<hbm>>) target(%dma_start3A_46 : memref<128xi32, #tpu.memory_space<vmem>>) target_semaphore(%arg14 : memref<!tpu.dma_semaphore, #tpu.memory_space<semaphore_mem>>)
    %dma_start3A_50 = arith.constant 1 : i32
    %dma_start3A_51 = arith.constant 0 : i32
    %dma_start3A_52 = tpu.memref_slice %arg6[%dma_start3A_50, %dma_start3A_51] : memref<80x128xi32, #tpu.memory_space<vmem>> -> memref<1x128xi32, #tpu.memory_space<vmem>>
    %dma_start3A_53 = tpu.memref_squeeze %dma_start3A_52 : memref<1x128xi32, #tpu.memory_space<vmem>> -> memref<128xi32, #tpu.memory_space<vmem>>
    %dma_start3A_54 = arith.constant 0 : i32
    %dma_start3A_55 = arith.constant 0 : i32
    %dma_start3A_56 = tpu.memref_slice %arg4[%dma_start3A_54, %dma_start3A_55] : memref<10000x128xf32, #tpu.memory_space<hbm>> -> memref<10000x128xf32, #tpu.memory_space<hbm>>
    tpu.enqueue_indirect_dma source(%dma_start3A_56 : memref<10000x128xf32, #tpu.memory_space<hbm>>) target(%arg10 : memref<128x128xf32, #tpu.memory_space<vmem>>) offsets(%dma_start3A_53 : memref<128xi32, #tpu.memory_space<vmem>>) semaphore(%arg13 : memref<!tpu.dma_semaphore, #tpu.memory_space<semaphore_mem>>)
    %add3A_57 = arith.constant 1 : i32
    %add3A_58 = arith.addi %mul3A_28, %add3A_57 : i32
    %dma_start3A_59 = arith.constant 1 : i32
    %dma_start3A_60 = arith.constant 0 : i32
    %dma_start3A_61 = tpu.memref_slice %arg7[%dma_start3A_59, %dma_start3A_60] : memref<2x128xi32, #tpu.memory_space<vmem>> -> memref<1x128xi32, #tpu.memory_space<vmem>>
    %dma_start3A_62 = tpu.memref_squeeze %dma_start3A_61 : memref<1x128xi32, #tpu.memory_space<vmem>> -> memref<128xi32, #tpu.memory_space<vmem>>
    %dma_start3A_63 = arith.constant 0 : i32
    %dma_start3A_64 = tpu.memref_slice %arg2[%add3A_58, %dma_start3A_63] : memref<2560x128xi32, #tpu.memory_space<hbm>> -> memref<1x128xi32, #tpu.memory_space<hbm>>
    %dma_start3A_65 = tpu.memref_squeeze %dma_start3A_64 : memref<1x128xi32, #tpu.memory_space<hbm>> -> memref<128xi32, #tpu.memory_space<hbm>>
    %dma_start3A_66 = arith.constant 0 : i32
    %dma_start3A_67 = tpu.memref_slice %arg7[%dma_start3A_59, %dma_start3A_66] : memref<2x128xi32, #tpu.memory_space<vmem>> -> memref<1x128xi32, #tpu.memory_space<vmem>>
    %dma_start3A_68 = tpu.memref_squeeze %dma_start3A_67 : memref<1x128xi32, #tpu.memory_space<vmem>> -> memref<128xi32, #tpu.memory_space<vmem>>
    %dma_start3A_69 = arith.constant 0 : i32
    %dma_start3A_70 = tpu.memref_slice %arg2[%add3A_58, %dma_start3A_69] : memref<2560x128xi32, #tpu.memory_space<hbm>> -> memref<1x128xi32, #tpu.memory_space<hbm>>
    %dma_start3A_71 = tpu.memref_squeeze %dma_start3A_70 : memref<1x128xi32, #tpu.memory_space<hbm>> -> memref<128xi32, #tpu.memory_space<hbm>>
    tpu.enqueue_dma source(%dma_start3A_71 : memref<128xi32, #tpu.memory_space<hbm>>) target(%dma_start3A_68 : memref<128xi32, #tpu.memory_space<vmem>>) target_semaphore(%arg15 : memref<!tpu.dma_semaphore, #tpu.memory_space<semaphore_mem>>)
    %scan3A_72 = arith.constant 0 : i32
    %scan3A_73 = arith.constant 0 : i32
    %scan3A_74 = arith.constant 40 : i32
    %scan3A_75 = arith.addi %scan3A_73, %scan3A_74 : i32
    %scan3A_76 = arith.constant 1 : i32
    %scan3A_77 = scf.for %scan3A_128 = %scan3A_73 to %scan3A_75 step %scan3A_76 iter_args(%scan3A_129 = %scan3A_72) -> (i32)  : i32 {
      %mul3A_130 = arith.constant 2 : i32
      %mul3A_131 = arith.muli %scan3A_128, %mul3A_130 : i32
      %add3A_132 = arith.constant 0 : i32
      %add3A_133 = arith.addi %mul3A_131, %add3A_132 : i32
      %ge3A = arith.constant 1 : i32
      %ge3A_134 = arith.cmpi sge, %scan3A_128, %ge3A : i32
      %convert_element_type3A = arith.extui %ge3A_134 : i1 to i32
      %cond3A = arith.constant 0 : i32
      %cond3A_135 = arith.cmpi ne, %convert_element_type3A, %cond3A : i32
      scf.if %cond3A_135 {
        %dma_wait3A_508 = arith.constant 0 : i32
        %dma_wait3A_509 = arith.constant 0 : i32
        %dma_wait3A_510 = tpu.memref_slice %arg8[%dma_wait3A_508, %dma_wait3A_509] : memref<2x128xi32, #tpu.memory_space<vmem>> -> memref<1x128xi32, #tpu.memory_space<vmem>>
        %dma_wait3A_511 = tpu.memref_squeeze %dma_wait3A_510 : memref<1x128xi32, #tpu.memory_space<vmem>> -> memref<128xi32, #tpu.memory_space<vmem>>
        %dma_wait3A_512 = arith.constant 0 : i32
        %dma_wait3A_513 = arith.constant 0 : i32
        %dma_wait3A_514 = tpu.memref_slice %arg11[%dma_wait3A_512, %dma_wait3A_513] : memref<10240x128xf32, #tpu.memory_space<vmem_shared>> -> memref<10240x128xf32, #tpu.memory_space<vmem_shared>>
        tpu.wait_indirect_dma semaphore(%arg16 : memref<!tpu.dma_semaphore, #tpu.memory_space<semaphore_mem>>) src(%arg9 : memref<128x128xf32, #tpu.memory_space<vmem>>) dst(%dma_wait3A_514 : memref<10240x128xf32, #tpu.memory_space<vmem_shared>>)
        %dma_start3A_515 = arith.constant 0 : i32
        %dma_start3A_516 = tpu.memref_slice %arg6[%add3A_133, %dma_start3A_515] : memref<80x128xi32, #tpu.memory_space<vmem>> -> memref<1x128xi32, #tpu.memory_space<vmem>>
        %dma_start3A_517 = tpu.memref_squeeze %dma_start3A_516 : memref<1x128xi32, #tpu.memory_space<vmem>> -> memref<128xi32, #tpu.memory_space<vmem>>
        %dma_start3A_518 = arith.constant 0 : i32
        %dma_start3A_519 = arith.constant 0 : i32
        %dma_start3A_520 = tpu.memref_slice %arg4[%dma_start3A_518, %dma_start3A_519] : memref<10000x128xf32, #tpu.memory_space<hbm>> -> memref<10000x128xf32, #tpu.memory_space<hbm>>
        tpu.enqueue_indirect_dma source(%dma_start3A_520 : memref<10000x128xf32, #tpu.memory_space<hbm>>) target(%arg9 : memref<128x128xf32, #tpu.memory_space<vmem>>) offsets(%dma_start3A_517 : memref<128xi32, #tpu.memory_space<vmem>>) semaphore(%arg12 : memref<!tpu.dma_semaphore, #tpu.memory_space<semaphore_mem>>)
      } else {
      }
      %add3A_136 = arith.addi %mul3A_28, %add3A_133 : i32
      %dma_wait3A_137 = arith.constant 0 : i32
      %dma_wait3A_138 = arith.constant 0 : i32
      %dma_wait3A_139 = tpu.memref_slice %arg7[%dma_wait3A_137, %dma_wait3A_138] : memref<2x128xi32, #tpu.memory_space<vmem>> -> memref<1x128xi32, #tpu.memory_space<vmem>>
      %dma_wait3A_140 = tpu.memref_squeeze %dma_wait3A_139 : memref<1x128xi32, #tpu.memory_space<vmem>> -> memref<128xi32, #tpu.memory_space<vmem>>
      %dma_wait3A_141 = arith.constant 0 : i32
      %dma_wait3A_142 = tpu.memref_slice %arg2[%add3A_136, %dma_wait3A_141] : memref<2560x128xi32, #tpu.memory_space<hbm>> -> memref<1x128xi32, #tpu.memory_space<hbm>>
      %dma_wait3A_143 = tpu.memref_squeeze %dma_wait3A_142 : memref<1x128xi32, #tpu.memory_space<hbm>> -> memref<128xi32, #tpu.memory_space<hbm>>
      %dma_wait3A_144 = arith.constant 0 : i32
      %dma_wait3A_145 = tpu.memref_slice %arg7[%dma_wait3A_137, %dma_wait3A_144] : memref<2x128xi32, #tpu.memory_space<vmem>> -> memref<1x128xi32, #tpu.memory_space<vmem>>
      %dma_wait3A_146 = tpu.memref_squeeze %dma_wait3A_145 : memref<1x128xi32, #tpu.memory_space<vmem>> -> memref<128xi32, #tpu.memory_space<vmem>>
      %dma_wait3A_147 = arith.constant 0 : i32
      %dma_wait3A_148 = tpu.memref_slice %arg2[%add3A_136, %dma_wait3A_147] : memref<2560x128xi32, #tpu.memory_space<hbm>> -> memref<1x128xi32, #tpu.memory_space<hbm>>
      %dma_wait3A_149 = tpu.memref_squeeze %dma_wait3A_148 : memref<1x128xi32, #tpu.memory_space<hbm>> -> memref<128xi32, #tpu.memory_space<hbm>>
      tpu.wait_dma2 semaphore(%arg14 : memref<!tpu.dma_semaphore, #tpu.memory_space<semaphore_mem>>) src(%dma_wait3A_149 : memref<128xi32, #tpu.memory_space<hbm>>) dst(%dma_wait3A_146 : memref<128xi32, #tpu.memory_space<vmem>>)
      %get3A = arith.constant 0 : i32
      %get3A_150 = arith.index_cast %get3A : i32 to index
      %get3A_151 = arith.constant 0 : index
      %get3A_152 = tpu.vector_load %arg7[%get3A_150, %get3A_151] {strides = array<i32>} : memref<2x128xi32, #tpu.memory_space<vmem>>, vector<1x16xi32>,
      %get3A_153 = vector.shape_cast %get3A_152 : vector<1x16xi32> to vector<16xi32>
      %get3A_154 = arith.index_cast %add3A_133 : i32 to index
      %get3A_155 = arith.constant 0 : index
      %get3A_156 = tpu.vector_load %arg6[%get3A_154, %get3A_155] {strides = array<i32>} : memref<80x128xi32, #tpu.memory_space<vmem>>, vector<1x16xi32>,
      %get3A_157 = vector.shape_cast %get3A_156 : vector<1x16xi32> to vector<16xi32>
      %eq3A = arith.cmpi eq, %get3A_153, %get3A_157 : vector<16xi32>
      %broadcast_in_dim3A = arith.constant 10000 : i32
      %broadcast_in_dim3A_158 = vector.broadcast %broadcast_in_dim3A : i32 to vector<16xi32>
      %select_n3A = arith.select %eq3A, %broadcast_in_dim3A_158, %get3A_153 : vector<16xi1>, vector<16xi32>
      %swap3A = arith.constant 0 : i32
      %swap3A_159 = arith.index_cast %swap3A : i32 to index
      %swap3A_160 = arith.constant 0 : index
      %swap3A_161 = tpu.vector_load %arg8[%swap3A_159, %swap3A_160] {strides = array<i32>} : memref<2x128xi32, #tpu.memory_space<vmem>>, vector<1x16xi32>,
      %swap3A_162 = vector.shape_cast %swap3A_161 : vector<1x16xi32> to vector<16xi32>
      %swap3A_163 = vector.shape_cast %select_n3A : vector<16xi32> to vector<1x16xi32>
      tpu.vector_store %arg8[%swap3A_159, %swap3A_160], %swap3A_163 {strides = array<i32>} : memref<2x128xi32, #tpu.memory_space<vmem>>, vector<1x16xi32>,
      %get3A_164 = arith.constant 0 : i32
      %get3A_165 = arith.index_cast %get3A_164 : i32 to index
      %get3A_166 = arith.constant 16 : index
      %get3A_167 = tpu.vector_load %arg7[%get3A_165, %get3A_166] {strides = array<i32>} : memref<2x128xi32, #tpu.memory_space<vmem>>, vector<1x16xi32>,
      %get3A_168 = vector.shape_cast %get3A_167 : vector<1x16xi32> to vector<16xi32>
      %get3A_169 = arith.index_cast %add3A_133 : i32 to index
      %get3A_170 = arith.constant 16 : index
      %get3A_171 = tpu.vector_load %arg6[%get3A_169, %get3A_170] {strides = array<i32>} : memref<80x128xi32, #tpu.memory_space<vmem>>, vector<1x16xi32>,
      %get3A_172 = vector.shape_cast %get3A_171 : vector<1x16xi32> to vector<16xi32>
      %eq3A_173 = arith.cmpi eq, %get3A_168, %get3A_172 : vector<16xi32>
      %broadcast_in_dim3A_174 = arith.constant 10000 : i32
      %broadcast_in_dim3A_175 = vector.broadcast %broadcast_in_dim3A_174 : i32 to vector<16xi32>
      %select_n3A_176 = arith.select %eq3A_173, %broadcast_in_dim3A_175, %get3A_168 : vector<16xi1>, vector<16xi32>
      %swap3A_177 = arith.constant 0 : i32
      %swap3A_178 = arith.index_cast %swap3A_177 : i32 to index
      %swap3A_179 = arith.constant 16 : index
      %swap3A_180 = tpu.vector_load %arg8[%swap3A_178, %swap3A_179] {strides = array<i32>} : memref<2x128xi32, #tpu.memory_space<vmem>>, vector<1x16xi32>,
      %swap3A_181 = vector.shape_cast %swap3A_180 : vector<1x16xi32> to vector<16xi32>
      %swap3A_182 = vector.shape_cast %select_n3A_176 : vector<16xi32> to vector<1x16xi32>
      tpu.vector_store %arg8[%swap3A_178, %swap3A_179], %swap3A_182 {strides = array<i32>} : memref<2x128xi32, #tpu.memory_space<vmem>>, vector<1x16xi32>,
      %get3A_183 = arith.constant 0 : i32
      %get3A_184 = arith.index_cast %get3A_183 : i32 to index
      %get3A_185 = arith.constant 32 : index
      %get3A_186 = tpu.vector_load %arg7[%get3A_184, %get3A_185] {strides = array<i32>} : memref<2x128xi32, #tpu.memory_space<vmem>>, vector<1x16xi32>,
      %get3A_187 = vector.shape_cast %get3A_186 : vector<1x16xi32> to vector<16xi32>
      %get3A_188 = arith.index_cast %add3A_133 : i32 to index
      %get3A_189 = arith.constant 32 : index
      %get3A_190 = tpu.vector_load %arg6[%get3A_188, %get3A_189] {strides = array<i32>} : memref<80x128xi32, #tpu.memory_space<vmem>>, vector<1x16xi32>,
      %get3A_191 = vector.shape_cast %get3A_190 : vector<1x16xi32> to vector<16xi32>
      %eq3A_192 = arith.cmpi eq, %get3A_187, %get3A_191 : vector<16xi32>
      %broadcast_in_dim3A_193 = arith.constant 10000 : i32
      %broadcast_in_dim3A_194 = vector.broadcast %broadcast_in_dim3A_193 : i32 to vector<16xi32>
      %select_n3A_195 = arith.select %eq3A_192, %broadcast_in_dim3A_194, %get3A_187 : vector<16xi1>, vector<16xi32>
      %swap3A_196 = arith.constant 0 : i32
      %swap3A_197 = arith.index_cast %swap3A_196 : i32 to index
      %swap3A_198 = arith.constant 32 : index
      %swap3A_199 = tpu.vector_load %arg8[%swap3A_197, %swap3A_198] {strides = array<i32>} : memref<2x128xi32, #tpu.memory_space<vmem>>, vector<1x16xi32>,
      %swap3A_200 = vector.shape_cast %swap3A_199 : vector<1x16xi32> to vector<16xi32>
      %swap3A_201 = vector.shape_cast %select_n3A_195 : vector<16xi32> to vector<1x16xi32>
      tpu.vector_store %arg8[%swap3A_197, %swap3A_198], %swap3A_201 {strides = array<i32>} : memref<2x128xi32, #tpu.memory_space<vmem>>, vector<1x16xi32>,
      %get3A_202 = arith.constant 0 : i32
      %get3A_203 = arith.index_cast %get3A_202 : i32 to index
      %get3A_204 = arith.constant 48 : index
      %get3A_205 = tpu.vector_load %arg7[%get3A_203, %get3A_204] {strides = array<i32>} : memref<2x128xi32, #tpu.memory_space<vmem>>, vector<1x16xi32>,
      %get3A_206 = vector.shape_cast %get3A_205 : vector<1x16xi32> to vector<16xi32>
      %get3A_207 = arith.index_cast %add3A_133 : i32 to index
      %get3A_208 = arith.constant 48 : index
      %get3A_209 = tpu.vector_load %arg6[%get3A_207, %get3A_208] {strides = array<i32>} : memref<80x128xi32, #tpu.memory_space<vmem>>, vector<1x16xi32>,
      %get3A_210 = vector.shape_cast %get3A_209 : vector<1x16xi32> to vector<16xi32>
      %eq3A_211 = arith.cmpi eq, %get3A_206, %get3A_210 : vector<16xi32>
      %broadcast_in_dim3A_212 = arith.constant 10000 : i32
      %broadcast_in_dim3A_213 = vector.broadcast %broadcast_in_dim3A_212 : i32 to vector<16xi32>
      %select_n3A_214 = arith.select %eq3A_211, %broadcast_in_dim3A_213, %get3A_206 : vector<16xi1>, vector<16xi32>
      %swap3A_215 = arith.constant 0 : i32
      %swap3A_216 = arith.index_cast %swap3A_215 : i32 to index
      %swap3A_217 = arith.constant 48 : index
      %swap3A_218 = tpu.vector_load %arg8[%swap3A_216, %swap3A_217] {strides = array<i32>} : memref<2x128xi32, #tpu.memory_space<vmem>>, vector<1x16xi32>,
      %swap3A_219 = vector.shape_cast %swap3A_218 : vector<1x16xi32> to vector<16xi32>
      %swap3A_220 = vector.shape_cast %select_n3A_214 : vector<16xi32> to vector<1x16xi32>
      tpu.vector_store %arg8[%swap3A_216, %swap3A_217], %swap3A_220 {strides = array<i32>} : memref<2x128xi32, #tpu.memory_space<vmem>>, vector<1x16xi32>,
      %get3A_221 = arith.constant 0 : i32
      %get3A_222 = arith.index_cast %get3A_221 : i32 to index
      %get3A_223 = arith.constant 64 : index
      %get3A_224 = tpu.vector_load %arg7[%get3A_222, %get3A_223] {strides = array<i32>} : memref<2x128xi32, #tpu.memory_space<vmem>>, vector<1x16xi32>,
      %get3A_225 = vector.shape_cast %get3A_224 : vector<1x16xi32> to vector<16xi32>
      %get3A_226 = arith.index_cast %add3A_133 : i32 to index
      %get3A_227 = arith.constant 64 : index
      %get3A_228 = tpu.vector_load %arg6[%get3A_226, %get3A_227] {strides = array<i32>} : memref<80x128xi32, #tpu.memory_space<vmem>>, vector<1x16xi32>,
      %get3A_229 = vector.shape_cast %get3A_228 : vector<1x16xi32> to vector<16xi32>
      %eq3A_230 = arith.cmpi eq, %get3A_225, %get3A_229 : vector<16xi32>
      %broadcast_in_dim3A_231 = arith.constant 10000 : i32
      %broadcast_in_dim3A_232 = vector.broadcast %broadcast_in_dim3A_231 : i32 to vector<16xi32>
      %select_n3A_233 = arith.select %eq3A_230, %broadcast_in_dim3A_232, %get3A_225 : vector<16xi1>, vector<16xi32>
      %swap3A_234 = arith.constant 0 : i32
      %swap3A_235 = arith.index_cast %swap3A_234 : i32 to index
      %swap3A_236 = arith.constant 64 : index
      %swap3A_237 = tpu.vector_load %arg8[%swap3A_235, %swap3A_236] {strides = array<i32>} : memref<2x128xi32, #tpu.memory_space<vmem>>, vector<1x16xi32>,
      %swap3A_238 = vector.shape_cast %swap3A_237 : vector<1x16xi32> to vector<16xi32>
      %swap3A_239 = vector.shape_cast %select_n3A_233 : vector<16xi32> to vector<1x16xi32>
      tpu.vector_store %arg8[%swap3A_235, %swap3A_236], %swap3A_239 {strides = array<i32>} : memref<2x128xi32, #tpu.memory_space<vmem>>, vector<1x16xi32>,
      %get3A_240 = arith.constant 0 : i32
      %get3A_241 = arith.index_cast %get3A_240 : i32 to index
      %get3A_242 = arith.constant 80 : index
      %get3A_243 = tpu.vector_load %arg7[%get3A_241, %get3A_242] {strides = array<i32>} : memref<2x128xi32, #tpu.memory_space<vmem>>, vector<1x16xi32>,
      %get3A_244 = vector.shape_cast %get3A_243 : vector<1x16xi32> to vector<16xi32>
      %get3A_245 = arith.index_cast %add3A_133 : i32 to index
      %get3A_246 = arith.constant 80 : index
      %get3A_247 = tpu.vector_load %arg6[%get3A_245, %get3A_246] {strides = array<i32>} : memref<80x128xi32, #tpu.memory_space<vmem>>, vector<1x16xi32>,
      %get3A_248 = vector.shape_cast %get3A_247 : vector<1x16xi32> to vector<16xi32>
      %eq3A_249 = arith.cmpi eq, %get3A_244, %get3A_248 : vector<16xi32>
      %broadcast_in_dim3A_250 = arith.constant 10000 : i32
      %broadcast_in_dim3A_251 = vector.broadcast %broadcast_in_dim3A_250 : i32 to vector<16xi32>
      %select_n3A_252 = arith.select %eq3A_249, %broadcast_in_dim3A_251, %get3A_244 : vector<16xi1>, vector<16xi32>
      %swap3A_253 = arith.constant 0 : i32
      %swap3A_254 = arith.index_cast %swap3A_253 : i32 to index
      %swap3A_255 = arith.constant 80 : index
      %swap3A_256 = tpu.vector_load %arg8[%swap3A_254, %swap3A_255] {strides = array<i32>} : memref<2x128xi32, #tpu.memory_space<vmem>>, vector<1x16xi32>,
      %swap3A_257 = vector.shape_cast %swap3A_256 : vector<1x16xi32> to vector<16xi32>
      %swap3A_258 = vector.shape_cast %select_n3A_252 : vector<16xi32> to vector<1x16xi32>
      tpu.vector_store %arg8[%swap3A_254, %swap3A_255], %swap3A_258 {strides = array<i32>} : memref<2x128xi32, #tpu.memory_space<vmem>>, vector<1x16xi32>,
      %get3A_259 = arith.constant 0 : i32
      %get3A_260 = arith.index_cast %get3A_259 : i32 to index
      %get3A_261 = arith.constant 96 : index
      %get3A_262 = tpu.vector_load %arg7[%get3A_260, %get3A_261] {strides = array<i32>} : memref<2x128xi32, #tpu.memory_space<vmem>>, vector<1x16xi32>,
      %get3A_263 = vector.shape_cast %get3A_262 : vector<1x16xi32> to vector<16xi32>
      %get3A_264 = arith.index_cast %add3A_133 : i32 to index
      %get3A_265 = arith.constant 96 : index
      %get3A_266 = tpu.vector_load %arg6[%get3A_264, %get3A_265] {strides = array<i32>} : memref<80x128xi32, #tpu.memory_space<vmem>>, vector<1x16xi32>,
      %get3A_267 = vector.shape_cast %get3A_266 : vector<1x16xi32> to vector<16xi32>
      %eq3A_268 = arith.cmpi eq, %get3A_263, %get3A_267 : vector<16xi32>
      %broadcast_in_dim3A_269 = arith.constant 10000 : i32
      %broadcast_in_dim3A_270 = vector.broadcast %broadcast_in_dim3A_269 : i32 to vector<16xi32>
      %select_n3A_271 = arith.select %eq3A_268, %broadcast_in_dim3A_270, %get3A_263 : vector<16xi1>, vector<16xi32>
      %swap3A_272 = arith.constant 0 : i32
      %swap3A_273 = arith.index_cast %swap3A_272 : i32 to index
      %swap3A_274 = arith.constant 96 : index
      %swap3A_275 = tpu.vector_load %arg8[%swap3A_273, %swap3A_274] {strides = array<i32>} : memref<2x128xi32, #tpu.memory_space<vmem>>, vector<1x16xi32>,
      %swap3A_276 = vector.shape_cast %swap3A_275 : vector<1x16xi32> to vector<16xi32>
      %swap3A_277 = vector.shape_cast %select_n3A_271 : vector<16xi32> to vector<1x16xi32>
      tpu.vector_store %arg8[%swap3A_273, %swap3A_274], %swap3A_277 {strides = array<i32>} : memref<2x128xi32, #tpu.memory_space<vmem>>, vector<1x16xi32>,
      %get3A_278 = arith.constant 0 : i32
      %get3A_279 = arith.index_cast %get3A_278 : i32 to index
      %get3A_280 = arith.constant 112 : index
      %get3A_281 = tpu.vector_load %arg7[%get3A_279, %get3A_280] {strides = array<i32>} : memref<2x128xi32, #tpu.memory_space<vmem>>, vector<1x16xi32>,
      %get3A_282 = vector.shape_cast %get3A_281 : vector<1x16xi32> to vector<16xi32>
      %get3A_283 = arith.index_cast %add3A_133 : i32 to index
      %get3A_284 = arith.constant 112 : index
      %get3A_285 = tpu.vector_load %arg6[%get3A_283, %get3A_284] {strides = array<i32>} : memref<80x128xi32, #tpu.memory_space<vmem>>, vector<1x16xi32>,
      %get3A_286 = vector.shape_cast %get3A_285 : vector<1x16xi32> to vector<16xi32>
      %eq3A_287 = arith.cmpi eq, %get3A_282, %get3A_286 : vector<16xi32>
      %broadcast_in_dim3A_288 = arith.constant 10000 : i32
      %broadcast_in_dim3A_289 = vector.broadcast %broadcast_in_dim3A_288 : i32 to vector<16xi32>
      %select_n3A_290 = arith.select %eq3A_287, %broadcast_in_dim3A_289, %get3A_282 : vector<16xi1>, vector<16xi32>
      %swap3A_291 = arith.constant 0 : i32
      %swap3A_292 = arith.index_cast %swap3A_291 : i32 to index
      %swap3A_293 = arith.constant 112 : index
      %swap3A_294 = tpu.vector_load %arg8[%swap3A_292, %swap3A_293] {strides = array<i32>} : memref<2x128xi32, #tpu.memory_space<vmem>>, vector<1x16xi32>,
      %swap3A_295 = vector.shape_cast %swap3A_294 : vector<1x16xi32> to vector<16xi32>
      %swap3A_296 = vector.shape_cast %select_n3A_290 : vector<16xi32> to vector<1x16xi32>
      tpu.vector_store %arg8[%swap3A_292, %swap3A_293], %swap3A_296 {strides = array<i32>} : memref<2x128xi32, #tpu.memory_space<vmem>>, vector<1x16xi32>,
      %lt3A = arith.constant 39 : i32
      %lt3A_297 = arith.cmpi slt, %scan3A_128, %lt3A : i32
      %convert_element_type3A_298 = arith.extui %lt3A_297 : i1 to i32
      %cond3A_299 = arith.constant 0 : i32
      %cond3A_300 = arith.cmpi ne, %convert_element_type3A_298, %cond3A_299 : i32
      scf.if %cond3A_300 {
        %add3A_508 = arith.addi %mul3A_28, %add3A_133 : i32
        %add3A_509 = arith.constant 2 : i32
        %add3A_510 = arith.addi %add3A_508, %add3A_509 : i32
        %dma_start3A_511 = arith.constant 0 : i32
        %dma_start3A_512 = arith.constant 0 : i32
        %dma_start3A_513 = tpu.memref_slice %arg7[%dma_start3A_511, %dma_start3A_512] : memref<2x128xi32, #tpu.memory_space<vmem>> -> memref<1x128xi32, #tpu.memory_space<vmem>>
        %dma_start3A_514 = tpu.memref_squeeze %dma_start3A_513 : memref<1x128xi32, #tpu.memory_space<vmem>> -> memref<128xi32, #tpu.memory_space<vmem>>
        %dma_start3A_515 = arith.constant 0 : i32
        %dma_start3A_516 = tpu.memref_slice %arg2[%add3A_510, %dma_start3A_515] : memref<2560x128xi32, #tpu.memory_space<hbm>> -> memref<1x128xi32, #tpu.memory_space<hbm>>
        %dma_start3A_517 = tpu.memref_squeeze %dma_start3A_516 : memref<1x128xi32, #tpu.memory_space<hbm>> -> memref<128xi32, #tpu.memory_space<hbm>>
        %dma_start3A_518 = arith.constant 0 : i32
        %dma_start3A_519 = tpu.memref_slice %arg7[%dma_start3A_511, %dma_start3A_518] : memref<2x128xi32, #tpu.memory_space<vmem>> -> memref<1x128xi32, #tpu.memory_space<vmem>>
        %dma_start3A_520 = tpu.memref_squeeze %dma_start3A_519 : memref<1x128xi32, #tpu.memory_space<vmem>> -> memref<128xi32, #tpu.memory_space<vmem>>
        %dma_start3A_521 = arith.constant 0 : i32
        %dma_start3A_522 = tpu.memref_slice %arg2[%add3A_510, %dma_start3A_521] : memref<2560x128xi32, #tpu.memory_space<hbm>> -> memref<1x128xi32, #tpu.memory_space<hbm>>
        %dma_start3A_523 = tpu.memref_squeeze %dma_start3A_522 : memref<1x128xi32, #tpu.memory_space<hbm>> -> memref<128xi32, #tpu.memory_space<hbm>>
        tpu.enqueue_dma source(%dma_start3A_523 : memref<128xi32, #tpu.memory_space<hbm>>) target(%dma_start3A_520 : memref<128xi32, #tpu.memory_space<vmem>>) target_semaphore(%arg14 : memref<!tpu.dma_semaphore, #tpu.memory_space<semaphore_mem>>)
      } else {
      }
      %dma_wait3A_301 = arith.constant 0 : i32
      %dma_wait3A_302 = tpu.memref_slice %arg6[%add3A_133, %dma_wait3A_301] : memref<80x128xi32, #tpu.memory_space<vmem>> -> memref<1x128xi32, #tpu.memory_space<vmem>>
      %dma_wait3A_303 = tpu.memref_squeeze %dma_wait3A_302 : memref<1x128xi32, #tpu.memory_space<vmem>> -> memref<128xi32, #tpu.memory_space<vmem>>
      %dma_wait3A_304 = arith.constant 0 : i32
      %dma_wait3A_305 = arith.constant 0 : i32
      %dma_wait3A_306 = tpu.memref_slice %arg4[%dma_wait3A_304, %dma_wait3A_305] : memref<10000x128xf32, #tpu.memory_space<hbm>> -> memref<10000x128xf32, #tpu.memory_space<hbm>>
      tpu.wait_indirect_dma semaphore(%arg12 : memref<!tpu.dma_semaphore, #tpu.memory_space<semaphore_mem>>) src(%dma_wait3A_306 : memref<10000x128xf32, #tpu.memory_space<hbm>>) dst(%arg9 : memref<128x128xf32, #tpu.memory_space<vmem>>)
      %dma_start3A_307 = arith.constant 0 : i32
      %dma_start3A_308 = arith.constant 0 : i32
      %dma_start3A_309 = tpu.memref_slice %arg8[%dma_start3A_307, %dma_start3A_308] : memref<2x128xi32, #tpu.memory_space<vmem>> -> memref<1x128xi32, #tpu.memory_space<vmem>>
      %dma_start3A_310 = tpu.memref_squeeze %dma_start3A_309 : memref<1x128xi32, #tpu.memory_space<vmem>> -> memref<128xi32, #tpu.memory_space<vmem>>
      %dma_start3A_311 = arith.constant 0 : i32
      %dma_start3A_312 = arith.constant 0 : i32
      %dma_start3A_313 = tpu.memref_slice %arg11[%dma_start3A_311, %dma_start3A_312] : memref<10240x128xf32, #tpu.memory_space<vmem_shared>> -> memref<10240x128xf32, #tpu.memory_space<vmem_shared>>
      tpu.enqueue_indirect_dma source(%arg9 : memref<128x128xf32, #tpu.memory_space<vmem>>) target(%dma_start3A_313 : memref<10240x128xf32, #tpu.memory_space<vmem_shared>>) offsets(%dma_start3A_310 : memref<128xi32, #tpu.memory_space<vmem>>) semaphore(%arg16 : memref<!tpu.dma_semaphore, #tpu.memory_space<semaphore_mem>>) {add = true}
      %mul3A_314 = arith.constant 2 : i32
      %mul3A_315 = arith.muli %scan3A_128, %mul3A_314 : i32
      %add3A_316 = arith.constant 1 : i32
      %add3A_317 = arith.addi %mul3A_315, %add3A_316 : i32
      %ge3A_318 = arith.constant 1 : i32
      %ge3A_319 = arith.cmpi sge, %scan3A_128, %ge3A_318 : i32
      %convert_element_type3A_320 = arith.extui %ge3A_319 : i1 to i32
      %cond3A_321 = arith.constant 0 : i32
      %cond3A_322 = arith.cmpi ne, %convert_element_type3A_320, %cond3A_321 : i32
      scf.if %cond3A_322 {
        %dma_wait3A_508 = arith.constant 1 : i32
        %dma_wait3A_509 = arith.constant 0 : i32
        %dma_wait3A_510 = tpu.memref_slice %arg8[%dma_wait3A_508, %dma_wait3A_509] : memref<2x128xi32, #tpu.memory_space<vmem>> -> memref<1x128xi32, #tpu.memory_space<vmem>>
        %dma_wait3A_511 = tpu.memref_squeeze %dma_wait3A_510 : memref<1x128xi32, #tpu.memory_space<vmem>> -> memref<128xi32, #tpu.memory_space<vmem>>
        %dma_wait3A_512 = arith.constant 0 : i32
        %dma_wait3A_513 = arith.constant 0 : i32
        %dma_wait3A_514 = tpu.memref_slice %arg11[%dma_wait3A_512, %dma_wait3A_513] : memref<10240x128xf32, #tpu.memory_space<vmem_shared>> -> memref<10240x128xf32, #tpu.memory_space<vmem_shared>>
        tpu.wait_indirect_dma semaphore(%arg17 : memref<!tpu.dma_semaphore, #tpu.memory_space<semaphore_mem>>) src(%arg10 : memref<128x128xf32, #tpu.memory_space<vmem>>) dst(%dma_wait3A_514 : memref<10240x128xf32, #tpu.memory_space<vmem_shared>>)
        %dma_start3A_515 = arith.constant 0 : i32
        %dma_start3A_516 = tpu.memref_slice %arg6[%add3A_317, %dma_start3A_515] : memref<80x128xi32, #tpu.memory_space<vmem>> -> memref<1x128xi32, #tpu.memory_space<vmem>>
        %dma_start3A_517 = tpu.memref_squeeze %dma_start3A_516 : memref<1x128xi32, #tpu.memory_space<vmem>> -> memref<128xi32, #tpu.memory_space<vmem>>
        %dma_start3A_518 = arith.constant 0 : i32
        %dma_start3A_519 = arith.constant 0 : i32
        %dma_start3A_520 = tpu.memref_slice %arg4[%dma_start3A_518, %dma_start3A_519] : memref<10000x128xf32, #tpu.memory_space<hbm>> -> memref<10000x128xf32, #tpu.memory_space<hbm>>
        tpu.enqueue_indirect_dma source(%dma_start3A_520 : memref<10000x128xf32, #tpu.memory_space<hbm>>) target(%arg10 : memref<128x128xf32, #tpu.memory_space<vmem>>) offsets(%dma_start3A_517 : memref<128xi32, #tpu.memory_space<vmem>>) semaphore(%arg13 : memref<!tpu.dma_semaphore, #tpu.memory_space<semaphore_mem>>)
      } else {
      }
      %add3A_323 = arith.addi %mul3A_28, %add3A_317 : i32
      %dma_wait3A_324 = arith.constant 1 : i32
      %dma_wait3A_325 = arith.constant 0 : i32
      %dma_wait3A_326 = tpu.memref_slice %arg7[%dma_wait3A_324, %dma_wait3A_325] : memref<2x128xi32, #tpu.memory_space<vmem>> -> memref<1x128xi32, #tpu.memory_space<vmem>>
      %dma_wait3A_327 = tpu.memref_squeeze %dma_wait3A_326 : memref<1x128xi32, #tpu.memory_space<vmem>> -> memref<128xi32, #tpu.memory_space<vmem>>
      %dma_wait3A_328 = arith.constant 0 : i32
      %dma_wait3A_329 = tpu.memref_slice %arg2[%add3A_323, %dma_wait3A_328] : memref<2560x128xi32, #tpu.memory_space<hbm>> -> memref<1x128xi32, #tpu.memory_space<hbm>>
      %dma_wait3A_330 = tpu.memref_squeeze %dma_wait3A_329 : memref<1x128xi32, #tpu.memory_space<hbm>> -> memref<128xi32, #tpu.memory_space<hbm>>
      %dma_wait3A_331 = arith.constant 0 : i32
      %dma_wait3A_332 = tpu.memref_slice %arg7[%dma_wait3A_324, %dma_wait3A_331] : memref<2x128xi32, #tpu.memory_space<vmem>> -> memref<1x128xi32, #tpu.memory_space<vmem>>
      %dma_wait3A_333 = tpu.memref_squeeze %dma_wait3A_332 : memref<1x128xi32, #tpu.memory_space<vmem>> -> memref<128xi32, #tpu.memory_space<vmem>>
      %dma_wait3A_334 = arith.constant 0 : i32
      %dma_wait3A_335 = tpu.memref_slice %arg2[%add3A_323, %dma_wait3A_334] : memref<2560x128xi32, #tpu.memory_space<hbm>> -> memref<1x128xi32, #tpu.memory_space<hbm>>
      %dma_wait3A_336 = tpu.memref_squeeze %dma_wait3A_335 : memref<1x128xi32, #tpu.memory_space<hbm>> -> memref<128xi32, #tpu.memory_space<hbm>>
      tpu.wait_dma2 semaphore(%arg15 : memref<!tpu.dma_semaphore, #tpu.memory_space<semaphore_mem>>) src(%dma_wait3A_336 : memref<128xi32, #tpu.memory_space<hbm>>) dst(%dma_wait3A_333 : memref<128xi32, #tpu.memory_space<vmem>>)
      %get3A_337 = arith.constant 1 : i32
      %get3A_338 = arith.index_cast %get3A_337 : i32 to index
      %get3A_339 = arith.constant 0 : index
      %get3A_340 = tpu.vector_load %arg7[%get3A_338, %get3A_339] {strides = array<i32>} : memref<2x128xi32, #tpu.memory_space<vmem>>, vector<1x16xi32>,
      %get3A_341 = vector.shape_cast %get3A_340 : vector<1x16xi32> to vector<16xi32>
      %get3A_342 = arith.index_cast %add3A_317 : i32 to index
      %get3A_343 = arith.constant 0 : index
      %get3A_344 = tpu.vector_load %arg6[%get3A_342, %get3A_343] {strides = array<i32>} : memref<80x128xi32, #tpu.memory_space<vmem>>, vector<1x16xi32>,
      %get3A_345 = vector.shape_cast %get3A_344 : vector<1x16xi32> to vector<16xi32>
      %eq3A_346 = arith.cmpi eq, %get3A_341, %get3A_345 : vector<16xi32>
      %broadcast_in_dim3A_347 = arith.constant 10000 : i32
      %broadcast_in_dim3A_348 = vector.broadcast %broadcast_in_dim3A_347 : i32 to vector<16xi32>
      %select_n3A_349 = arith.select %eq3A_346, %broadcast_in_dim3A_348, %get3A_341 : vector<16xi1>, vector<16xi32>
      %swap3A_350 = arith.constant 1 : i32
      %swap3A_351 = arith.index_cast %swap3A_350 : i32 to index
      %swap3A_352 = arith.constant 0 : index
      %swap3A_353 = tpu.vector_load %arg8[%swap3A_351, %swap3A_352] {strides = array<i32>} : memref<2x128xi32, #tpu.memory_space<vmem>>, vector<1x16xi32>,
      %swap3A_354 = vector.shape_cast %swap3A_353 : vector<1x16xi32> to vector<16xi32>
      %swap3A_355 = vector.shape_cast %select_n3A_349 : vector<16xi32> to vector<1x16xi32>
      tpu.vector_store %arg8[%swap3A_351, %swap3A_352], %swap3A_355 {strides = array<i32>} : memref<2x128xi32, #tpu.memory_space<vmem>>, vector<1x16xi32>,
      %get3A_356 = arith.constant 1 : i32
      %get3A_357 = arith.index_cast %get3A_356 : i32 to index
      %get3A_358 = arith.constant 16 : index
      %get3A_359 = tpu.vector_load %arg7[%get3A_357, %get3A_358] {strides = array<i32>} : memref<2x128xi32, #tpu.memory_space<vmem>>, vector<1x16xi32>,
      %get3A_360 = vector.shape_cast %get3A_359 : vector<1x16xi32> to vector<16xi32>
      %get3A_361 = arith.index_cast %add3A_317 : i32 to index
      %get3A_362 = arith.constant 16 : index
      %get3A_363 = tpu.vector_load %arg6[%get3A_361, %get3A_362] {strides = array<i32>} : memref<80x128xi32, #tpu.memory_space<vmem>>, vector<1x16xi32>,
      %get3A_364 = vector.shape_cast %get3A_363 : vector<1x16xi32> to vector<16xi32>
      %eq3A_365 = arith.cmpi eq, %get3A_360, %get3A_364 : vector<16xi32>
      %broadcast_in_dim3A_366 = arith.constant 10000 : i32
      %broadcast_in_dim3A_367 = vector.broadcast %broadcast_in_dim3A_366 : i32 to vector<16xi32>
      %select_n3A_368 = arith.select %eq3A_365, %broadcast_in_dim3A_367, %get3A_360 : vector<16xi1>, vector<16xi32>
      %swap3A_369 = arith.constant 1 : i32
      %swap3A_370 = arith.index_cast %swap3A_369 : i32 to index
      %swap3A_371 = arith.constant 16 : index
      %swap3A_372 = tpu.vector_load %arg8[%swap3A_370, %swap3A_371] {strides = array<i32>} : memref<2x128xi32, #tpu.memory_space<vmem>>, vector<1x16xi32>,
      %swap3A_373 = vector.shape_cast %swap3A_372 : vector<1x16xi32> to vector<16xi32>
      %swap3A_374 = vector.shape_cast %select_n3A_368 : vector<16xi32> to vector<1x16xi32>
      tpu.vector_store %arg8[%swap3A_370, %swap3A_371], %swap3A_374 {strides = array<i32>} : memref<2x128xi32, #tpu.memory_space<vmem>>, vector<1x16xi32>,
      %get3A_375 = arith.constant 1 : i32
      %get3A_376 = arith.index_cast %get3A_375 : i32 to index
      %get3A_377 = arith.constant 32 : index
      %get3A_378 = tpu.vector_load %arg7[%get3A_376, %get3A_377] {strides = array<i32>} : memref<2x128xi32, #tpu.memory_space<vmem>>, vector<1x16xi32>,
      %get3A_379 = vector.shape_cast %get3A_378 : vector<1x16xi32> to vector<16xi32>
      %get3A_380 = arith.index_cast %add3A_317 : i32 to index
      %get3A_381 = arith.constant 32 : index
      %get3A_382 = tpu.vector_load %arg6[%get3A_380, %get3A_381] {strides = array<i32>} : memref<80x128xi32, #tpu.memory_space<vmem>>, vector<1x16xi32>,
      %get3A_383 = vector.shape_cast %get3A_382 : vector<1x16xi32> to vector<16xi32>
      %eq3A_384 = arith.cmpi eq, %get3A_379, %get3A_383 : vector<16xi32>
      %broadcast_in_dim3A_385 = arith.constant 10000 : i32
      %broadcast_in_dim3A_386 = vector.broadcast %broadcast_in_dim3A_385 : i32 to vector<16xi32>
      %select_n3A_387 = arith.select %eq3A_384, %broadcast_in_dim3A_386, %get3A_379 : vector<16xi1>, vector<16xi32>
      %swap3A_388 = arith.constant 1 : i32
      %swap3A_389 = arith.index_cast %swap3A_388 : i32 to index
      %swap3A_390 = arith.constant 32 : index
      %swap3A_391 = tpu.vector_load %arg8[%swap3A_389, %swap3A_390] {strides = array<i32>} : memref<2x128xi32, #tpu.memory_space<vmem>>, vector<1x16xi32>,
      %swap3A_392 = vector.shape_cast %swap3A_391 : vector<1x16xi32> to vector<16xi32>
      %swap3A_393 = vector.shape_cast %select_n3A_387 : vector<16xi32> to vector<1x16xi32>
      tpu.vector_store %arg8[%swap3A_389, %swap3A_390], %swap3A_393 {strides = array<i32>} : memref<2x128xi32, #tpu.memory_space<vmem>>, vector<1x16xi32>,
      %get3A_394 = arith.constant 1 : i32
      %get3A_395 = arith.index_cast %get3A_394 : i32 to index
      %get3A_396 = arith.constant 48 : index
      %get3A_397 = tpu.vector_load %arg7[%get3A_395, %get3A_396] {strides = array<i32>} : memref<2x128xi32, #tpu.memory_space<vmem>>, vector<1x16xi32>,
      %get3A_398 = vector.shape_cast %get3A_397 : vector<1x16xi32> to vector<16xi32>
      %get3A_399 = arith.index_cast %add3A_317 : i32 to index
      %get3A_400 = arith.constant 48 : index
      %get3A_401 = tpu.vector_load %arg6[%get3A_399, %get3A_400] {strides = array<i32>} : memref<80x128xi32, #tpu.memory_space<vmem>>, vector<1x16xi32>,
      %get3A_402 = vector.shape_cast %get3A_401 : vector<1x16xi32> to vector<16xi32>
      %eq3A_403 = arith.cmpi eq, %get3A_398, %get3A_402 : vector<16xi32>
      %broadcast_in_dim3A_404 = arith.constant 10000 : i32
      %broadcast_in_dim3A_405 = vector.broadcast %broadcast_in_dim3A_404 : i32 to vector<16xi32>
      %select_n3A_406 = arith.select %eq3A_403, %broadcast_in_dim3A_405, %get3A_398 : vector<16xi1>, vector<16xi32>
      %swap3A_407 = arith.constant 1 : i32
      %swap3A_408 = arith.index_cast %swap3A_407 : i32 to index
      %swap3A_409 = arith.constant 48 : index
      %swap3A_410 = tpu.vector_load %arg8[%swap3A_408, %swap3A_409] {strides = array<i32>} : memref<2x128xi32, #tpu.memory_space<vmem>>, vector<1x16xi32>,
      %swap3A_411 = vector.shape_cast %swap3A_410 : vector<1x16xi32> to vector<16xi32>
      %swap3A_412 = vector.shape_cast %select_n3A_406 : vector<16xi32> to vector<1x16xi32>
      tpu.vector_store %arg8[%swap3A_408, %swap3A_409], %swap3A_412 {strides = array<i32>} : memref<2x128xi32, #tpu.memory_space<vmem>>, vector<1x16xi32>,
      %get3A_413 = arith.constant 1 : i32
      %get3A_414 = arith.index_cast %get3A_413 : i32 to index
      %get3A_415 = arith.constant 64 : index
      %get3A_416 = tpu.vector_load %arg7[%get3A_414, %get3A_415] {strides = array<i32>} : memref<2x128xi32, #tpu.memory_space<vmem>>, vector<1x16xi32>,
      %get3A_417 = vector.shape_cast %get3A_416 : vector<1x16xi32> to vector<16xi32>
      %get3A_418 = arith.index_cast %add3A_317 : i32 to index
      %get3A_419 = arith.constant 64 : index
      %get3A_420 = tpu.vector_load %arg6[%get3A_418, %get3A_419] {strides = array<i32>} : memref<80x128xi32, #tpu.memory_space<vmem>>, vector<1x16xi32>,
      %get3A_421 = vector.shape_cast %get3A_420 : vector<1x16xi32> to vector<16xi32>
      %eq3A_422 = arith.cmpi eq, %get3A_417, %get3A_421 : vector<16xi32>
      %broadcast_in_dim3A_423 = arith.constant 10000 : i32
      %broadcast_in_dim3A_424 = vector.broadcast %broadcast_in_dim3A_423 : i32 to vector<16xi32>
      %select_n3A_425 = arith.select %eq3A_422, %broadcast_in_dim3A_424, %get3A_417 : vector<16xi1>, vector<16xi32>
      %swap3A_426 = arith.constant 1 : i32
      %swap3A_427 = arith.index_cast %swap3A_426 : i32 to index
      %swap3A_428 = arith.constant 64 : index
      %swap3A_429 = tpu.vector_load %arg8[%swap3A_427, %swap3A_428] {strides = array<i32>} : memref<2x128xi32, #tpu.memory_space<vmem>>, vector<1x16xi32>,
      %swap3A_430 = vector.shape_cast %swap3A_429 : vector<1x16xi32> to vector<16xi32>
      %swap3A_431 = vector.shape_cast %select_n3A_425 : vector<16xi32> to vector<1x16xi32>
      tpu.vector_store %arg8[%swap3A_427, %swap3A_428], %swap3A_431 {strides = array<i32>} : memref<2x128xi32, #tpu.memory_space<vmem>>, vector<1x16xi32>,
      %get3A_432 = arith.constant 1 : i32
      %get3A_433 = arith.index_cast %get3A_432 : i32 to index
      %get3A_434 = arith.constant 80 : index
      %get3A_435 = tpu.vector_load %arg7[%get3A_433, %get3A_434] {strides = array<i32>} : memref<2x128xi32, #tpu.memory_space<vmem>>, vector<1x16xi32>,
      %get3A_436 = vector.shape_cast %get3A_435 : vector<1x16xi32> to vector<16xi32>
      %get3A_437 = arith.index_cast %add3A_317 : i32 to index
      %get3A_438 = arith.constant 80 : index
      %get3A_439 = tpu.vector_load %arg6[%get3A_437, %get3A_438] {strides = array<i32>} : memref<80x128xi32, #tpu.memory_space<vmem>>, vector<1x16xi32>,
      %get3A_440 = vector.shape_cast %get3A_439 : vector<1x16xi32> to vector<16xi32>
      %eq3A_441 = arith.cmpi eq, %get3A_436, %get3A_440 : vector<16xi32>
      %broadcast_in_dim3A_442 = arith.constant 10000 : i32
      %broadcast_in_dim3A_443 = vector.broadcast %broadcast_in_dim3A_442 : i32 to vector<16xi32>
      %select_n3A_444 = arith.select %eq3A_441, %broadcast_in_dim3A_443, %get3A_436 : vector<16xi1>, vector<16xi32>
      %swap3A_445 = arith.constant 1 : i32
      %swap3A_446 = arith.index_cast %swap3A_445 : i32 to index
      %swap3A_447 = arith.constant 80 : index
      %swap3A_448 = tpu.vector_load %arg8[%swap3A_446, %swap3A_447] {strides = array<i32>} : memref<2x128xi32, #tpu.memory_space<vmem>>, vector<1x16xi32>,
      %swap3A_449 = vector.shape_cast %swap3A_448 : vector<1x16xi32> to vector<16xi32>
      %swap3A_450 = vector.shape_cast %select_n3A_444 : vector<16xi32> to vector<1x16xi32>
      tpu.vector_store %arg8[%swap3A_446, %swap3A_447], %swap3A_450 {strides = array<i32>} : memref<2x128xi32, #tpu.memory_space<vmem>>, vector<1x16xi32>,
      %get3A_451 = arith.constant 1 : i32
      %get3A_452 = arith.index_cast %get3A_451 : i32 to index
      %get3A_453 = arith.constant 96 : index
      %get3A_454 = tpu.vector_load %arg7[%get3A_452, %get3A_453] {strides = array<i32>} : memref<2x128xi32, #tpu.memory_space<vmem>>, vector<1x16xi32>,
      %get3A_455 = vector.shape_cast %get3A_454 : vector<1x16xi32> to vector<16xi32>
      %get3A_456 = arith.index_cast %add3A_317 : i32 to index
      %get3A_457 = arith.constant 96 : index
      %get3A_458 = tpu.vector_load %arg6[%get3A_456, %get3A_457] {strides = array<i32>} : memref<80x128xi32, #tpu.memory_space<vmem>>, vector<1x16xi32>,
      %get3A_459 = vector.shape_cast %get3A_458 : vector<1x16xi32> to vector<16xi32>
      %eq3A_460 = arith.cmpi eq, %get3A_455, %get3A_459 : vector<16xi32>
      %broadcast_in_dim3A_461 = arith.constant 10000 : i32
      %broadcast_in_dim3A_462 = vector.broadcast %broadcast_in_dim3A_461 : i32 to vector<16xi32>
      %select_n3A_463 = arith.select %eq3A_460, %broadcast_in_dim3A_462, %get3A_455 : vector<16xi1>, vector<16xi32>
      %swap3A_464 = arith.constant 1 : i32
      %swap3A_465 = arith.index_cast %swap3A_464 : i32 to index
      %swap3A_466 = arith.constant 96 : index
      %swap3A_467 = tpu.vector_load %arg8[%swap3A_465, %swap3A_466] {strides = array<i32>} : memref<2x128xi32, #tpu.memory_space<vmem>>, vector<1x16xi32>,
      %swap3A_468 = vector.shape_cast %swap3A_467 : vector<1x16xi32> to vector<16xi32>
      %swap3A_469 = vector.shape_cast %select_n3A_463 : vector<16xi32> to vector<1x16xi32>
      tpu.vector_store %arg8[%swap3A_465, %swap3A_466], %swap3A_469 {strides = array<i32>} : memref<2x128xi32, #tpu.memory_space<vmem>>, vector<1x16xi32>,
      %get3A_470 = arith.constant 1 : i32
      %get3A_471 = arith.index_cast %get3A_470 : i32 to index
      %get3A_472 = arith.constant 112 : index
      %get3A_473 = tpu.vector_load %arg7[%get3A_471, %get3A_472] {strides = array<i32>} : memref<2x128xi32, #tpu.memory_space<vmem>>, vector<1x16xi32>,
      %get3A_474 = vector.shape_cast %get3A_473 : vector<1x16xi32> to vector<16xi32>
      %get3A_475 = arith.index_cast %add3A_317 : i32 to index
      %get3A_476 = arith.constant 112 : index
      %get3A_477 = tpu.vector_load %arg6[%get3A_475, %get3A_476] {strides = array<i32>} : memref<80x128xi32, #tpu.memory_space<vmem>>, vector<1x16xi32>,
      %get3A_478 = vector.shape_cast %get3A_477 : vector<1x16xi32> to vector<16xi32>
      %eq3A_479 = arith.cmpi eq, %get3A_474, %get3A_478 : vector<16xi32>
      %broadcast_in_dim3A_480 = arith.constant 10000 : i32
      %broadcast_in_dim3A_481 = vector.broadcast %broadcast_in_dim3A_480 : i32 to vector<16xi32>
      %select_n3A_482 = arith.select %eq3A_479, %broadcast_in_dim3A_481, %get3A_474 : vector<16xi1>, vector<16xi32>
      %swap3A_483 = arith.constant 1 : i32
      %swap3A_484 = arith.index_cast %swap3A_483 : i32 to index
      %swap3A_485 = arith.constant 112 : index
      %swap3A_486 = tpu.vector_load %arg8[%swap3A_484, %swap3A_485] {strides = array<i32>} : memref<2x128xi32, #tpu.memory_space<vmem>>, vector<1x16xi32>,
      %swap3A_487 = vector.shape_cast %swap3A_486 : vector<1x16xi32> to vector<16xi32>
      %swap3A_488 = vector.shape_cast %select_n3A_482 : vector<16xi32> to vector<1x16xi32>
      tpu.vector_store %arg8[%swap3A_484, %swap3A_485], %swap3A_488 {strides = array<i32>} : memref<2x128xi32, #tpu.memory_space<vmem>>, vector<1x16xi32>,
      %lt3A_489 = arith.constant 39 : i32
      %lt3A_490 = arith.cmpi slt, %scan3A_128, %lt3A_489 : i32
      %convert_element_type3A_491 = arith.extui %lt3A_490 : i1 to i32
      %cond3A_492 = arith.constant 0 : i32
      %cond3A_493 = arith.cmpi ne, %convert_element_type3A_491, %cond3A_492 : i32
      scf.if %cond3A_493 {
        %add3A_508 = arith.addi %mul3A_28, %add3A_317 : i32
        %add3A_509 = arith.constant 2 : i32
        %add3A_510 = arith.addi %add3A_508, %add3A_509 : i32
        %dma_start3A_511 = arith.constant 1 : i32
        %dma_start3A_512 = arith.constant 0 : i32
        %dma_start3A_513 = tpu.memref_slice %arg7[%dma_start3A_511, %dma_start3A_512] : memref<2x128xi32, #tpu.memory_space<vmem>> -> memref<1x128xi32, #tpu.memory_space<vmem>>
        %dma_start3A_514 = tpu.memref_squeeze %dma_start3A_513 : memref<1x128xi32, #tpu.memory_space<vmem>> -> memref<128xi32, #tpu.memory_space<vmem>>
        %dma_start3A_515 = arith.constant 0 : i32
        %dma_start3A_516 = tpu.memref_slice %arg2[%add3A_510, %dma_start3A_515] : memref<2560x128xi32, #tpu.memory_space<hbm>> -> memref<1x128xi32, #tpu.memory_space<hbm>>
        %dma_start3A_517 = tpu.memref_squeeze %dma_start3A_516 : memref<1x128xi32, #tpu.memory_space<hbm>> -> memref<128xi32, #tpu.memory_space<hbm>>
        %dma_start3A_518 = arith.constant 0 : i32
        %dma_start3A_519 = tpu.memref_slice %arg7[%dma_start3A_511, %dma_start3A_518] : memref<2x128xi32, #tpu.memory_space<vmem>> -> memref<1x128xi32, #tpu.memory_space<vmem>>
        %dma_start3A_520 = tpu.memref_squeeze %dma_start3A_519 : memref<1x128xi32, #tpu.memory_space<vmem>> -> memref<128xi32, #tpu.memory_space<vmem>>
        %dma_start3A_521 = arith.constant 0 : i32
        %dma_start3A_522 = tpu.memref_slice %arg2[%add3A_510, %dma_start3A_521] : memref<2560x128xi32, #tpu.memory_space<hbm>> -> memref<1x128xi32, #tpu.memory_space<hbm>>
        %dma_start3A_523 = tpu.memref_squeeze %dma_start3A_522 : memref<1x128xi32, #tpu.memory_space<hbm>> -> memref<128xi32, #tpu.memory_space<hbm>>
        tpu.enqueue_dma source(%dma_start3A_523 : memref<128xi32, #tpu.memory_space<hbm>>) target(%dma_start3A_520 : memref<128xi32, #tpu.memory_space<vmem>>) target_semaphore(%arg15 : memref<!tpu.dma_semaphore, #tpu.memory_space<semaphore_mem>>)
      } else {
      }
      %dma_wait3A_494 = arith.constant 0 : i32
      %dma_wait3A_495 = tpu.memref_slice %arg6[%add3A_317, %dma_wait3A_494] : memref<80x128xi32, #tpu.memory_space<vmem>> -> memref<1x128xi32, #tpu.memory_space<vmem>>
      %dma_wait3A_496 = tpu.memref_squeeze %dma_wait3A_495 : memref<1x128xi32, #tpu.memory_space<vmem>> -> memref<128xi32, #tpu.memory_space<vmem>>
      %dma_wait3A_497 = arith.constant 0 : i32
      %dma_wait3A_498 = arith.constant 0 : i32
      %dma_wait3A_499 = tpu.memref_slice %arg4[%dma_wait3A_497, %dma_wait3A_498] : memref<10000x128xf32, #tpu.memory_space<hbm>> -> memref<10000x128xf32, #tpu.memory_space<hbm>>
      tpu.wait_indirect_dma semaphore(%arg13 : memref<!tpu.dma_semaphore, #tpu.memory_space<semaphore_mem>>) src(%dma_wait3A_499 : memref<10000x128xf32, #tpu.memory_space<hbm>>) dst(%arg10 : memref<128x128xf32, #tpu.memory_space<vmem>>)
      %dma_start3A_500 = arith.constant 1 : i32
      %dma_start3A_501 = arith.constant 0 : i32
      %dma_start3A_502 = tpu.memref_slice %arg8[%dma_start3A_500, %dma_start3A_501] : memref<2x128xi32, #tpu.memory_space<vmem>> -> memref<1x128xi32, #tpu.memory_space<vmem>>
      %dma_start3A_503 = tpu.memref_squeeze %dma_start3A_502 : memref<1x128xi32, #tpu.memory_space<vmem>> -> memref<128xi32, #tpu.memory_space<vmem>>
      %dma_start3A_504 = arith.constant 0 : i32
      %dma_start3A_505 = arith.constant 0 : i32
      %dma_start3A_506 = tpu.memref_slice %arg11[%dma_start3A_504, %dma_start3A_505] : memref<10240x128xf32, #tpu.memory_space<vmem_shared>> -> memref<10240x128xf32, #tpu.memory_space<vmem_shared>>
      tpu.enqueue_indirect_dma source(%arg10 : memref<128x128xf32, #tpu.memory_space<vmem>>) target(%dma_start3A_506 : memref<10240x128xf32, #tpu.memory_space<vmem_shared>>) offsets(%dma_start3A_503 : memref<128xi32, #tpu.memory_space<vmem>>) semaphore(%arg17 : memref<!tpu.dma_semaphore, #tpu.memory_space<semaphore_mem>>) {add = true}
      %scan3A_507 = arith.constant 0 : i32
      scf.yield %scan3A_507 : i32
    }
    %scan3A_78 = arith.constant 40 : i32
    %dma_wait3A = arith.constant 0 : i32
    %dma_wait3A_79 = arith.constant 0 : i32
    %dma_wait3A_80 = tpu.memref_slice %arg8[%dma_wait3A, %dma_wait3A_79] : memref<2x128xi32, #tpu.memory_space<vmem>> -> memref<1x128xi32, #tpu.memory_space<vmem>>
    %dma_wait3A_81 = tpu.memref_squeeze %dma_wait3A_80 : memref<1x128xi32, #tpu.memory_space<vmem>> -> memref<128xi32, #tpu.memory_space<vmem>>
    %dma_wait3A_82 = arith.constant 0 : i32
    %dma_wait3A_83 = arith.constant 0 : i32
    %dma_wait3A_84 = tpu.memref_slice %arg11[%dma_wait3A_82, %dma_wait3A_83] : memref<10240x128xf32, #tpu.memory_space<vmem_shared>> -> memref<10240x128xf32, #tpu.memory_space<vmem_shared>>
    tpu.wait_indirect_dma semaphore(%arg16 : memref<!tpu.dma_semaphore, #tpu.memory_space<semaphore_mem>>) src(%arg9 : memref<128x128xf32, #tpu.memory_space<vmem>>) dst(%dma_wait3A_84 : memref<10240x128xf32, #tpu.memory_space<vmem_shared>>)
    %dma_wait3A_85 = arith.constant 1 : i32
    %dma_wait3A_86 = arith.constant 0 : i32
    %dma_wait3A_87 = tpu.memref_slice %arg8[%dma_wait3A_85, %dma_wait3A_86] : memref<2x128xi32, #tpu.memory_space<vmem>> -> memref<1x128xi32, #tpu.memory_space<vmem>>
    %dma_wait3A_88 = tpu.memref_squeeze %dma_wait3A_87 : memref<1x128xi32, #tpu.memory_space<vmem>> -> memref<128xi32, #tpu.memory_space<vmem>>
    %dma_wait3A_89 = arith.constant 0 : i32
    %dma_wait3A_90 = arith.constant 0 : i32
    %dma_wait3A_91 = tpu.memref_slice %arg11[%dma_wait3A_89, %dma_wait3A_90] : memref<10240x128xf32, #tpu.memory_space<vmem_shared>> -> memref<10240x128xf32, #tpu.memory_space<vmem_shared>>
    tpu.wait_indirect_dma semaphore(%arg17 : memref<!tpu.dma_semaphore, #tpu.memory_space<semaphore_mem>>) src(%arg10 : memref<128x128xf32, #tpu.memory_space<vmem>>) dst(%dma_wait3A_91 : memref<10240x128xf32, #tpu.memory_space<vmem_shared>>)
    %barrier3A_92 = arith.constant 0 : index
    tpu.barrier barrier_id(%barrier3A_92)
    %mul3A_93 = arith.constant 640 : i32
    %mul3A_94 = arith.muli %arg1, %mul3A_93 : i32
    %add3A_95 = arith.constant 0 : i32
    %add3A_96 = arith.addi %mul3A_94, %add3A_95 : i32
    "tpu.region"() ({
      %run_scoped3A = tpu.sem_alloc : memref<!tpu.dma_semaphore, #tpu.memory_space<semaphore_mem>>
      %dma_start3A_128 = arith.constant 0 : i32
      %dma_start3A_129 = tpu.memref_slice %arg11[%add3A_96, %dma_start3A_128] : memref<10240x128xf32, #tpu.memory_space<vmem_shared>> -> memref<128x128xf32, #tpu.memory_space<vmem_shared>>
      %dma_start3A_130 = arith.constant 0 : i32
      %dma_start3A_131 = tpu.memref_slice %arg11[%add3A_96, %dma_start3A_130] : memref<10240x128xf32, #tpu.memory_space<vmem_shared>> -> memref<128x128xf32, #tpu.memory_space<vmem_shared>>
      tpu.enqueue_dma source(%dma_start3A_131 : memref<128x128xf32, #tpu.memory_space<vmem_shared>>) target(%arg9 : memref<128x128xf32, #tpu.memory_space<vmem>>) target_semaphore(%run_scoped3A : memref<!tpu.dma_semaphore, #tpu.memory_space<semaphore_mem>>)
      %dma_wait3A_132 = arith.constant 0 : i32
      %dma_wait3A_133 = tpu.memref_slice %arg11[%add3A_96, %dma_wait3A_132] : memref<10240x128xf32, #tpu.memory_space<vmem_shared>> -> memref<128x128xf32, #tpu.memory_space<vmem_shared>>
      %dma_wait3A_134 = arith.constant 0 : i32
      %dma_wait3A_135 = tpu.memref_slice %arg11[%add3A_96, %dma_wait3A_134] : memref<10240x128xf32, #tpu.memory_space<vmem_shared>> -> memref<128x128xf32, #tpu.memory_space<vmem_shared>>
      tpu.wait_dma2 semaphore(%run_scoped3A : memref<!tpu.dma_semaphore, #tpu.memory_space<semaphore_mem>>) src(%dma_wait3A_135 : memref<128x128xf32, #tpu.memory_space<vmem_shared>>) dst(%arg9 : memref<128x128xf32, #tpu.memory_space<vmem>>)
      tpu.yield
    }) : () -> ()
    %mul3A_97 = arith.constant 10240 : i32
    %mul3A_98 = arith.muli %arg0, %mul3A_97 : i32
    %add3A_99 = arith.addi %mul3A_98, %add3A_96 : i32
    "tpu.region"() ({
      %run_scoped3A = tpu.sem_alloc : memref<!tpu.dma_semaphore, #tpu.memory_space<semaphore_mem>>
      %dma_start3A_128 = arith.constant 0 : i32
      %dma_start3A_129 = tpu.memref_slice %arg5[%add3A_99, %dma_start3A_128] : memref<20480x128xf32, #tpu.memory_space<hbm>> -> memref<128x128xf32, #tpu.memory_space<hbm>>
      %dma_start3A_130 = arith.constant 0 : i32
      %dma_start3A_131 = tpu.memref_slice %arg5[%add3A_99, %dma_start3A_130] : memref<20480x128xf32, #tpu.memory_space<hbm>> -> memref<128x128xf32, #tpu.memory_space<hbm>>
      tpu.enqueue_dma source(%arg9 : memref<128x128xf32, #tpu.memory_space<vmem>>) target(%dma_start3A_131 : memref<128x128xf32, #tpu.memory_space<hbm>>) target_semaphore(%run_scoped3A : memref<!tpu.dma_semaphore, #tpu.memory_space<semaphore_mem>>)
      %dma_wait3A_132 = arith.constant 0 : i32
      %dma_wait3A_133 = tpu.memref_slice %arg5[%add3A_99, %dma_wait3A_132] : memref<20480x128xf32, #tpu.memory_space<hbm>> -> memref<128x128xf32, #tpu.memory_space<hbm>>
      %dma_wait3A_134 = arith.constant 0 : i32
      %dma_wait3A_135 = tpu.memref_slice %arg5[%add3A_99, %dma_wait3A_134] : memref<20480x128xf32, #tpu.memory_space<hbm>> -> memref<128x128xf32, #tpu.memory_space<hbm>>
      tpu.wait_dma2 semaphore(%run_scoped3A : memref<!tpu.dma_semaphore, #tpu.memory_space<semaphore_mem>>) src(%arg9 : memref<128x128xf32, #tpu.memory_space<vmem>>) dst(%dma_wait3A_135 : memref<128x128xf32, #tpu.memory_space<hbm>>)
      tpu.yield
    }) : () -> ()
    %mul3A_100 = arith.constant 640 : i32
    %mul3A_101 = arith.muli %arg1, %mul3A_100 : i32
    %add3A_102 = arith.constant 128 : i32
    %add3A_103 = arith.addi %mul3A_101, %add3A_102 : i32
    "tpu.region"() ({
      %run_scoped3A = tpu.sem_alloc : memref<!tpu.dma_semaphore, #tpu.memory_space<semaphore_mem>>
      %dma_start3A_128 = arith.constant 0 : i32
      %dma_start3A_129 = tpu.memref_slice %arg11[%add3A_103, %dma_start3A_128] : memref<10240x128xf32, #tpu.memory_space<vmem_shared>> -> memref<128x128xf32, #tpu.memory_space<vmem_shared>>
      %dma_start3A_130 = arith.constant 0 : i32
      %dma_start3A_131 = tpu.memref_slice %arg11[%add3A_103, %dma_start3A_130] : memref<10240x128xf32, #tpu.memory_space<vmem_shared>> -> memref<128x128xf32, #tpu.memory_space<vmem_shared>>
      tpu.enqueue_dma source(%dma_start3A_131 : memref<128x128xf32, #tpu.memory_space<vmem_shared>>) target(%arg9 : memref<128x128xf32, #tpu.memory_space<vmem>>) target_semaphore(%run_scoped3A : memref<!tpu.dma_semaphore, #tpu.memory_space<semaphore_mem>>)
      %dma_wait3A_132 = arith.constant 0 : i32
      %dma_wait3A_133 = tpu.memref_slice %arg11[%add3A_103, %dma_wait3A_132] : memref<10240x128xf32, #tpu.memory_space<vmem_shared>> -> memref<128x128xf32, #tpu.memory_space<vmem_shared>>
      %dma_wait3A_134 = arith.constant 0 : i32
      %dma_wait3A_135 = tpu.memref_slice %arg11[%add3A_103, %dma_wait3A_134] : memref<10240x128xf32, #tpu.memory_space<vmem_shared>> -> memref<128x128xf32, #tpu.memory_space<vmem_shared>>
      tpu.wait_dma2 semaphore(%run_scoped3A : memref<!tpu.dma_semaphore, #tpu.memory_space<semaphore_mem>>) src(%dma_wait3A_135 : memref<128x128xf32, #tpu.memory_space<vmem_shared>>) dst(%arg9 : memref<128x128xf32, #tpu.memory_space<vmem>>)
      tpu.yield
    }) : () -> ()
    %mul3A_104 = arith.constant 10240 : i32
    %mul3A_105 = arith.muli %arg0, %mul3A_104 : i32
    %add3A_106 = arith.addi %mul3A_105, %add3A_103 : i32
    "tpu.region"() ({
      %run_scoped3A = tpu.sem_alloc : memref<!tpu.dma_semaphore, #tpu.memory_space<semaphore_mem>>
      %dma_start3A_128 = arith.constant 0 : i32
      %dma_start3A_129 = tpu.memref_slice %arg5[%add3A_106, %dma_start3A_128] : memref<20480x128xf32, #tpu.memory_space<hbm>> -> memref<128x128xf32, #tpu.memory_space<hbm>>
      %dma_start3A_130 = arith.constant 0 : i32
      %dma_start3A_131 = tpu.memref_slice %arg5[%add3A_106, %dma_start3A_130] : memref<20480x128xf32, #tpu.memory_space<hbm>> -> memref<128x128xf32, #tpu.memory_space<hbm>>
      tpu.enqueue_dma source(%arg9 : memref<128x128xf32, #tpu.memory_space<vmem>>) target(%dma_start3A_131 : memref<128x128xf32, #tpu.memory_space<hbm>>) target_semaphore(%run_scoped3A : memref<!tpu.dma_semaphore, #tpu.memory_space<semaphore_mem>>)
      %dma_wait3A_132 = arith.constant 0 : i32
      %dma_wait3A_133 = tpu.memref_slice %arg5[%add3A_106, %dma_wait3A_132] : memref<20480x128xf32, #tpu.memory_space<hbm>> -> memref<128x128xf32, #tpu.memory_space<hbm>>
      %dma_wait3A_134 = arith.constant 0 : i32
      %dma_wait3A_135 = tpu.memref_slice %arg5[%add3A_106, %dma_wait3A_134] : memref<20480x128xf32, #tpu.memory_space<hbm>> -> memref<128x128xf32, #tpu.memory_space<hbm>>
      tpu.wait_dma2 semaphore(%run_scoped3A : memref<!tpu.dma_semaphore, #tpu.memory_space<semaphore_mem>>) src(%arg9 : memref<128x128xf32, #tpu.memory_space<vmem>>) dst(%dma_wait3A_135 : memref<128x128xf32, #tpu.memory_space<hbm>>)
      tpu.yield
    }) : () -> ()
    %mul3A_107 = arith.constant 640 : i32
    %mul3A_108 = arith.muli %arg1, %mul3A_107 : i32
    %add3A_109 = arith.constant 256 : i32
    %add3A_110 = arith.addi %mul3A_108, %add3A_109 : i32
    "tpu.region"() ({
      %run_scoped3A = tpu.sem_alloc : memref<!tpu.dma_semaphore, #tpu.memory_space<semaphore_mem>>
      %dma_start3A_128 = arith.constant 0 : i32
      %dma_start3A_129 = tpu.memref_slice %arg11[%add3A_110, %dma_start3A_128] : memref<10240x128xf32, #tpu.memory_space<vmem_shared>> -> memref<128x128xf32, #tpu.memory_space<vmem_shared>>
      %dma_start3A_130 = arith.constant 0 : i32
      %dma_start3A_131 = tpu.memref_slice %arg11[%add3A_110, %dma_start3A_130] : memref<10240x128xf32, #tpu.memory_space<vmem_shared>> -> memref<128x128xf32, #tpu.memory_space<vmem_shared>>
      tpu.enqueue_dma source(%dma_start3A_131 : memref<128x128xf32, #tpu.memory_space<vmem_shared>>) target(%arg9 : memref<128x128xf32, #tpu.memory_space<vmem>>) target_semaphore(%run_scoped3A : memref<!tpu.dma_semaphore, #tpu.memory_space<semaphore_mem>>)
      %dma_wait3A_132 = arith.constant 0 : i32
      %dma_wait3A_133 = tpu.memref_slice %arg11[%add3A_110, %dma_wait3A_132] : memref<10240x128xf32, #tpu.memory_space<vmem_shared>> -> memref<128x128xf32, #tpu.memory_space<vmem_shared>>
      %dma_wait3A_134 = arith.constant 0 : i32
      %dma_wait3A_135 = tpu.memref_slice %arg11[%add3A_110, %dma_wait3A_134] : memref<10240x128xf32, #tpu.memory_space<vmem_shared>> -> memref<128x128xf32, #tpu.memory_space<vmem_shared>>
      tpu.wait_dma2 semaphore(%run_scoped3A : memref<!tpu.dma_semaphore, #tpu.memory_space<semaphore_mem>>) src(%dma_wait3A_135 : memref<128x128xf32, #tpu.memory_space<vmem_shared>>) dst(%arg9 : memref<128x128xf32, #tpu.memory_space<vmem>>)
      tpu.yield
    }) : () -> ()
    %mul3A_111 = arith.constant 10240 : i32
    %mul3A_112 = arith.muli %arg0, %mul3A_111 : i32
    %add3A_113 = arith.addi %mul3A_112, %add3A_110 : i32
    "tpu.region"() ({
      %run_scoped3A = tpu.sem_alloc : memref<!tpu.dma_semaphore, #tpu.memory_space<semaphore_mem>>
      %dma_start3A_128 = arith.constant 0 : i32
      %dma_start3A_129 = tpu.memref_slice %arg5[%add3A_113, %dma_start3A_128] : memref<20480x128xf32, #tpu.memory_space<hbm>> -> memref<128x128xf32, #tpu.memory_space<hbm>>
      %dma_start3A_130 = arith.constant 0 : i32
      %dma_start3A_131 = tpu.memref_slice %arg5[%add3A_113, %dma_start3A_130] : memref<20480x128xf32, #tpu.memory_space<hbm>> -> memref<128x128xf32, #tpu.memory_space<hbm>>
      tpu.enqueue_dma source(%arg9 : memref<128x128xf32, #tpu.memory_space<vmem>>) target(%dma_start3A_131 : memref<128x128xf32, #tpu.memory_space<hbm>>) target_semaphore(%run_scoped3A : memref<!tpu.dma_semaphore, #tpu.memory_space<semaphore_mem>>)
      %dma_wait3A_132 = arith.constant 0 : i32
      %dma_wait3A_133 = tpu.memref_slice %arg5[%add3A_113, %dma_wait3A_132] : memref<20480x128xf32, #tpu.memory_space<hbm>> -> memref<128x128xf32, #tpu.memory_space<hbm>>
      %dma_wait3A_134 = arith.constant 0 : i32
      %dma_wait3A_135 = tpu.memref_slice %arg5[%add3A_113, %dma_wait3A_134] : memref<20480x128xf32, #tpu.memory_space<hbm>> -> memref<128x128xf32, #tpu.memory_space<hbm>>
      tpu.wait_dma2 semaphore(%run_scoped3A : memref<!tpu.dma_semaphore, #tpu.memory_space<semaphore_mem>>) src(%arg9 : memref<128x128xf32, #tpu.memory_space<vmem>>) dst(%dma_wait3A_135 : memref<128x128xf32, #tpu.memory_space<hbm>>)
      tpu.yield
    }) : () -> ()
    %mul3A_114 = arith.constant 640 : i32
    %mul3A_115 = arith.muli %arg1, %mul3A_114 : i32
    %add3A_116 = arith.constant 384 : i32
    %add3A_117 = arith.addi %mul3A_115, %add3A_116 : i32
    "tpu.region"() ({
      %run_scoped3A = tpu.sem_alloc : memref<!tpu.dma_semaphore, #tpu.memory_space<semaphore_mem>>
      %dma_start3A_128 = arith.constant 0 : i32
      %dma_start3A_129 = tpu.memref_slice %arg11[%add3A_117, %dma_start3A_128] : memref<10240x128xf32, #tpu.memory_space<vmem_shared>> -> memref<128x128xf32, #tpu.memory_space<vmem_shared>>
      %dma_start3A_130 = arith.constant 0 : i32
      %dma_start3A_131 = tpu.memref_slice %arg11[%add3A_117, %dma_start3A_130] : memref<10240x128xf32, #tpu.memory_space<vmem_shared>> -> memref<128x128xf32, #tpu.memory_space<vmem_shared>>
      tpu.enqueue_dma source(%dma_start3A_131 : memref<128x128xf32, #tpu.memory_space<vmem_shared>>) target(%arg9 : memref<128x128xf32, #tpu.memory_space<vmem>>) target_semaphore(%run_scoped3A : memref<!tpu.dma_semaphore, #tpu.memory_space<semaphore_mem>>)
      %dma_wait3A_132 = arith.constant 0 : i32
      %dma_wait3A_133 = tpu.memref_slice %arg11[%add3A_117, %dma_wait3A_132] : memref<10240x128xf32, #tpu.memory_space<vmem_shared>> -> memref<128x128xf32, #tpu.memory_space<vmem_shared>>
      %dma_wait3A_134 = arith.constant 0 : i32
      %dma_wait3A_135 = tpu.memref_slice %arg11[%add3A_117, %dma_wait3A_134] : memref<10240x128xf32, #tpu.memory_space<vmem_shared>> -> memref<128x128xf32, #tpu.memory_space<vmem_shared>>
      tpu.wait_dma2 semaphore(%run_scoped3A : memref<!tpu.dma_semaphore, #tpu.memory_space<semaphore_mem>>) src(%dma_wait3A_135 : memref<128x128xf32, #tpu.memory_space<vmem_shared>>) dst(%arg9 : memref<128x128xf32, #tpu.memory_space<vmem>>)
      tpu.yield
    }) : () -> ()
    %mul3A_118 = arith.constant 10240 : i32
    %mul3A_119 = arith.muli %arg0, %mul3A_118 : i32
    %add3A_120 = arith.addi %mul3A_119, %add3A_117 : i32
    "tpu.region"() ({
      %run_scoped3A = tpu.sem_alloc : memref<!tpu.dma_semaphore, #tpu.memory_space<semaphore_mem>>
      %dma_start3A_128 = arith.constant 0 : i32
      %dma_start3A_129 = tpu.memref_slice %arg5[%add3A_120, %dma_start3A_128] : memref<20480x128xf32, #tpu.memory_space<hbm>> -> memref<128x128xf32, #tpu.memory_space<hbm>>
      %dma_start3A_130 = arith.constant 0 : i32
      %dma_start3A_131 = tpu.memref_slice %arg5[%add3A_120, %dma_start3A_130] : memref<20480x128xf32, #tpu.memory_space<hbm>> -> memref<128x128xf32, #tpu.memory_space<hbm>>
      tpu.enqueue_dma source(%arg9 : memref<128x128xf32, #tpu.memory_space<vmem>>) target(%dma_start3A_131 : memref<128x128xf32, #tpu.memory_space<hbm>>) target_semaphore(%run_scoped3A : memref<!tpu.dma_semaphore, #tpu.memory_space<semaphore_mem>>)
      %dma_wait3A_132 = arith.constant 0 : i32
      %dma_wait3A_133 = tpu.memref_slice %arg5[%add3A_120, %dma_wait3A_132] : memref<20480x128xf32, #tpu.memory_space<hbm>> -> memref<128x128xf32, #tpu.memory_space<hbm>>
      %dma_wait3A_134 = arith.constant 0 : i32
      %dma_wait3A_135 = tpu.memref_slice %arg5[%add3A_120, %dma_wait3A_134] : memref<20480x128xf32, #tpu.memory_space<hbm>> -> memref<128x128xf32, #tpu.memory_space<hbm>>
      tpu.wait_dma2 semaphore(%run_scoped3A : memref<!tpu.dma_semaphore, #tpu.memory_space<semaphore_mem>>) src(%arg9 : memref<128x128xf32, #tpu.memory_space<vmem>>) dst(%dma_wait3A_135 : memref<128x128xf32, #tpu.memory_space<hbm>>)
      tpu.yield
    }) : () -> ()
    %mul3A_121 = arith.constant 640 : i32
    %mul3A_122 = arith.muli %arg1, %mul3A_121 : i32
    %add3A_123 = arith.constant 512 : i32
    %add3A_124 = arith.addi %mul3A_122, %add3A_123 : i32
    "tpu.region"() ({
      %run_scoped3A = tpu.sem_alloc : memref<!tpu.dma_semaphore, #tpu.memory_space<semaphore_mem>>
      %dma_start3A_128 = arith.constant 0 : i32
      %dma_start3A_129 = tpu.memref_slice %arg11[%add3A_124, %dma_start3A_128] : memref<10240x128xf32, #tpu.memory_space<vmem_shared>> -> memref<128x128xf32, #tpu.memory_space<vmem_shared>>
      %dma_start3A_130 = arith.constant 0 : i32
      %dma_start3A_131 = tpu.memref_slice %arg11[%add3A_124, %dma_start3A_130] : memref<10240x128xf32, #tpu.memory_space<vmem_shared>> -> memref<128x128xf32, #tpu.memory_space<vmem_shared>>
      tpu.enqueue_dma source(%dma_start3A_131 : memref<128x128xf32, #tpu.memory_space<vmem_shared>>) target(%arg9 : memref<128x128xf32, #tpu.memory_space<vmem>>) target_semaphore(%run_scoped3A : memref<!tpu.dma_semaphore, #tpu.memory_space<semaphore_mem>>)
      %dma_wait3A_132 = arith.constant 0 : i32
      %dma_wait3A_133 = tpu.memref_slice %arg11[%add3A_124, %dma_wait3A_132] : memref<10240x128xf32, #tpu.memory_space<vmem_shared>> -> memref<128x128xf32, #tpu.memory_space<vmem_shared>>
      %dma_wait3A_134 = arith.constant 0 : i32
      %dma_wait3A_135 = tpu.memref_slice %arg11[%add3A_124, %dma_wait3A_134] : memref<10240x128xf32, #tpu.memory_space<vmem_shared>> -> memref<128x128xf32, #tpu.memory_space<vmem_shared>>
      tpu.wait_dma2 semaphore(%run_scoped3A : memref<!tpu.dma_semaphore, #tpu.memory_space<semaphore_mem>>) src(%dma_wait3A_135 : memref<128x128xf32, #tpu.memory_space<vmem_shared>>) dst(%arg9 : memref<128x128xf32, #tpu.memory_space<vmem>>)
      tpu.yield
    }) : () -> ()
    %mul3A_125 = arith.constant 10240 : i32
    %mul3A_126 = arith.muli %arg0, %mul3A_125 : i32
    %add3A_127 = arith.addi %mul3A_126, %add3A_124 : i32
    "tpu.region"() ({
      %run_scoped3A = tpu.sem_alloc : memref<!tpu.dma_semaphore, #tpu.memory_space<semaphore_mem>>
      %dma_start3A_128 = arith.constant 0 : i32
      %dma_start3A_129 = tpu.memref_slice %arg5[%add3A_127, %dma_start3A_128] : memref<20480x128xf32, #tpu.memory_space<hbm>> -> memref<128x128xf32, #tpu.memory_space<hbm>>
      %dma_start3A_130 = arith.constant 0 : i32
      %dma_start3A_131 = tpu.memref_slice %arg5[%add3A_127, %dma_start3A_130] : memref<20480x128xf32, #tpu.memory_space<hbm>> -> memref<128x128xf32, #tpu.memory_space<hbm>>
      tpu.enqueue_dma source(%arg9 : memref<128x128xf32, #tpu.memory_space<vmem>>) target(%dma_start3A_131 : memref<128x128xf32, #tpu.memory_space<hbm>>) target_semaphore(%run_scoped3A : memref<!tpu.dma_semaphore, #tpu.memory_space<semaphore_mem>>)
      %dma_wait3A_132 = arith.constant 0 : i32
      %dma_wait3A_133 = tpu.memref_slice %arg5[%add3A_127, %dma_wait3A_132] : memref<20480x128xf32, #tpu.memory_space<hbm>> -> memref<128x128xf32, #tpu.memory_space<hbm>>
      %dma_wait3A_134 = arith.constant 0 : i32
      %dma_wait3A_135 = tpu.memref_slice %arg5[%add3A_127, %dma_wait3A_134] : memref<20480x128xf32, #tpu.memory_space<hbm>> -> memref<128x128xf32, #tpu.memory_space<hbm>>
      tpu.wait_dma2 semaphore(%run_scoped3A : memref<!tpu.dma_semaphore, #tpu.memory_space<semaphore_mem>>) src(%arg9 : memref<128x128xf32, #tpu.memory_space<vmem>>) dst(%dma_wait3A_135 : memref<128x128xf32, #tpu.memory_space<hbm>>)
      tpu.yield
    }) : () -> ()
    return
  }
}

</mosaic_0001>

<sc_bundles>
// kernel: kernel.4.cloned.1.call-start
scs
__scs_entry_jumppad:
0x0: {  	(pc) =	sbr.rel $0x88, $3  }
0x1: {  	(tag) =	ssettag $0x0;
	lr =	simm.s32 $0x1  }
0x2: {  	[smem:$0x3F9E] =	sst lr;
	_ =	strace $0xD0000000  }
0x3: {  	_ = 	snop  }
0x4: {  	_ = 	snop  }
0x5: {  	_ = 	snop  }
0x6: {  	_ = 	snop  }
0x7: {  	_ = 	snop  }
__scs_overlays_trampoline_lowered:
0x8: {  	[smem:$0x3FAD] =	sst s0  }
0x9: {  	[smem:$0x3FAE] =	sst s1  }
0xa: {  	[smem:$0x3FAF] =	sst s2  }
0xb: {  	[smem:$0x3FB0] =	sst s3  }
0xc: {  	[smem:$0x3FB1] =	sst s4  }
0xd: {  	[smem:$0x3FB2] =	sst s5  }
0xe: {  	[smem:$0x3FB3] =	sst s6  }
0xf: {  	[smem:$0x3FB4] =	sst s7  }
0x10: {  	[smem:$0x3FB5] =	sst s8  }
0x11: {  	[smem:$0x3FB6] =	sst s9;
	s0 =	simm.s32 @!p0 $0x0  }
0x12: {  	s1 =	sld [smem:$0x3F9C];
	s0 =	simm.s32 @p0 $0x1  }
0x13: {  	[smem:$0x3FB7] =	sst s0;
	s0 =	simm.s32 @!p1 $0x0  }
0x14: {  	s2 =	sld [smem:$0x3F9B];
	s0 =	simm.s32 @p1 $0x1  }
0x15: {  	[smem:$0x3FB8] =	sst s0;
	s0 =	simm.s32 @!p2 $0x0  }
0x16: {  	s3 =	sld [smem:$0x3FDB];
	s0 =	simm.s32 @p2 $0x1  }
0x17: {  	s4 =	simm.s32 $0x1BF5;
	[smem:$0x3FBA] =	sst s0  }
0x18: {  	s0 =	sld [smem:$0x3F9D];
	_ =	swait.ge [sflag:s4], $0x0  }
0x19: {  	s7 =	sld [smem:$0x3F9E]  }
0x1a: {  	s8 =	sadd.s32 $0xFFFFE003, lr  }
0x1b: {  	s9 =	sadd.s32 $0xFFFFFEF7, lr;
	s5 =	simm.s32 $0xFFFFFFFF;
	p2 =	slt.u32 s8, $0xFFFFF086  }
0x1c: {  	p1 =	slt.u32 s9, $0xF7A;
	s5 =	simm.s32 @!p2 $0x0  }
0x1d: {  	s5 =	simm.s32 @p1 $0x1;
	p0 =	seq.s32 s7, s2  }
0x1e: {  	s7 =	smul.u32 @!p0 $0xF7A, s2;
	p2 =	seq.s32 @!p0 s5, $0x0  }
0x1f: {  	s9 =	smul.u32 $0xF7A, s1;
	s8 =	simm.s32 @!p0 $0x1BF5;
	p2 =	por !p2, p0  }
0x20: {  	[sflag:s8] =	ssyncset.s32 @!p0 $0xFFFFF086;
	s6 =	sadd.s32 @!p0 s3, s7;
	s7 =	simm.s32 @!p0 $0x108  }
0x21: {  	s3 =	sadd.s32 s3, s9;
	s6 =	sadd.s32 @!p0 $0x88, s6;
	s7 =	simm.s32 @p2 $0x1082  }
0x22: {  	[simem:s7], [sflag:s8] =	dma.local @!p0 [hbm:s6], $0xF7A  }
0x23: {  	s9 =	sor.u32 $0xD0000000, s2;
	s6 =	simm.s32 $0x108;
	_ =	swait.ge @!p0 [sflag:s8], $0x0  }
0x24: {  	s3 =	sadd.s32 $0x88, s3;
	s6 =	simm.s32 @!p1 $0x1082;
	[sflag:s4] =	ssyncset.s32 $0xFFFFF086  }
0x25: {  	[simem:s6], [sflag:s4] =	dma.local [hbm:s3], $0xF7A  }
0x26: {  	[smem:$0x3F9E] =	sst s1;
	(tag) =	ssettag s2;
	_ =	strace s9  }
0x27: {  	s1 =	sld [smem:$0x3FAE]  }
0x28: {  	s2 =	sld [smem:$0x3FAF]  }
0x29: {  	s4 =	sld [smem:$0x3FB1]  }
0x2a: {  	p0 =	seq.s32 s5, $0x0;
	s5 =	sld [smem:$0x3FB2]  }
0x2b: {  	s6 =	sld [smem:$0x3FB3]  }
0x2c: {  	s7 =	sld [smem:$0x3FB4]  }
0x2d: {  	s3 =	simm.s32 $0x108;
	s8 =	sld [smem:$0x3FB5]  }
0x2e: {  	s3 =	simm.s32 @!p0 $0x1082;
	s9 =	sld [smem:$0x3FB6]  }
0x2f: {  	lr =	sadd.s32 s0, s3;
	s0 =	sld [smem:$0x3FAD]  }
0x30: {  	s3 =	sld [smem:$0x3FB0]  }
0x31: {  	[smem:$0x3FB9] =	sst s10  }
0x32: {  	s10 =	sld [smem:$0x3FB7];
	_ =	sdelay $0x3  }
0x33: {  	p0 =	seq.s32 s10, $0x1;
	s10 =	sld [smem:$0x3FB9];
	_ =	sdelay $0x3  }
0x34: {  	[smem:$0x3FB9] =	sst s10  }
0x35: {  	s10 =	sld [smem:$0x3FB8];
	_ =	sdelay $0x3  }
0x36: {  	p1 =	seq.s32 s10, $0x1;
	s10 =	sld [smem:$0x3FB9];
	_ =	sdelay $0x3  }
0x37: {  	[smem:$0x3FB9] =	sst s10  }
0x38: {  	s10 =	sld [smem:$0x3FBA]  }
0x39: {  	_ = 	snop;
	(pc) =	sbr.ind lr, $3  }
0x3a: {  	_ = 	snop  }
0x3b: {  	_ = 	snop  }
0x3c: {  	p2 =	seq.s32 s10, $0x1;
	s10 =	sld [smem:$0x3FB9]  }
0x3d: {  	_ =	shalt  }
0x3e: {  	_ =	shalt  }
0x3f: {  	_ =	shalt  }
0x40: {  	_ =	shalt  }
0x41: {  	_ =	shalt  }
0x42: {  	_ =	shalt  }
0x43: {  	_ =	shalt  }
0x44: {  	_ =	shalt  }
0x45: {  	_ =	shalt  }
0x46: {  	_ =	shalt  }
0x47: {  	_ =	shalt  }
0x48: {  	_ =	shalt  }
0x49: {  	_ =	shalt  }
0x4a: {  	_ =	shalt  }
0x4b: {  	_ =	shalt  }
0x4c: {  	_ =	shalt  }
0x4d: {  	_ =	shalt  }
0x4e: {  	_ =	shalt  }
0x4f: {  	_ =	shalt  }
0x50: {  	_ =	shalt  }
0x51: {  	_ =	shalt  }
0x52: {  	_ =	shalt  }
0x53: {  	_ =	shalt  }
0x54: {  	_ =	shalt  }
0x55: {  	_ =	shalt  }
0x56: {  	_ =	shalt  }
0x57: {  	_ =	shalt  }
0x58: {  	_ =	shalt  }
0x59: {  	_ =	shalt  }
0x5a: {  	_ =	shalt  }
0x5b: {  	_ =	shalt  }
0x5c: {  	_ =	shalt  }
0x5d: {  	_ =	shalt  }
0x5e: {  	_ =	shalt  }
0x5f: {  	_ =	shalt  }
0x60: {  	_ =	shalt  }
0x61: {  	_ =	shalt  }
0x62: {  	_ =	shalt  }
0x63: {  	_ =	shalt  }
0x64: {  	_ =	shalt  }
0x65: {  	_ =	shalt  }
0x66: {  	_ =	shalt  }
0x67: {  	_ =	shalt  }
0x68: {  	_ =	shalt  }
0x69: {  	_ =	shalt  }
0x6a: {  	_ =	shalt  }
0x6b: {  	_ =	shalt  }
0x6c: {  	_ =	shalt  }
0x6d: {  	_ =	shalt  }
0x6e: {  	_ =	shalt  }
0x6f: {  	_ =	shalt  }
0x70: {  	_ =	shalt  }
0x71: {  	_ =	shalt  }
0x72: {  	_ =	shalt  }
0x73: {  	_ =	shalt  }
0x74: {  	_ =	shalt  }
0x75: {  	_ =	shalt  }
0x76: {  	_ =	shalt  }
0x77: {  	_ =	shalt  }
0x78: {  	_ =	shalt  }
0x79: {  	_ =	shalt  }
0x7a: {  	_ =	shalt  }
0x7b: {  	_ =	shalt  }
0x7c: {  	_ =	shalt  }
0x7d: {  	_ =	shalt  }
0x7e: {  	_ =	shalt  }
0x7f: {  	_ =	shalt  }
0x80: {  	_ =	shalt  }
0x81: {  	_ =	shalt  }
0x82: {  	_ =	shalt  }
0x83: {  	_ =	shalt  }
0x84: {  	_ =	shalt  }
0x85: {  	_ =	shalt  }
0x86: {  	_ =	shalt  }
0x87: {  	_ =	shalt  }
.Lfunc_end0:
.L_simem_size_0:
called_computation_lowered:
.L_overlay_start_0:
0x88: {  	s2 =	sld [smem:$0x3FD9]  }
0x89: {  	s3 =	sld [smem:$0x3FFE];
	_ =	sdelay $0x1  }
0x8a: {  	s1 =	srdreg.scid  }
0x8b: {  	s0 =	sand.u32 $0x1, s1  }
0x8c: {  	s17 =	sshll.u32 s0, $0xA;
	s2 =	sadd.s32 s3, s2  }
0x8d: {  	s2 =	sadd.s32 s2, s17  }
0x8e: {  	[smem:$0x3FC5] =	sst s2  }
0x8f: {  	_ = 	snop  }
0x90: {  	s2 =	sld [smem:$0x3FC9]  }
0x91: {  	s18 =	sld [smem:$0x3FD0];
	(tm) =	ssettm $0x1  }
0x92: {  	s4 =	sld [smem:$0x3FFB];
	_ =	sdelay $0x3  }
0x93: {  	_ =	strace s4  }
0x94: {  	s4 =	sld [smem:$0x3FFC];
	_ =	sdelay $0x3  }
0x95: {  	_ =	strace s4  }
0x96: {  	s4 =	sld [smem:$0x3FFD];
	_ =	sdelay $0x3  }
0x97: {  	_ =	strace s4  }
0x98: {  	_ =	strace $0x8FFFFFFF  }
0x99: {  	s19 =	sld [smem:$0x3FDB];
	_ =	sdelay $0x1  }
0x9a: {  	s5 =	simm.s32 $_scs_section_size  }
0x9b: {  	s6 =	simm.s32 $_size__tile_overlayer_lowered;
	s7 =	simm.s32 $_tile_overlayer_lowered  }
0x9c: {  	s22 =	simm.s32 $0x1BFF;
	s21 =	sshll.u32 s7, $0x1;
	s4 =	sadd.s32 s5, s19  }
0x9d: {  	s8 =	simm.s32 $0x0;
	s20 =	sshll.u32 s6, $0x1;
	s6 =	sadd.s32 s21, s4  }
0x9e: {  	[timem:s8], [sflag:s22] =	dma.local [hbm:s6], s20  }
0x9f: {  	_ =	swait.ge [sflag:s22], s20  }
0xa0: {  	s5 =	ssub.s32 $0x0, s20;
	[sflag:s22] =	ssyncset.done $0x0  }
0xa1: {  	[sflag:s22] =	ssyncadd.s32 s5;
	_ =	sdelay $0x1  }
0xa2: {  	s23 =	simm.s32 $0x1B8B  }
0xa3: {  	_ =	swait.ge [sflag:s23], $0x1  }
0xa4: {  	[sflag:s23] =	ssyncset.done $0x0  }
0xa5: {  	s25 =	simm.s32 $0x1B8E;
	s24 =	sld [smem:$0x3FFE];
	[sflag:s23] =	ssyncadd.s32 $0xFFFFFFFF  }
0xa6: {  	s26 =	simm.s32 $execute0_lowered;
	[smem:$0x3FD2] =	sst s25  }
0xa7: {  	s6 =	sshll.u32 s26, $0x1;
	_ =	strace $0x80000046;
	[dreg:$0x1] =	wrdreg $0xFFFFFFFF  }
0xa8: {  	s28 =	simm.s32 $_size_execute0_lowered;
	s4 =	sadd.s32 s4, s6;
	[dreg:$0x0] =	wrdreg $0x0  }
0xa9: {  	s6 =	sshll.u32 s28, $0x1;
	[dreg:$0x2] =	wrdreg s4  }
0xaa: {  	[dreg:$0x3] =	wrdreg s6  }
0xab: {  	[dreg:$0x4] =	wrdreg $0xC0  }
0xac: {  	_ =	task [dreg:s8], $0x5FFFF  }
0xad: {  	[dreg:$0x1] =	wrdreg $0xFFFFFFFF  }
0xae: {  	[dreg:$0x0] =	wrdreg $0x60  }
0xaf: {  	[dreg:$0x2] =	wrdreg s18  }
0xb0: {  	[dreg:$0x3] =	wrdreg s24  }
0xb1: {  	[dreg:$0x4] =	wrdreg s2  }
0xb2: {  	[dreg:$0x5] =	wrdreg $0xAA000  }
0xb3: {  	[dreg:$0x6] =	wrdreg $0x9  }
0xb4: {  	_ =	task.clear_ibuf [dreg:s8], $0x7FFFF;
	_ =	strace $0x90000046  }
0xb5: {  	s29 =	simm.s32 $0x9;
	_ =	strace $0x80000048  }
0xb6: {  	_ =	swait.ge [sflag:s29], $0x1  }
0xb7: {  	[sflag:s29] =	ssyncadd.s32 $0xFFFFFFFF  }
0xb8: {  	_ =	strace $0x90000048  }
0xb9: {  	_ =	sfence  }
0xba: {  	s30 =	sld [smem:$0x0];
	_ =	sdelay $0x2  }
0xbb: {  	s31 =	sshll.u32 s1, $0xD;
	s1 =	sshrl.u32 s1, $0x2  }
0xbc: {  	s3 =	sand.u32 $0x4000, s31;
	s1 =	sadd.s32 s1, s30  }
0xbd: {  	s0 =	sor.u32 s3, s0;
	s1 =	sshll.u32 s1, $0x11  }
0xbe: {  	s0 =	sor.u32 s1, s0  }
0xbf: {  	s0 =	sadd.s32 $0x8F2B, s0  }
0xc0: {  	[sflag:s0] =	ssyncadd.remote.s32 $0x1  }
0xc1: {  	_ =	sfence.sel $0xFFFF  }
0xc2: {  	[dreg:$0x0] =	wrdreg $0xFFFFFFFF;
	(pc) =	sbr.abs _section_cstart, $3  }
0xc3: {  	[dreg:$0x1] =	wrdreg $0xFFFFFFFF  }
0xc4: {  	_ =	task.clear_ibuf [dreg:s8], $0x2FFFF;
	_ =	strace $0x9FFFFFFF  }
0xc5: {  	(tm) =	ssettm $0x7FFFFFFF  }
tec
execute0_lowered:
.L_overlay_start_1:
0x0: {  	(tag) =	ssettag $0x1  }
0x1: {  	s0 =	rddreg [dreg:$0x0]  }
0x2: {  	s1 =	rddreg [dreg:$0x1];
	s3 =	srdreg.scid  }
0x3: {  	s2 =	rddreg [dreg:$0x2];
	s20 =	stileid.u32  }
0x4: {  	s4 =	simm.s32 $0x0;
	s28 =	simm.s32 $0x1;
	s29 =	simm.s32 $0x2900  }
0x5: {  	s30 =	simm.s32 $0x4;
	s10 =	sand.u32 $0x1, s3;
	s3 =	rddreg [dreg:$0x3]  }
0x6: {  	s31 =	simm.s32 $0x2;
	[smem:$0x7FF] =	sst s4;
	s12 =	smul.u32 $0x280, s20  }
0x7: {  	s6 =	smul.u32 $0x50000, s20;
	s5 =	sshll.u32 s10, $0x4;
	s19 =	ssub.s32 $0x2, s10  }
0x8: {  	_ =	strace $0x80000047;
	s5 =	sor.u32 s20, s5;
	s7 =	sshrl.u32 s19, $0x1  }
0x9: {  	s14 =	sadd.s32 $0x80, s12;
	s21 =	sshrl.u32 s6, $0x2;
	s16 =	sadd.s32 $0x100, s12  }
0xa: {  	s17 =	sadd.s32 $0x180, s12;
	s18 =	sadd.s32 $0x200, s12;
	s11 =	smul.u32 $0x500, s5  }
0xb: {  	s15 =	ssub.s32 s19, s7;
	s22 =	sshll.u32 s14, $0x7;
	s5 =	sadd.s32 s21, s3  }
0xc: {  	s23 =	sshll.u32 s16, $0x7;
	s8 =	sshll.u32 s17, $0x7;
	s19 =	smul.u32 $0x2800, s10  }
0xd: {  	s9 =	sshll.u32 s18, $0x7;
	s10 =	smul.u32 $0x5000, s10;
	s6 =	sadd.s32 s22, s3  }
0xe: {  	s7 =	sadd.s32 s23, s3;
	s8 =	sadd.s32 s8, s3;
	s9 =	sadd.s32 s9, s3  }
0xf: {  	s23 =	smul.u32 $0x500, s20;
	s20 =	simm.s32 $0x2A00;
	s13 =	sadd.s32 s11, s1  }
0x10: {  	s1 =	sadd.s32 $0xA200, s1;
	s24 =	sadd.s32 s0, s11;
	s25 =	sadd.s32 s12, s19  }
0x11: {  	s16 =	sadd.s32 s19, s16;
	s22 =	sadd.s32 s19, s17;
	s0 =	sadd.s32 s10, s0  }
0x12: {  	s13 =	sadd.s32 $0x200, s13;
	[dreg:$0x6] =	wrdreg s24;
	s26 =	sadd.s32 $0x10, s24  }
0x13: {  	s11 =	sshll.u32 s25, $0x4;
	s21 =	sshll.u32 s16, $0x4;
	s24 =	sadd.s32 s19, s18  }
0x14: {  	s0 =	sadd.s32 s23, s0;
	s18 =	smax.u32 s15, $0x1;
	[dreg:$0x5] =	wrdreg s13  }
0x15: {  	s23 =	simm.s32 $0x6;
	[dreg:$0x7] =	wrdreg s26;
	s13 =	sadd.s32 s19, s14  }
0x16: {  	s11 =	sadd.s32 s1, s11;
	s26 =	sshll.u32 s24, $0x4;
	s14 =	sshll.u32 s13, $0x4  }
0x17: {  	s12 =	sadd.s32 $0x30, s0;
	[dreg:$0x8] =	wrdreg s11;
	s11 =	sadd.s32 s1, s14  }
0x18: {  	s24 =	simm.s32 $0x6A00;
	[dreg:$0x9] =	wrdreg s11;
	s11 =	sadd.s32 s1, s21  }
0x19: {  	s0 =	simm.s32 $0x2980;
	[dreg:$0xa] =	wrdreg s11;
	s11 =	sshll.u32 s22, $0x4  }
0x1a: {  	s21 =	simm.s32 $0x7;
	s22 =	simm.s32 $0x80;
	s25 =	sadd.s32 s1, s11  }
0x1b: {  	s1 =	sadd.s32 s1, s26;
	s26 =	simm.s32 $0x3;
	[dreg:$0xb] =	wrdreg s25  }
0x1c: {  	v0 =	vimm.f32 $0.0e+00;
	[dreg:$0xc] =	wrdreg s1;
	s1 =	simm.s32 $0x5;
	s25 =	simm.s32 $0x0  }
.LBB2_1:
0x1d: {  	s10 =	simm.s32 $0x0;
	s11 =	simm.s32 $0x200  }
.LBB2_2:
0x1e: {  	p0 =	sne.s32 s11, $0xFE00;
	[tilespmem:s10+$0x2A70] =	vst v0  }
0x1f: {  	[tilespmem:s10+$0x2A00] =	vst v0  }
0x20: {  	[tilespmem:s10+$0x2A10] =	vst v0  }
.Ltmp0:
0x21: {  	[tilespmem:s10+$0x2A20] =	vst v0;
	(pc) =	sbr.rel @p0 .LBB2_2-.Ltmp0, $4  }
0x22: {  	[tilespmem:s10+$0x2A30] =	vst v0  }
0x23: {  	[tilespmem:s10+$0x2A40] =	vst v0  }
0x24: {  	[tilespmem:s10+$0x2A50] =	vst v0  }
0x25: {  	[tilespmem:s10+$0x2A60] =	vst v0;
	s10 =	sshra.s32 s11, $0x2;
	s11 =	sadd.s32 $0x200, s11  }
0x26: {  	[tilespmem:s10+$0x2A70] =	vst v0  }
0x27: {  	[tilespmem:s10+$0x2A00] =	vst v0  }
0x28: {  	[tilespmem:s10+$0x2A10] =	vst v0  }
0x29: {  	[tilespmem:s10+$0x2A20] =	vst v0  }
0x2a: {  	[tilespmem:s10+$0x2A30] =	vst v0  }
0x2b: {  	[tilespmem:s10+$0x2A40] =	vst v0  }
0x2c: {  	[tilespmem:s10+$0x2A50] =	vst v0  }
0x2d: {  	[tilespmem:s10+$0x2A60] =	vst v0  }
0x2e: {  	[spmem:s5] =	stream.linear.scatter [tilespmem:s20], [sflag:$0x7], $0x4000, $0x38;
	[tilespmem:$0x1EA00] =	vst v63  }
0x2f: {  	_ =	swait.ge [sflag:s21], $0x4000  }
0x30: {  	[sflag:s21] =	ssyncset.done $0x0  }
0x31: {  	[sflag:s21] =	ssyncadd.s32 $0xFFFFC000  }
0x32: {  	[spmem:s6] =	stream.linear.scatter [tilespmem:s20], [sflag:$0x7], $0x4000, $0x38;
	[tilespmem:$0x1EA00] =	vst v63  }
0x33: {  	_ =	swait.ge [sflag:s21], $0x4000  }
0x34: {  	[sflag:s21] =	ssyncset.done $0x0  }
0x35: {  	[sflag:s21] =	ssyncadd.s32 $0xFFFFC000  }
0x36: {  	[spmem:s7] =	stream.linear.scatter [tilespmem:s20], [sflag:$0x7], $0x4000, $0x38;
	[tilespmem:$0x1EA00] =	vst v63  }
0x37: {  	_ =	swait.ge [sflag:s21], $0x4000  }
0x38: {  	[sflag:s21] =	ssyncset.done $0x0  }
0x39: {  	[sflag:s21] =	ssyncadd.s32 $0xFFFFC000  }
0x3a: {  	[spmem:s8] =	stream.linear.scatter [tilespmem:s20], [sflag:$0x7], $0x4000, $0x38;
	[tilespmem:$0x1EA00] =	vst v63  }
0x3b: {  	_ =	swait.ge [sflag:s21], $0x4000  }
0x3c: {  	[sflag:s21] =	ssyncset.done $0x0  }
0x3d: {  	[sflag:s21] =	ssyncadd.s32 $0xFFFFC000  }
0x3e: {  	[spmem:s9] =	stream.linear.scatter [tilespmem:s20], [sflag:$0x7], $0x4000, $0x38;
	[tilespmem:$0x1EA00] =	vst v63  }
0x3f: {  	_ =	swait.ge [sflag:s21], $0x4000  }
0x40: {  	[sflag:s21] =	ssyncset.done $0x0  }
0x41: {  	[sflag:s21] =	ssyncadd.s32 $0xFFFFC000  }
0x42: {  	[bflag:$0x0] =	sbarrier.arrive $0xFFFF  }
0x43: {  	s10 =	simm.s32 $0x0;
	s11 =	rddreg [dreg:$0x5]  }
0x44: {  	[tilespmem:s10], [sflag:$0x7] =	stream.linear.gather [hbm4b:s11+s10], $0x2800, $0x38;
	[tilespmem:$0x1EA00] =	vst v63  }
0x45: {  	_ =	swait.ge [sflag:s21], $0x2800  }
0x46: {  	[sflag:s21] =	ssyncset.done $0x0  }
0x47: {  	[sflag:s21] =	ssyncadd.s32 $0xFFFFD800  }
0x48: {  	[tilespmem:s20], [sflag:$0x1] =	stream.indirect.gather [hbm4b:s2+s22], $0x80, s10, s22, $0xb8;
	[tilespmem:$0x1EA00] =	vst v63  }
0x49: {  	s13 =	simm.s32 $0x2800;
	s16 =	rddreg [dreg:$0x6]  }
0x4a: {  	[tilespmem:s13], [sflag:$0x3] =	stream.linear.gather [hbm4b:s16+s10], $0x80, $0x38;
	[tilespmem:$0x1EA00] =	vst v63  }
0x4b: {  	p0 =	por $0x1, $0x1  }
0x4c: {  	[tilespmem:s24], [sflag:$0x2] =	stream.indirect.gather [hbm4b:s2+s22], $0x80, s22, s22, $0xb8;
	[tilespmem:$0x1EA00] =	vst v63  }
0x4d: {  	s19 =	simm.s32 $0x2880;
	s11 =	simm.s32 @!p0 $0x5;
	s17 =	rddreg [dreg:$0x7]  }
0x4e: {  	[tilespmem:s19], [sflag:$0x4] =	stream.linear.gather [hbm4b:s17+s10], $0x80, $0x38;
	[tilespmem:$0x1EA00] =	vst v63  }
0x4f: {  	_ =	swait.ge @!p0 [sflag:s11], $0x4000  }
0x50: {  	s14 =	simm.s32 @!p0 $0x80;
	[sflag:s11] =	ssyncset.done @!p0 $0x0  }
0x51: {  	s13 =	simm.s32 @!p0 $0x2A00;
	[sflag:s11] =	ssyncadd.s32 @!p0 $0xFFFFC000;
	s11 =	simm.s32 @!p0 $0x0  }
0x52: {  	[tilespmem:s13], [sflag:$0x1] =	stream.indirect.gather @!p0 [hbm4b:s2+s14], $0x80, s11, s14, $0xb8;
	[tilespmem:$0x1EA00] =	vst v63  }
0x53: {  	_ =	swait.ge [sflag:s26], $0x80  }
0x54: {  	[sflag:s26] =	ssyncset.done $0x0  }
0x55: {  	s10 =	simm.s32 @p0 $0x0;
	[sflag:s26] =	ssyncadd.s32 $0xFFFFFF80  }
0x56: {  	s10 =	sshra.s32 s10, $0x2;
	v1 =	vld [tilespmem:$0x2800]  }
0x57: {  	v2 =	vld [tilespmem:s10+$0x0];
	_ =	sdelay $0x4  }
0x58: {  	vm0 =	veq.s32 v1, v2  }
0x59: {  	v1 =	vsel vm0, $0x2710, v1  }
0x5a: {  	[tilespmem:$0x2900] =	vst v1;
	v1 =	vld [tilespmem:$0x2810]  }
0x5b: {  	v2 =	vld [tilespmem:s10+$0x10];
	_ =	sdelay $0x4  }
0x5c: {  	vm13 =	veq.s32 v1, v2  }
0x5d: {  	v1 =	vsel vm13, $0x2710, v1  }
0x5e: {  	[tilespmem:$0x2910] =	vst v1;
	v1 =	vld [tilespmem:$0x2820]  }
0x5f: {  	v2 =	vld [tilespmem:s10+$0x20];
	_ =	sdelay $0x4  }
0x60: {  	vm14 =	veq.s32 v1, v2  }
0x61: {  	v1 =	vsel vm14, $0x2710, v1  }
0x62: {  	[tilespmem:$0x2920] =	vst v1;
	v1 =	vld [tilespmem:$0x2830]  }
0x63: {  	v2 =	vld [tilespmem:s10+$0x30];
	_ =	sdelay $0x4  }
0x64: {  	vm15 =	veq.s32 v1, v2  }
0x65: {  	v1 =	vsel vm15, $0x2710, v1  }
0x66: {  	[tilespmem:$0x2930] =	vst v1;
	v1 =	vld [tilespmem:$0x2840]  }
0x67: {  	v2 =	vld [tilespmem:s10+$0x40];
	_ =	sdelay $0x4  }
0x68: {  	vm4 =	veq.s32 v1, v2  }
0x69: {  	v1 =	vsel vm4, $0x2710, v1  }
0x6a: {  	[tilespmem:$0x2940] =	vst v1;
	v1 =	vld [tilespmem:$0x2850]  }
0x6b: {  	v2 =	vld [tilespmem:s10+$0x50];
	_ =	sdelay $0x4  }
0x6c: {  	vm5 =	veq.s32 v1, v2  }
0x6d: {  	v1 =	vsel vm5, $0x2710, v1  }
0x6e: {  	[tilespmem:$0x2950] =	vst v1;
	v1 =	vld [tilespmem:$0x2860]  }
0x6f: {  	v2 =	vld [tilespmem:s10+$0x60];
	_ =	sdelay $0x4  }
0x70: {  	vm6 =	veq.s32 v1, v2  }
0x71: {  	v1 =	vsel vm6, $0x2710, v1  }
0x72: {  	[tilespmem:$0x2960] =	vst v1;
	v1 =	vld [tilespmem:$0x2870]  }
0x73: {  	v2 =	vld [tilespmem:s10+$0x70];
	_ =	sdelay $0x4  }
0x74: {  	vm7 =	veq.s32 v1, v2  }
0x75: {  	p1 =	por $0x0, $0x0;
	v1 =	vsel vm7, $0x2710, v1  }
0x76: {  	s11 =	simm.s32 @!p1 $0x0;
	s13 =	simm.s32 @!p1 $0x2800;
	s10 =	sadd.s32 @!p1 $0xFFFFFFF0, s12;
	[tilespmem:$0x2970] =	vst v1  }
0x77: {  	[tilespmem:s13], [sflag:$0x3] =	stream.linear.gather @!p1 [hbm4b:s10+s11], $0x80, $0x38;
	[tilespmem:$0x1EA00] =	vst v63  }
0x78: {  	_ =	swait.ge [sflag:s28], $0x4000  }
0x79: {  	[sflag:s28] =	ssyncset.done $0x0  }
0x7a: {  	s10 =	simm.s32 @!p0 $0x6;
	[sflag:s28] =	ssyncadd.s32 $0xFFFFC000  }
0x7b: {  	[spmem:s3] =	stream.indirect.scatter.add.f32 [tilespmem:s20], [sflag:$0x5], $0x80, s29, s22, $0xb8;
	[tilespmem:$0x1EA00] =	vst v63  }
0x7c: {  	_ =	swait.ge @!p0 [sflag:s10], $0x4000  }
0x7d: {  	[sflag:s10] =	ssyncset.done @!p0 $0x0  }
0x7e: {  	s13 =	simm.s32 @!p0 $0x80;
	[sflag:s10] =	ssyncadd.s32 @!p0 $0xFFFFC000;
	s10 =	simm.s32 @!p0 $0x6A00  }
0x7f: {  	[tilespmem:s10], [sflag:$0x2] =	stream.indirect.gather @!p0 [hbm4b:s2+s14], $0x80, s13, s14, $0xb8;
	[tilespmem:$0x1EA00] =	vst v63  }
0x80: {  	_ =	swait.ge [sflag:s30], $0x80  }
0x81: {  	s10 =	simm.s32 @!p0 $0x200;
	[sflag:s30] =	ssyncset.done $0x0  }
0x82: {  	s10 =	simm.s32 @p0 $0x200;
	[sflag:s30] =	ssyncadd.s32 $0xFFFFFF80  }
0x83: {  	s10 =	sshra.s32 s10, $0x2;
	v1 =	vld [tilespmem:$0x2880]  }
0x84: {  	v2 =	vld [tilespmem:s10+$0x0];
	_ =	sdelay $0x4  }
0x85: {  	vm8 =	veq.s32 v1, v2  }
0x86: {  	v1 =	vsel vm8, $0x2710, v1  }
0x87: {  	[tilespmem:$0x2980] =	vst v1;
	v1 =	vld [tilespmem:$0x2890]  }
0x88: {  	v2 =	vld [tilespmem:s10+$0x10];
	_ =	sdelay $0x4  }
0x89: {  	vm9 =	veq.s32 v1, v2  }
0x8a: {  	v1 =	vsel vm9, $0x2710, v1  }
0x8b: {  	[tilespmem:$0x2990] =	vst v1;
	v1 =	vld [tilespmem:$0x28A0]  }
0x8c: {  	v2 =	vld [tilespmem:s10+$0x20];
	_ =	sdelay $0x4  }
0x8d: {  	vm10 =	veq.s32 v1, v2  }
0x8e: {  	v1 =	vsel vm10, $0x2710, v1  }
0x8f: {  	[tilespmem:$0x29A0] =	vst v1;
	v1 =	vld [tilespmem:$0x28B0]  }
0x90: {  	v2 =	vld [tilespmem:s10+$0x30];
	_ =	sdelay $0x4  }
0x91: {  	vm11 =	veq.s32 v1, v2  }
0x92: {  	v1 =	vsel vm11, $0x2710, v1  }
0x93: {  	[tilespmem:$0x29B0] =	vst v1;
	v1 =	vld [tilespmem:$0x28C0]  }
0x94: {  	v2 =	vld [tilespmem:s10+$0x40];
	_ =	sdelay $0x4  }
0x95: {  	vm12 =	veq.s32 v1, v2  }
0x96: {  	v1 =	vsel vm12, $0x2710, v1  }
0x97: {  	[tilespmem:$0x29C0] =	vst v1;
	v1 =	vld [tilespmem:$0x28D0]  }
0x98: {  	v2 =	vld [tilespmem:s10+$0x50];
	_ =	sdelay $0x4  }
0x99: {  	vm13 =	veq.s32 v1, v2  }
0x9a: {  	v1 =	vsel vm13, $0x2710, v1  }
0x9b: {  	[tilespmem:$0x29D0] =	vst v1;
	v1 =	vld [tilespmem:$0x28E0]  }
0x9c: {  	v2 =	vld [tilespmem:s10+$0x60];
	_ =	sdelay $0x4  }
0x9d: {  	vm14 =	veq.s32 v1, v2  }
0x9e: {  	v1 =	vsel vm14, $0x2710, v1  }
0x9f: {  	[tilespmem:$0x29E0] =	vst v1;
	v1 =	vld [tilespmem:$0x28F0]  }
0xa0: {  	v2 =	vld [tilespmem:s10+$0x70];
	_ =	sdelay $0x4  }
0xa1: {  	vm15 =	veq.s32 v1, v2  }
0xa2: {  	v1 =	vsel vm15, $0x2710, v1  }
0xa3: {  	s10 =	simm.s32 @!p1 $0x2880;
	[tilespmem:$0x29F0] =	vst v1  }
0xa4: {  	[tilespmem:s10], [sflag:$0x4] =	stream.linear.gather @!p1 [hbm4b:s12+s11], $0x80, $0x38;
	[tilespmem:$0x1EA00] =	vst v63  }
0xa5: {  	s19 =	smov.u32 s12;
	s10 =	simm.s32 $0x400  }
.LBB2_4:
0xa6: {  	_ =	swait.ge [sflag:s31], $0x4000;
	s17 =	smov.u32 s10  }
0xa7: {  	s19 =	sadd.s32 $0x20, s19;
	s10 =	sadd.s32 $0x400, s10;
	p1 =	seq.s32 s17, $0x0  }
0xa8: {  	p0 =	sne.s32 s10, $0xA000;
	[sflag:s31] =	ssyncset.done $0x0;
	s15 =	smov.u32 s17  }
0xa9: {  	s11 =	simm.s32 @!p1 $0x5;
	s15 =	simm.s32 @p1 $0x0;
	[sflag:s31] =	ssyncadd.s32 $0xFFFFC000  }
0xaa: {  	[spmem:s3] =	stream.indirect.scatter.add.f32 [tilespmem:s24], [sflag:$0x6], $0x80, s0, s22, $0xb8;
	[tilespmem:$0x1EA00] =	vst v63  }
0xab: {  	s13 =	sadd.s32 @!p1 $0x200, s17;
	_ =	swait.ge @!p1 [sflag:s11], $0x4000  }
0xac: {  	s16 =	simm.s32 @!p1 $0x2A00;
	s13 =	simm.s32 @p1 $0x200;
	[sflag:s11] =	ssyncset.done @!p1 $0x0  }
0xad: {  	s14 =	simm.s32 @!p1 $0x80;
	[sflag:s11] =	ssyncadd.s32 @!p1 $0xFFFFC000;
	s11 =	sshra.s32 @!p1 s17, $0x2  }
0xae: {  	[tilespmem:s16], [sflag:$0x1] =	stream.indirect.gather @!p1 [hbm4b:s2+s14], $0x80, s11, s14, $0xb8;
	[tilespmem:$0x1EA00] =	vst v63  }
0xaf: {  	s16 =	sadd.s32 @!p1 $0x80, s11;
	_ =	swait.ge [sflag:s26], $0x80  }
0xb0: {  	[sflag:s26] =	ssyncset.done $0x0  }
0xb1: {  	[sflag:s26] =	ssyncadd.s32 $0xFFFFFF80  }
0xb2: {  	s11 =	sshra.s32 s15, $0x2;
	v1 =	vld [tilespmem:$0x2800]  }
0xb3: {  	v2 =	vld [tilespmem:s11+$0x0];
	_ =	sdelay $0x4  }
0xb4: {  	vm0 =	veq.s32 v1, v2  }
0xb5: {  	v1 =	vsel vm0, $0x2710, v1  }
0xb6: {  	[tilespmem:$0x2900] =	vst v1;
	v1 =	vld [tilespmem:$0x2810]  }
0xb7: {  	v2 =	vld [tilespmem:s11+$0x10];
	_ =	sdelay $0x4  }
0xb8: {  	vm0 =	veq.s32 v1, v2  }
0xb9: {  	v1 =	vsel vm0, $0x2710, v1  }
0xba: {  	[tilespmem:$0x2910] =	vst v1;
	v1 =	vld [tilespmem:$0x2820]  }
0xbb: {  	v2 =	vld [tilespmem:s11+$0x20];
	_ =	sdelay $0x4  }
0xbc: {  	vm0 =	veq.s32 v1, v2  }
0xbd: {  	v1 =	vsel vm0, $0x2710, v1  }
0xbe: {  	[tilespmem:$0x2920] =	vst v1;
	v1 =	vld [tilespmem:$0x2830]  }
0xbf: {  	v2 =	vld [tilespmem:s11+$0x30];
	_ =	sdelay $0x4  }
0xc0: {  	vm0 =	veq.s32 v1, v2  }
0xc1: {  	v1 =	vsel vm0, $0x2710, v1  }
0xc2: {  	[tilespmem:$0x2930] =	vst v1;
	v1 =	vld [tilespmem:$0x2840]  }
0xc3: {  	v2 =	vld [tilespmem:s11+$0x40];
	_ =	sdelay $0x4  }
0xc4: {  	vm0 =	veq.s32 v1, v2  }
0xc5: {  	v1 =	vsel vm0, $0x2710, v1  }
0xc6: {  	[tilespmem:$0x2940] =	vst v1;
	v1 =	vld [tilespmem:$0x2850]  }
0xc7: {  	v2 =	vld [tilespmem:s11+$0x50];
	_ =	sdelay $0x4  }
0xc8: {  	vm0 =	veq.s32 v1, v2  }
0xc9: {  	v1 =	vsel vm0, $0x2710, v1  }
0xca: {  	[tilespmem:$0x2950] =	vst v1;
	v1 =	vld [tilespmem:$0x2860]  }
0xcb: {  	v2 =	vld [tilespmem:s11+$0x60];
	_ =	sdelay $0x4  }
0xcc: {  	vm0 =	veq.s32 v1, v2  }
0xcd: {  	v1 =	vsel vm0, $0x2710, v1  }
0xce: {  	[tilespmem:$0x2960] =	vst v1;
	v1 =	vld [tilespmem:$0x2870]  }
0xcf: {  	v2 =	vld [tilespmem:s11+$0x70];
	_ =	sdelay $0x4  }
0xd0: {  	vm0 =	veq.s32 v1, v2  }
0xd1: {  	p2 =	seq.s32 s17, $0x9C00;
	v1 =	vsel vm0, $0x2710, v1  }
0xd2: {  	s17 =	simm.s32 @!p2 $0x2800;
	s15 =	simm.s32 @!p2 $0x0;
	s11 =	sadd.s32 @!p2 $0xFFFFFFF0, s19;
	[tilespmem:$0x2970] =	vst v1  }
0xd3: {  	[tilespmem:s17], [sflag:$0x3] =	stream.linear.gather @!p2 [hbm4b:s11+s15], $0x80, $0x38;
	[tilespmem:$0x1EA00] =	vst v63  }
0xd4: {  	_ =	swait.ge [sflag:s28], $0x4000  }
0xd5: {  	[sflag:s28] =	ssyncset.done $0x0  }
0xd6: {  	s11 =	simm.s32 @!p1 $0x6;
	[sflag:s28] =	ssyncadd.s32 $0xFFFFC000  }
0xd7: {  	[spmem:s3] =	stream.indirect.scatter.add.f32 [tilespmem:s20], [sflag:$0x5], $0x80, s29, s22, $0xb8;
	[tilespmem:$0x1EA00] =	vst v63  }
0xd8: {  	_ =	swait.ge @!p1 [sflag:s11], $0x4000  }
0xd9: {  	[sflag:s11] =	ssyncset.done @!p1 $0x0  }
0xda: {  	[sflag:s11] =	ssyncadd.s32 @!p1 $0xFFFFC000;
	s11 =	simm.s32 @!p1 $0x6A00  }
0xdb: {  	[tilespmem:s11], [sflag:$0x2] =	stream.indirect.gather @!p1 [hbm4b:s2+s14], $0x80, s16, s14, $0xb8;
	[tilespmem:$0x1EA00] =	vst v63  }
0xdc: {  	_ =	swait.ge [sflag:s30], $0x80  }
0xdd: {  	[sflag:s30] =	ssyncset.done $0x0  }
0xde: {  	[sflag:s30] =	ssyncadd.s32 $0xFFFFFF80  }
0xdf: {  	s11 =	sshra.s32 s13, $0x2;
	v1 =	vld [tilespmem:$0x2880]  }
0xe0: {  	v2 =	vld [tilespmem:s11+$0x0];
	_ =	sdelay $0x4  }
0xe1: {  	vm0 =	veq.s32 v1, v2  }
0xe2: {  	v1 =	vsel vm0, $0x2710, v1  }
0xe3: {  	[tilespmem:$0x2980] =	vst v1;
	v1 =	vld [tilespmem:$0x2890]  }
0xe4: {  	v2 =	vld [tilespmem:s11+$0x10];
	_ =	sdelay $0x4  }
0xe5: {  	vm0 =	veq.s32 v1, v2  }
0xe6: {  	v1 =	vsel vm0, $0x2710, v1  }
0xe7: {  	[tilespmem:$0x2990] =	vst v1;
	v1 =	vld [tilespmem:$0x28A0]  }
0xe8: {  	v2 =	vld [tilespmem:s11+$0x20];
	_ =	sdelay $0x4  }
0xe9: {  	vm0 =	veq.s32 v1, v2  }
0xea: {  	v1 =	vsel vm0, $0x2710, v1  }
0xeb: {  	[tilespmem:$0x29A0] =	vst v1;
	v1 =	vld [tilespmem:$0x28B0]  }
0xec: {  	v2 =	vld [tilespmem:s11+$0x30];
	_ =	sdelay $0x4  }
0xed: {  	vm0 =	veq.s32 v1, v2  }
0xee: {  	v1 =	vsel vm0, $0x2710, v1  }
0xef: {  	[tilespmem:$0x29B0] =	vst v1;
	v1 =	vld [tilespmem:$0x28C0]  }
0xf0: {  	v2 =	vld [tilespmem:s11+$0x40];
	_ =	sdelay $0x4  }
0xf1: {  	vm0 =	veq.s32 v1, v2  }
0xf2: {  	v1 =	vsel vm0, $0x2710, v1  }
0xf3: {  	[tilespmem:$0x29C0] =	vst v1;
	v1 =	vld [tilespmem:$0x28D0]  }
0xf4: {  	v2 =	vld [tilespmem:s11+$0x50];
	_ =	sdelay $0x4  }
0xf5: {  	vm0 =	veq.s32 v1, v2  }
0xf6: {  	v1 =	vsel vm0, $0x2710, v1  }
0xf7: {  	[tilespmem:$0x29D0] =	vst v1;
	v1 =	vld [tilespmem:$0x28E0]  }
0xf8: {  	v2 =	vld [tilespmem:s11+$0x60];
	_ =	sdelay $0x4  }
0xf9: {  	vm0 =	veq.s32 v1, v2  }
0xfa: {  	v1 =	vsel vm0, $0x2710, v1  }
0xfb: {  	[tilespmem:$0x29E0] =	vst v1;
	v1 =	vld [tilespmem:$0x28F0]  }
0xfc: {  	v2 =	vld [tilespmem:s11+$0x70];
	_ =	sdelay $0x3  }
.Ltmp1:
0xfd: {  	(pc) =	sbr.rel @p0 .LBB2_4-.Ltmp1, $4  }
0xfe: {  	vm0 =	veq.s32 v1, v2  }
0xff: {  	v1 =	vsel vm0, $0x2710, v1  }
0x100: {  	s11 =	simm.s32 @!p2 $0x2880;
	[tilespmem:$0x29F0] =	vst v1  }
0x101: {  	[tilespmem:s11], [sflag:$0x4] =	stream.linear.gather @!p2 [hbm4b:s19+s15], $0x80, $0x38;
	[tilespmem:$0x1EA00] =	vst v63  }
0x102: {  	_ =	swait.ge [sflag:s31], $0x4000  }
0x103: {  	[sflag:s31] =	ssyncset.done $0x0  }
0x104: {  	[sflag:s31] =	ssyncadd.s32 $0xFFFFC000  }
0x105: {  	[spmem:s3] =	stream.indirect.scatter.add.f32 [tilespmem:s24], [sflag:$0x6], $0x80, s0, s22, $0xb8;
	[tilespmem:$0x1EA00] =	vst v63  }
0x106: {  	_ =	swait.ge [sflag:s1], $0x4000  }
0x107: {  	[sflag:s1] =	ssyncset.done $0x0  }
0x108: {  	[sflag:s1] =	ssyncadd.s32 $0xFFFFC000  }
0x109: {  	_ =	swait.ge [sflag:s23], $0x4000  }
0x10a: {  	[sflag:s23] =	ssyncset.done $0x0  }
0x10b: {  	[sflag:s23] =	ssyncadd.s32 $0xFFFFC000  }
0x10c: {  	[bflag:$0x0] =	sbarrier.arrive $0xFFFF  }
0x10d: {  	[tilespmem:s20], [sflag:$0x7] =	stream.linear.gather [spmem:s5], $0x4000, $0x38;
	[tilespmem:$0x1EA00] =	vst v63  }
0x10e: {  	_ =	swait.ge [sflag:s21], $0x4000  }
0x10f: {  	[sflag:s21] =	ssyncset.done $0x0  }
0x110: {  	s10 =	rddreg [dreg:$0x8];
	[sflag:s21] =	ssyncadd.s32 $0xFFFFC000  }
0x111: {  	[hbm4b:s10+s4] =	stream.linear.scatter [tilespmem:s20], [sflag:$0x7], $0x4000, $0x38;
	[tilespmem:$0x1EA00] =	vst v63  }
0x112: {  	_ =	swait.ge [sflag:s21], $0x4000  }
0x113: {  	[sflag:s21] =	ssyncset.done $0x0  }
0x114: {  	[sflag:s21] =	ssyncadd.s32 $0xFFFFC000  }
0x115: {  	[tilespmem:s20], [sflag:$0x7] =	stream.linear.gather [spmem:s6], $0x4000, $0x38;
	[tilespmem:$0x1EA00] =	vst v63  }
0x116: {  	_ =	swait.ge [sflag:s21], $0x4000  }
0x117: {  	[sflag:s21] =	ssyncset.done $0x0  }
0x118: {  	s15 =	rddreg [dreg:$0x9];
	[sflag:s21] =	ssyncadd.s32 $0xFFFFC000  }
0x119: {  	[hbm4b:s15+s4] =	stream.linear.scatter [tilespmem:s20], [sflag:$0x7], $0x4000, $0x38;
	[tilespmem:$0x1EA00] =	vst v63  }
0x11a: {  	_ =	swait.ge [sflag:s21], $0x4000  }
0x11b: {  	[sflag:s21] =	ssyncset.done $0x0  }
0x11c: {  	[sflag:s21] =	ssyncadd.s32 $0xFFFFC000  }
0x11d: {  	[tilespmem:s20], [sflag:$0x7] =	stream.linear.gather [spmem:s7], $0x4000, $0x38;
	[tilespmem:$0x1EA00] =	vst v63  }
0x11e: {  	_ =	swait.ge [sflag:s21], $0x4000  }
0x11f: {  	[sflag:s21] =	ssyncset.done $0x0  }
0x120: {  	s16 =	rddreg [dreg:$0xa];
	[sflag:s21] =	ssyncadd.s32 $0xFFFFC000  }
0x121: {  	[hbm4b:s16+s4] =	stream.linear.scatter [tilespmem:s20], [sflag:$0x7], $0x4000, $0x38;
	[tilespmem:$0x1EA00] =	vst v63  }
0x122: {  	_ =	swait.ge [sflag:s21], $0x4000  }
0x123: {  	[sflag:s21] =	ssyncset.done $0x0  }
0x124: {  	[sflag:s21] =	ssyncadd.s32 $0xFFFFC000  }
0x125: {  	[tilespmem:s20], [sflag:$0x7] =	stream.linear.gather [spmem:s8], $0x4000, $0x38;
	[tilespmem:$0x1EA00] =	vst v63  }
0x126: {  	_ =	swait.ge [sflag:s21], $0x4000  }
0x127: {  	[sflag:s21] =	ssyncset.done $0x0  }
0x128: {  	s17 =	rddreg [dreg:$0xb];
	[sflag:s21] =	ssyncadd.s32 $0xFFFFC000  }
0x129: {  	[hbm4b:s17+s4] =	stream.linear.scatter [tilespmem:s20], [sflag:$0x7], $0x4000, $0x38;
	[tilespmem:$0x1EA00] =	vst v63  }
0x12a: {  	_ =	swait.ge [sflag:s21], $0x4000  }
0x12b: {  	[sflag:s21] =	ssyncset.done $0x0  }
0x12c: {  	[sflag:s21] =	ssyncadd.s32 $0xFFFFC000  }
0x12d: {  	[tilespmem:s20], [sflag:$0x7] =	stream.linear.gather [spmem:s9], $0x4000, $0x38;
	[tilespmem:$0x1EA00] =	vst v63  }
0x12e: {  	s25 =	sadd.s32 $0x1, s25;
	_ =	swait.ge [sflag:s21], $0x4000  }
0x12f: {  	p0 =	sne.s32 s25, s18;
	[sflag:s21] =	ssyncset.done $0x0  }
.Ltmp2:
0x130: {  	s19 =	rddreg [dreg:$0xc];
	[sflag:s21] =	ssyncadd.s32 $0xFFFFC000;
	(pc) =	sbr.rel @p0 .LBB2_1-.Ltmp2, $4  }
0x131: {  	[hbm4b:s19+s4] =	stream.linear.scatter [tilespmem:s20], [sflag:$0x7], $0x4000, $0x38;
	[tilespmem:$0x1EA00] =	vst v63  }
0x132: {  	_ =	swait.ge [sflag:s21], $0x4000  }
0x133: {  	[sflag:s21] =	ssyncset.done $0x0  }
0x134: {  	[sflag:s21] =	ssyncadd.s32 $0xFFFFC000  }
0x135: {  	_ =	sfence.sel $0x180000  }
0x136: {  	[bflag:$0x0] =	sbarrier.arrive $0xFFFF  }
0x137: {  	_ =	strace $0x90000047  }
0x138: {  	s0 =	stileid.u32;
	[bflag:$0x2] =	sbarrier.arrive $0xFFFF  }
0x139: {  	p0 =	sne.s32 s0, $0x0;
	s0 =	rddreg [dreg:$0x4]  }
0x13a: {  	s0 =	sadd.s32 @!p0 $0x100000, s0  }
0x13b: {  	[sflag:s0] =	ssyncadd.tile.s32 @!p0 $0x1;
	_ =	shalt  }
.Lfunc_end2:
_tile_overlayer_lowered:
.L_overlay_start_2:
0x13c: {  	(tag) =	ssettag $0x2  }
0x13d: {  	s0 =	rddreg [dreg:$0x0];
	s2 =	stileid.u32  }
0x13e: {  	s1 =	rddreg [dreg:$0x1];
	p0 =	sne.s32 s2, $0x0  }
0x13f: {  	s3 =	rddreg [dreg:$0x2];
	[bflag:$0x3] =	sbarrier.arrive $0xFFFF;
	s2 =	simm.s32 @!p0 $0x1C07  }
0x140: {  	[timem:s3], [sflag:s2] =	dma.local @!p0 [hbm:s0], s1  }
0x141: {  	s0 =	simm.s32 @!p0 $0x7  }
0x142: {  	_ =	swait.ge @!p0 [sflag:s0], s1  }
0x143: {  	s1 =	ssub.s32 @!p0 $0x0, s1;
	[sflag:s0] =	ssyncset.done @!p0 $0x0  }
0x144: {  	[sflag:s0] =	ssyncadd.s32 @!p0 s1  }
0x145: {  	[bflag:$0x3] =	sbarrier.arrive $0xFFFF  }
0x146: {  	_ =	shalt  }

// kernel: kernel.7.cloned.1.call-start
scs
__scs_entry_jumppad:
0x0: {  	(pc) =	sbr.rel $0x88, $3  }
0x1: {  	(tag) =	ssettag $0x0;
	lr =	simm.s32 $0x1  }
0x2: {  	[smem:$0x3F9E] =	sst lr;
	_ =	strace $0xD0000000  }
0x3: {  	_ = 	snop  }
0x4: {  	_ = 	snop  }
0x5: {  	_ = 	snop  }
0x6: {  	_ = 	snop  }
0x7: {  	_ = 	snop  }
__scs_overlays_trampoline_lowered:
0x8: {  	[smem:$0x3FAD] =	sst s0  }
0x9: {  	[smem:$0x3FAE] =	sst s1  }
0xa: {  	[smem:$0x3FAF] =	sst s2  }
0xb: {  	[smem:$0x3FB0] =	sst s3  }
0xc: {  	[smem:$0x3FB1] =	sst s4  }
0xd: {  	[smem:$0x3FB2] =	sst s5  }
0xe: {  	[smem:$0x3FB3] =	sst s6  }
0xf: {  	[smem:$0x3FB4] =	sst s7  }
0x10: {  	[smem:$0x3FB5] =	sst s8  }
0x11: {  	[smem:$0x3FB6] =	sst s9;
	s0 =	simm.s32 @!p0 $0x0  }
0x12: {  	s1 =	sld [smem:$0x3F9C];
	s0 =	simm.s32 @p0 $0x1  }
0x13: {  	[smem:$0x3FB7] =	sst s0;
	s0 =	simm.s32 @!p1 $0x0  }
0x14: {  	s2 =	sld [smem:$0x3F9B];
	s0 =	simm.s32 @p1 $0x1  }
0x15: {  	[smem:$0x3FB8] =	sst s0;
	s0 =	simm.s32 @!p2 $0x0  }
0x16: {  	s3 =	sld [smem:$0x3FDB];
	s0 =	simm.s32 @p2 $0x1  }
0x17: {  	s4 =	simm.s32 $0x1BF5;
	[smem:$0x3FBA] =	sst s0  }
0x18: {  	s0 =	sld [smem:$0x3F9D];
	_ =	swait.ge [sflag:s4], $0x0  }
0x19: {  	s7 =	sld [smem:$0x3F9E]  }
0x1a: {  	s8 =	sadd.s32 $0xFFFFE003, lr  }
0x1b: {  	s9 =	sadd.s32 $0xFFFFFEF7, lr;
	s5 =	simm.s32 $0xFFFFFFFF;
	p2 =	slt.u32 s8, $0xFFFFF086  }
0x1c: {  	p1 =	slt.u32 s9, $0xF7A;
	s5 =	simm.s32 @!p2 $0x0  }
0x1d: {  	s5 =	simm.s32 @p1 $0x1;
	p0 =	seq.s32 s7, s2  }
0x1e: {  	s7 =	smul.u32 @!p0 $0xF7A, s2;
	p2 =	seq.s32 @!p0 s5, $0x0  }
0x1f: {  	s9 =	smul.u32 $0xF7A, s1;
	s8 =	simm.s32 @!p0 $0x1BF5;
	p2 =	por !p2, p0  }
0x20: {  	[sflag:s8] =	ssyncset.s32 @!p0 $0xFFFFF086;
	s6 =	sadd.s32 @!p0 s3, s7;
	s7 =	simm.s32 @!p0 $0x108  }
0x21: {  	s3 =	sadd.s32 s3, s9;
	s6 =	sadd.s32 @!p0 $0x88, s6;
	s7 =	simm.s32 @p2 $0x1082  }
0x22: {  	[simem:s7], [sflag:s8] =	dma.local @!p0 [hbm:s6], $0xF7A  }
0x23: {  	s9 =	sor.u32 $0xD0000000, s2;
	s6 =	simm.s32 $0x108;
	_ =	swait.ge @!p0 [sflag:s8], $0x0  }
0x24: {  	s3 =	sadd.s32 $0x88, s3;
	s6 =	simm.s32 @!p1 $0x1082;
	[sflag:s4] =	ssyncset.s32 $0xFFFFF086  }
0x25: {  	[simem:s6], [sflag:s4] =	dma.local [hbm:s3], $0xF7A  }
0x26: {  	[smem:$0x3F9E] =	sst s1;
	(tag) =	ssettag s2;
	_ =	strace s9  }
0x27: {  	s1 =	sld [smem:$0x3FAE]  }
0x28: {  	s2 =	sld [smem:$0x3FAF]  }
0x29: {  	s4 =	sld [smem:$0x3FB1]  }
0x2a: {  	p0 =	seq.s32 s5, $0x0;
	s5 =	sld [smem:$0x3FB2]  }
0x2b: {  	s6 =	sld [smem:$0x3FB3]  }
0x2c: {  	s7 =	sld [smem:$0x3FB4]  }
0x2d: {  	s3 =	simm.s32 $0x108;
	s8 =	sld [smem:$0x3FB5]  }
0x2e: {  	s3 =	simm.s32 @!p0 $0x1082;
	s9 =	sld [smem:$0x3FB6]  }
0x2f: {  	lr =	sadd.s32 s0, s3;
	s0 =	sld [smem:$0x3FAD]  }
0x30: {  	s3 =	sld [smem:$0x3FB0]  }
0x31: {  	[smem:$0x3FB9] =	sst s10  }
0x32: {  	s10 =	sld [smem:$0x3FB7];
	_ =	sdelay $0x3  }
0x33: {  	p0 =	seq.s32 s10, $0x1;
	s10 =	sld [smem:$0x3FB9];
	_ =	sdelay $0x3  }
0x34: {  	[smem:$0x3FB9] =	sst s10  }
0x35: {  	s10 =	sld [smem:$0x3FB8];
	_ =	sdelay $0x3  }
0x36: {  	p1 =	seq.s32 s10, $0x1;
	s10 =	sld [smem:$0x3FB9];
	_ =	sdelay $0x3  }
0x37: {  	[smem:$0x3FB9] =	sst s10  }
0x38: {  	s10 =	sld [smem:$0x3FBA]  }
0x39: {  	_ = 	snop;
	(pc) =	sbr.ind lr, $3  }
0x3a: {  	_ = 	snop  }
0x3b: {  	_ = 	snop  }
0x3c: {  	p2 =	seq.s32 s10, $0x1;
	s10 =	sld [smem:$0x3FB9]  }
0x3d: {  	_ =	shalt  }
0x3e: {  	_ =	shalt  }
0x3f: {  	_ =	shalt  }
0x40: {  	_ =	shalt  }
0x41: {  	_ =	shalt  }
0x42: {  	_ =	shalt  }
0x43: {  	_ =	shalt  }
0x44: {  	_ =	shalt  }
0x45: {  	_ =	shalt  }
0x46: {  	_ =	shalt  }
0x47: {  	_ =	shalt  }
0x48: {  	_ =	shalt  }
0x49: {  	_ =	shalt  }
0x4a: {  	_ =	shalt  }
0x4b: {  	_ =	shalt  }
0x4c: {  	_ =	shalt  }
0x4d: {  	_ =	shalt  }
0x4e: {  	_ =	shalt  }
0x4f: {  	_ =	shalt  }
0x50: {  	_ =	shalt  }
0x51: {  	_ =	shalt  }
0x52: {  	_ =	shalt  }
0x53: {  	_ =	shalt  }
0x54: {  	_ =	shalt  }
0x55: {  	_ =	shalt  }
0x56: {  	_ =	shalt  }
0x57: {  	_ =	shalt  }
0x58: {  	_ =	shalt  }
0x59: {  	_ =	shalt  }
0x5a: {  	_ =	shalt  }
0x5b: {  	_ =	shalt  }
0x5c: {  	_ =	shalt  }
0x5d: {  	_ =	shalt  }
0x5e: {  	_ =	shalt  }
0x5f: {  	_ =	shalt  }
0x60: {  	_ =	shalt  }
0x61: {  	_ =	shalt  }
0x62: {  	_ =	shalt  }
0x63: {  	_ =	shalt  }
0x64: {  	_ =	shalt  }
0x65: {  	_ =	shalt  }
0x66: {  	_ =	shalt  }
0x67: {  	_ =	shalt  }
0x68: {  	_ =	shalt  }
0x69: {  	_ =	shalt  }
0x6a: {  	_ =	shalt  }
0x6b: {  	_ =	shalt  }
0x6c: {  	_ =	shalt  }
0x6d: {  	_ =	shalt  }
0x6e: {  	_ =	shalt  }
0x6f: {  	_ =	shalt  }
0x70: {  	_ =	shalt  }
0x71: {  	_ =	shalt  }
0x72: {  	_ =	shalt  }
0x73: {  	_ =	shalt  }
0x74: {  	_ =	shalt  }
0x75: {  	_ =	shalt  }
0x76: {  	_ =	shalt  }
0x77: {  	_ =	shalt  }
0x78: {  	_ =	shalt  }
0x79: {  	_ =	shalt  }
0x7a: {  	_ =	shalt  }
0x7b: {  	_ =	shalt  }
0x7c: {  	_ =	shalt  }
0x7d: {  	_ =	shalt  }
0x7e: {  	_ =	shalt  }
0x7f: {  	_ =	shalt  }
0x80: {  	_ =	shalt  }
0x81: {  	_ =	shalt  }
0x82: {  	_ =	shalt  }
0x83: {  	_ =	shalt  }
0x84: {  	_ =	shalt  }
0x85: {  	_ =	shalt  }
0x86: {  	_ =	shalt  }
0x87: {  	_ =	shalt  }
.Lfunc_end0:
.L_simem_size_0:
called_computation.1_lowered:
.L_overlay_start_0:
0x88: {  	s2 =	sld [smem:$0x3FD9]  }
0x89: {  	s3 =	sld [smem:$0x3FFE];
	_ =	sdelay $0x1  }
0x8a: {  	s1 =	srdreg.scid  }
0x8b: {  	s0 =	sand.u32 $0x1, s1  }
0x8c: {  	s17 =	sshll.u32 s0, $0xA;
	s2 =	sadd.s32 s3, s2  }
0x8d: {  	s2 =	sadd.s32 s2, s17  }
0x8e: {  	[smem:$0x3FC5] =	sst s2  }
0x8f: {  	_ = 	snop  }
0x90: {  	s2 =	sld [smem:$0x3FC9];
	(tm) =	ssettm $0x1  }
0x91: {  	s18 =	sld [smem:$0x3FFB];
	_ =	sdelay $0x3  }
0x92: {  	_ =	strace s18  }
0x93: {  	s3 =	sld [smem:$0x3FFC];
	_ =	sdelay $0x3  }
0x94: {  	_ =	strace s3  }
0x95: {  	s3 =	sld [smem:$0x3FFD];
	_ =	sdelay $0x3  }
0x96: {  	_ =	strace s3  }
0x97: {  	_ =	strace $0x8FFFFFFF  }
0x98: {  	s19 =	sld [smem:$0x3FDB];
	_ =	sdelay $0x1  }
0x99: {  	s4 =	simm.s32 $_scs_section_size  }
0x9a: {  	s5 =	simm.s32 $_size__tile_overlayer_lowered;
	s6 =	simm.s32 $_tile_overlayer_lowered  }
0x9b: {  	s22 =	simm.s32 $0x1BFF;
	s21 =	sshll.u32 s6, $0x1;
	s3 =	sadd.s32 s4, s19  }
0x9c: {  	s7 =	simm.s32 $0x0;
	s20 =	sshll.u32 s5, $0x1;
	s5 =	sadd.s32 s21, s3  }
0x9d: {  	[timem:s7], [sflag:s22] =	dma.local [hbm:s5], s20  }
0x9e: {  	_ =	swait.ge [sflag:s22], s20  }
0x9f: {  	s4 =	ssub.s32 $0x0, s20;
	[sflag:s22] =	ssyncset.done $0x0  }
0xa0: {  	[sflag:s22] =	ssyncadd.s32 s4;
	_ =	sdelay $0x1  }
0xa1: {  	s23 =	simm.s32 $0x1B8B  }
0xa2: {  	_ =	swait.ge [sflag:s23], $0x1  }
0xa3: {  	[sflag:s23] =	ssyncset.done $0x0  }
0xa4: {  	s25 =	simm.s32 $0x1B8E;
	s24 =	sld [smem:$0x3FFE];
	[sflag:s23] =	ssyncadd.s32 $0xFFFFFFFF  }
0xa5: {  	s26 =	simm.s32 $execute0_lowered;
	[smem:$0x3FD2] =	sst s25  }
0xa6: {  	s5 =	sshll.u32 s26, $0x1;
	_ =	strace $0x80000049;
	[dreg:$0x1] =	wrdreg $0xFFFFFFFF  }
0xa7: {  	s28 =	simm.s32 $_size_execute0_lowered;
	s3 =	sadd.s32 s3, s5;
	[dreg:$0x0] =	wrdreg $0x0  }
0xa8: {  	s5 =	sshll.u32 s28, $0x1;
	[dreg:$0x2] =	wrdreg s3  }
0xa9: {  	[dreg:$0x3] =	wrdreg s5  }
0xaa: {  	[dreg:$0x4] =	wrdreg $0xC0  }
0xab: {  	_ =	task [dreg:s7], $0x5FFFF  }
0xac: {  	[dreg:$0x1] =	wrdreg $0xFFFFFFFF  }
0xad: {  	[dreg:$0x0] =	wrdreg $0x60  }
0xae: {  	[dreg:$0x2] =	wrdreg s24  }
0xaf: {  	[dreg:$0x3] =	wrdreg s2  }
0xb0: {  	[dreg:$0x4] =	wrdreg $0x9  }
0xb1: {  	_ =	task.clear_ibuf [dreg:s7], $0x5FFFF;
	_ =	strace $0x90000049  }
0xb2: {  	s29 =	simm.s32 $0x9;
	_ =	strace $0x8000004B  }
0xb3: {  	_ =	swait.ge [sflag:s29], $0x1  }
0xb4: {  	[sflag:s29] =	ssyncadd.s32 $0xFFFFFFFF  }
0xb5: {  	_ =	strace $0x9000004B  }
0xb6: {  	_ =	sfence  }
0xb7: {  	s30 =	sld [smem:$0x0];
	_ =	sdelay $0x2  }
0xb8: {  	s31 =	sshll.u32 s1, $0xD;
	s1 =	sshrl.u32 s1, $0x2  }
0xb9: {  	s3 =	sand.u32 $0x4000, s31;
	s1 =	sadd.s32 s1, s30  }
0xba: {  	s0 =	sor.u32 s3, s0;
	s1 =	sshll.u32 s1, $0x11  }
0xbb: {  	s0 =	sor.u32 s1, s0  }
0xbc: {  	s0 =	sadd.s32 $0x8F2B, s0  }
0xbd: {  	[sflag:s0] =	ssyncadd.remote.s32 $0x1  }
0xbe: {  	_ =	sfence.sel $0xFFFF  }
0xbf: {  	[dreg:$0x0] =	wrdreg $0xFFFFFFFF;
	(pc) =	sbr.abs _section_cstart, $3  }
0xc0: {  	[dreg:$0x1] =	wrdreg $0xFFFFFFFF  }
0xc1: {  	_ =	task.clear_ibuf [dreg:s7], $0x2FFFF;
	_ =	strace $0x9FFFFFFF  }
0xc2: {  	(tm) =	ssettm $0x7FFFFFFF  }
0xc3: {  	_ =	shalt  }
tec
execute0_lowered:
.L_overlay_start_1:
0x0: {  	(tag) =	ssettag $0x1  }
0x1: {  	s5 =	rddreg [dreg:$0x0]  }
0x2: {  	s1 =	rddreg [dreg:$0x1]  }
0x3: {  	s0 =	rddreg [dreg:$0x2];
	s2 =	simm.s32 $0x0  }
0x4: {  	s3 =	srdreg.scid;
	s10 =	simm.s32 $0x80;
	s11 =	simm.s32 $0x200  }
0x5: {  	s12 =	simm.s32 $0x100;
	s13 =	simm.s32 $0x4200;
	s14 =	simm.s32 $0x8200  }
0x6: {  	s15 =	simm.s32 $0x1;
	s16 =	simm.s32 $0x2;
	s17 =	simm.s32 $0x3  }
0x7: {  	s18 =	simm.s32 $0x180;
	s19 =	simm.s32 $0x0;
	s6 =	sand.u32 $0x1, s3  }
0x8: {  	[smem:$0x7FF] =	sst s2;
	s3 =	stileid.u32;
	s7 =	sshll.u32 s6, $0x4  }
0x9: {  	s4 =	sadd.s32 $0xA200, s5;
	_ =	strace $0x8000004A;
	s7 =	sor.u32 s3, s7  }
0xa: {  	s6 =	ssub.s32 $0x2, s6;
	s8 =	sshll.u32 s7, $0x5;
	s7 =	sshll.u32 s7, $0xC  }
0xb: {  	s9 =	sshrl.u32 s6, $0x1;
	s8 =	sadd.s32 s8, s5;
	s7 =	sadd.s32 s7, s5  }
0xc: {  	s9 =	ssub.s32 s6, s9;
	s5 =	sadd.s32 $0x5A200, s8;
	s6 =	sadd.s32 $0x5A600, s7  }
0xd: {  	s7 =	sadd.s32 $0x5AE00, s7;
	s8 =	smax.u32 s9, $0x1;
	s9 =	simm.s32 $0x4  }
.LBB2_1:
0xe: {  	[tilespmem:s2], [sflag:$0x4] =	stream.linear.gather [hbm4b:s5+s2], $0x100, $0x38;
	[tilespmem:$0xC200] =	vst v63  }
0xf: {  	_ =	swait.ge [sflag:s9], $0x100  }
0x10: {  	[sflag:s9] =	ssyncset.done $0x0  }
0x11: {  	[sflag:s9] =	ssyncadd.s32 $0xFFFFFF00  }
0x12: {  	v0 =	vld [tilespmem:$0x0]  }
0x13: {  	v1 =	vld [tilespmem:$0x10]  }
0x14: {  	v2 =	vld [tilespmem:$0x20]  }
0x15: {  	v3 =	vld [tilespmem:$0x30]  }
0x16: {  	v4 =	vld [tilespmem:$0x40]  }
0x17: {  	v5 =	vld [tilespmem:$0x50];
	v0 =	vadd.s32 $0x2800, v0  }
0x18: {  	[tilespmem:$0x100] =	vst v0;
	v0 =	vadd.s32 $0x2800, v1;
	v1 =	vld [tilespmem:$0x60]  }
0x19: {  	[tilespmem:$0x110] =	vst v0;
	v0 =	vadd.s32 $0x2800, v2;
	v2 =	vld [tilespmem:$0x70]  }
0x1a: {  	[tilespmem:$0x120] =	vst v0;
	v0 =	vadd.s32 $0x2800, v3;
	v3 =	vld [tilespmem:$0x80]  }
0x1b: {  	[tilespmem:$0x130] =	vst v0;
	v0 =	vadd.s32 $0x2800, v4;
	v4 =	vld [tilespmem:$0x90]  }
0x1c: {  	[tilespmem:$0x140] =	vst v0;
	v0 =	vadd.s32 $0x2800, v5;
	v5 =	vld [tilespmem:$0xA0]  }
0x1d: {  	[tilespmem:$0x150] =	vst v0;
	v0 =	vadd.s32 $0x2800, v1;
	v1 =	vld [tilespmem:$0xB0]  }
0x1e: {  	[tilespmem:$0x160] =	vst v0;
	v0 =	vadd.s32 $0x2800, v2;
	v2 =	vld [tilespmem:$0xC0]  }
0x1f: {  	[tilespmem:$0x170] =	vst v0;
	v0 =	vadd.s32 $0x2800, v3;
	v3 =	vld [tilespmem:$0xD0]  }
0x20: {  	[tilespmem:$0x180] =	vst v0;
	v0 =	vadd.s32 $0x2800, v4;
	v4 =	vld [tilespmem:$0xE0]  }
0x21: {  	[tilespmem:$0x190] =	vst v0;
	v0 =	vadd.s32 $0x2800, v5;
	v5 =	vld [tilespmem:$0xF0]  }
0x22: {  	[tilespmem:$0x1A0] =	vst v0;
	v0 =	vadd.s32 $0x2800, v1  }
0x23: {  	[tilespmem:$0x1B0] =	vst v0;
	v0 =	vadd.s32 $0x2800, v2  }
0x24: {  	[tilespmem:$0x1C0] =	vst v0;
	v0 =	vadd.s32 $0x2800, v3  }
0x25: {  	[tilespmem:$0x1D0] =	vst v0;
	v0 =	vadd.s32 $0x2800, v4  }
0x26: {  	[tilespmem:$0x1E0] =	vst v0;
	v0 =	vadd.s32 $0x2800, v5  }
0x27: {  	[tilespmem:$0x1F0] =	vst v0  }
0x28: {  	[tilespmem:s11], [sflag:$0x1] =	stream.indirect.gather [hbm4b:s4+s10], $0x80, s2, s10, $0xb8;
	[tilespmem:$0xC200] =	vst v63  }
0x29: {  	_ = 	snop  }
0x2a: {  	[tilespmem:s13], [sflag:$0x2] =	stream.indirect.gather [hbm4b:s4+s10], $0x80, s12, s10, $0xb8;
	[tilespmem:$0xC200] =	vst v63  }
0x2b: {  	_ = 	snop  }
0x2c: {  	[tilespmem:s14], [sflag:$0x3] =	stream.indirect.gather [hbm4b:s1+s10], $0x80, s2, s10, $0xb8;
	[tilespmem:$0xC200] =	vst v63  }
0x2d: {  	_ =	swait.ge [sflag:s15], $0x4000  }
0x2e: {  	[sflag:s15] =	ssyncset.done $0x0  }
0x2f: {  	[sflag:s15] =	ssyncadd.s32 $0xFFFFC000  }
0x30: {  	_ =	swait.ge [sflag:s16], $0x4000  }
0x31: {  	[sflag:s16] =	ssyncset.done $0x0  }
0x32: {  	[sflag:s16] =	ssyncadd.s32 $0xFFFFC000  }
0x33: {  	_ =	swait.ge [sflag:s17], $0x4000  }
0x34: {  	[sflag:s17] =	ssyncset.done $0x0  }
0x35: {  	s20 =	simm.s32 $0x0;
	[sflag:s17] =	ssyncadd.s32 $0xFFFFC000  }
0x36: {  	v5 =	vld [tilespmem:s20+$0x8200]  }
0x37: {  	v4 =	vld [tilespmem:s20+$0x8210]  }
0x38: {  	v3 =	vld [tilespmem:s20+$0x8220]  }
0x39: {  	v2 =	vld [tilespmem:s20+$0x8230]  }
0x3a: {  	v1 =	vld [tilespmem:s20+$0x8240]  }
0x3b: {  	v0 =	vld [tilespmem:s20+$0x8250]  }
0x3c: {  	v12 =	vld [tilespmem:s20+$0x4200]  }
0x3d: {  	v17 =	vld [tilespmem:s20+$0x4210]  }
0x3e: {  	v11 =	vld [tilespmem:s20+$0x4220]  }
0x3f: {  	v10 =	vld [tilespmem:s20+$0x4230]  }
0x40: {  	v9 =	vld [tilespmem:s20+$0x4240]  }
0x41: {  	v8 =	vld [tilespmem:s20+$0x4250]  }
0x42: {  	v7 =	vld [tilespmem:s20+$0x4260]  }
0x43: {  	v6 =	vld [tilespmem:s20+$0x4270]  }
0x44: {  	v18 =	vld [tilespmem:s20+$0x200]  }
0x45: {  	v19 =	vld [tilespmem:s20+$0x210]  }
0x46: {  	v16 =	vld [tilespmem:s20+$0x220]  }
0x47: {  	v15 =	vld [tilespmem:s20+$0x230]  }
0x48: {  	v14 =	vld [tilespmem:s20+$0x240]  }
0x49: {  	v13 =	vld [tilespmem:s20+$0x250];
	v18 =	vadd.f32 v12, v18  }
0x4a: {  	s21 =	simm.s32 $0x200;
	v17 =	vadd.f32 v17, v19;
	v12 =	vld [tilespmem:s20+$0x260]  }
.LBB2_2:
0x4b: {  	p0 =	sne.s32 s21, $0xFE00;
	v5 =	vadd.f32 v5, v18;
	v11 =	vadd.f32 v11, v16;
	v16 =	vld [tilespmem:s20+$0x270]  }
0x4c: {  	v4 =	vadd.f32 v4, v17;
	v10 =	vadd.f32 v10, v15;
	v15 =	vld [tilespmem:s20+$0x8260]  }
0x4d: {  	s22 =	sshra.s32 s21, $0x2;
	[tilespmem:s20+$0x200] =	vst v5;
	v3 =	vadd.f32 v3, v11;
	v9 =	vadd.f32 v9, v14;
	v11 =	vld [tilespmem:s20+$0x8270]  }
0x4e: {  	v5 =	vld [tilespmem:s22+$0x8200];
	[tilespmem:s20+$0x210] =	vst v4;
	v2 =	vadd.f32 v2, v10;
	v8 =	vadd.f32 v8, v13  }
0x4f: {  	v4 =	vld [tilespmem:s22+$0x8210];
	[tilespmem:s20+$0x220] =	vst v3;
	v1 =	vadd.f32 v1, v9;
	v7 =	vadd.f32 v7, v12  }
0x50: {  	v3 =	vld [tilespmem:s22+$0x8220];
	[tilespmem:s20+$0x230] =	vst v2;
	v0 =	vadd.f32 v0, v8;
	v6 =	vadd.f32 v6, v16  }
0x51: {  	v2 =	vld [tilespmem:s22+$0x8230];
	[tilespmem:s20+$0x240] =	vst v1;
	v7 =	vadd.f32 v15, v7  }
0x52: {  	v1 =	vld [tilespmem:s22+$0x8240];
	[tilespmem:s20+$0x250] =	vst v0;
	v6 =	vadd.f32 v11, v6  }
0x53: {  	v0 =	vld [tilespmem:s22+$0x8250];
	[tilespmem:s20+$0x260] =	vst v7  }
0x54: {  	v12 =	vld [tilespmem:s22+$0x4200];
	[tilespmem:s20+$0x270] =	vst v6;
	s20 =	smov.u32 s22  }
0x55: {  	v17 =	vld [tilespmem:s20+$0x4210]  }
0x56: {  	v11 =	vld [tilespmem:s20+$0x4220]  }
0x57: {  	v10 =	vld [tilespmem:s20+$0x4230]  }
0x58: {  	v9 =	vld [tilespmem:s20+$0x4240]  }
0x59: {  	v8 =	vld [tilespmem:s20+$0x4250]  }
0x5a: {  	v7 =	vld [tilespmem:s20+$0x4260]  }
0x5b: {  	v6 =	vld [tilespmem:s20+$0x4270]  }
0x5c: {  	v13 =	vld [tilespmem:s20+$0x200]  }
0x5d: {  	v19 =	vld [tilespmem:s20+$0x210]  }
.Ltmp0:
0x5e: {  	v16 =	vld [tilespmem:s20+$0x220];
	(pc) =	sbr.rel @p0 .LBB2_2-.Ltmp0, $4  }
0x5f: {  	v15 =	vld [tilespmem:s20+$0x230]  }
0x60: {  	v14 =	vld [tilespmem:s20+$0x240]  }
0x61: {  	v18 =	vadd.f32 v12, v13;
	v13 =	vld [tilespmem:s20+$0x250]  }
0x62: {  	s21 =	sadd.s32 $0x200, s21;
	v17 =	vadd.f32 v17, v19;
	v12 =	vld [tilespmem:s20+$0x260]  }
0x63: {  	v5 =	vadd.f32 v5, v18;
	v18 =	vld [tilespmem:s20+$0x270];
	v11 =	vadd.f32 v11, v16  }
0x64: {  	v16 =	vld [tilespmem:s20+$0x8260];
	v4 =	vadd.f32 v4, v17;
	v10 =	vadd.f32 v10, v15  }
0x65: {  	[tilespmem:s20+$0x200] =	vst v5;
	v3 =	vadd.f32 v3, v11;
	v5 =	vadd.f32 v9, v14;
	v9 =	vld [tilespmem:s20+$0x8270]  }
0x66: {  	[tilespmem:s20+$0x210] =	vst v4;
	v2 =	vadd.f32 v2, v10;
	v4 =	vadd.f32 v8, v13  }
0x67: {  	[tilespmem:s20+$0x220] =	vst v3;
	v1 =	vadd.f32 v1, v5;
	v3 =	vadd.f32 v7, v12  }
0x68: {  	[tilespmem:s20+$0x230] =	vst v2;
	v0 =	vadd.f32 v0, v4;
	v2 =	vadd.f32 v6, v18  }
0x69: {  	[tilespmem:s20+$0x240] =	vst v1;
	v1 =	vadd.f32 v16, v3  }
0x6a: {  	[tilespmem:s20+$0x250] =	vst v0;
	v0 =	vadd.f32 v9, v2  }
0x6b: {  	[tilespmem:s20+$0x260] =	vst v1  }
0x6c: {  	s31 =	simm.s32 $0x0;
	[tilespmem:s20+$0x270] =	vst v0  }
0x6d: {  	[hbm4b:s6+s31] =	stream.linear.scatter [tilespmem:s11], [sflag:$0x4], $0x4000, $0x38;
	[tilespmem:$0xC200] =	vst v63  }
0x6e: {  	_ =	swait.ge [sflag:s9], $0x4000  }
0x6f: {  	[sflag:s9] =	ssyncset.done $0x0  }
0x70: {  	[sflag:s9] =	ssyncadd.s32 $0xFFFFC000  }
0x71: {  	[tilespmem:s11], [sflag:$0x1] =	stream.indirect.gather [hbm4b:s4+s10], $0x80, s10, s10, $0xb8;
	[tilespmem:$0xC200] =	vst v63  }
0x72: {  	_ = 	snop  }
0x73: {  	[tilespmem:s13], [sflag:$0x2] =	stream.indirect.gather [hbm4b:s4+s10], $0x80, s18, s10, $0xb8;
	[tilespmem:$0xC200] =	vst v63  }
0x74: {  	_ = 	snop  }
0x75: {  	[tilespmem:s14], [sflag:$0x3] =	stream.indirect.gather [hbm4b:s1+s10], $0x80, s10, s10, $0xb8;
	[tilespmem:$0xC200] =	vst v63  }
0x76: {  	_ =	swait.ge [sflag:s15], $0x4000  }
0x77: {  	[sflag:s15] =	ssyncset.done $0x0  }
0x78: {  	[sflag:s15] =	ssyncadd.s32 $0xFFFFC000  }
0x79: {  	_ =	swait.ge [sflag:s16], $0x4000  }
0x7a: {  	[sflag:s16] =	ssyncset.done $0x0  }
0x7b: {  	[sflag:s16] =	ssyncadd.s32 $0xFFFFC000  }
0x7c: {  	_ =	swait.ge [sflag:s17], $0x4000  }
0x7d: {  	[sflag:s17] =	ssyncset.done $0x0  }
0x7e: {  	s20 =	simm.s32 $0x0;
	[sflag:s17] =	ssyncadd.s32 $0xFFFFC000  }
0x7f: {  	v5 =	vld [tilespmem:s20+$0x8200]  }
0x80: {  	v4 =	vld [tilespmem:s20+$0x8210]  }
0x81: {  	v3 =	vld [tilespmem:s20+$0x8220]  }
0x82: {  	v2 =	vld [tilespmem:s20+$0x8230]  }
0x83: {  	v1 =	vld [tilespmem:s20+$0x8240]  }
0x84: {  	v0 =	vld [tilespmem:s20+$0x8250]  }
0x85: {  	v12 =	vld [tilespmem:s20+$0x4200]  }
0x86: {  	v17 =	vld [tilespmem:s20+$0x4210]  }
0x87: {  	v11 =	vld [tilespmem:s20+$0x4220]  }
0x88: {  	v10 =	vld [tilespmem:s20+$0x4230]  }
0x89: {  	v9 =	vld [tilespmem:s20+$0x4240]  }
0x8a: {  	v8 =	vld [tilespmem:s20+$0x4250]  }
0x8b: {  	v7 =	vld [tilespmem:s20+$0x4260]  }
0x8c: {  	v6 =	vld [tilespmem:s20+$0x4270]  }
0x8d: {  	v18 =	vld [tilespmem:s20+$0x200]  }
0x8e: {  	v19 =	vld [tilespmem:s20+$0x210]  }
0x8f: {  	v16 =	vld [tilespmem:s20+$0x220]  }
0x90: {  	v15 =	vld [tilespmem:s20+$0x230]  }
0x91: {  	v14 =	vld [tilespmem:s20+$0x240]  }
0x92: {  	v13 =	vld [tilespmem:s20+$0x250];
	v18 =	vadd.f32 v12, v18  }
0x93: {  	s21 =	simm.s32 $0x200;
	v17 =	vadd.f32 v17, v19;
	v12 =	vld [tilespmem:s20+$0x260]  }
.LBB2_4:
0x94: {  	p0 =	sne.s32 s21, $0xFE00;
	v5 =	vadd.f32 v5, v18;
	v11 =	vadd.f32 v11, v16;
	v16 =	vld [tilespmem:s20+$0x270]  }
0x95: {  	v4 =	vadd.f32 v4, v17;
	v10 =	vadd.f32 v10, v15;
	v15 =	vld [tilespmem:s20+$0x8260]  }
0x96: {  	s22 =	sshra.s32 s21, $0x2;
	[tilespmem:s20+$0x200] =	vst v5;
	v3 =	vadd.f32 v3, v11;
	v9 =	vadd.f32 v9, v14;
	v11 =	vld [tilespmem:s20+$0x8270]  }
0x97: {  	v5 =	vld [tilespmem:s22+$0x8200];
	[tilespmem:s20+$0x210] =	vst v4;
	v2 =	vadd.f32 v2, v10;
	v8 =	vadd.f32 v8, v13  }
0x98: {  	v4 =	vld [tilespmem:s22+$0x8210];
	[tilespmem:s20+$0x220] =	vst v3;
	v1 =	vadd.f32 v1, v9;
	v7 =	vadd.f32 v7, v12  }
0x99: {  	v3 =	vld [tilespmem:s22+$0x8220];
	[tilespmem:s20+$0x230] =	vst v2;
	v0 =	vadd.f32 v0, v8;
	v6 =	vadd.f32 v6, v16  }
0x9a: {  	v2 =	vld [tilespmem:s22+$0x8230];
	[tilespmem:s20+$0x240] =	vst v1;
	v7 =	vadd.f32 v15, v7  }
0x9b: {  	v1 =	vld [tilespmem:s22+$0x8240];
	[tilespmem:s20+$0x250] =	vst v0;
	v6 =	vadd.f32 v11, v6  }
0x9c: {  	v0 =	vld [tilespmem:s22+$0x8250];
	[tilespmem:s20+$0x260] =	vst v7  }
0x9d: {  	v12 =	vld [tilespmem:s22+$0x4200];
	[tilespmem:s20+$0x270] =	vst v6;
	s20 =	smov.u32 s22  }
0x9e: {  	v17 =	vld [tilespmem:s20+$0x4210]  }
0x9f: {  	v11 =	vld [tilespmem:s20+$0x4220]  }
0xa0: {  	v10 =	vld [tilespmem:s20+$0x4230]  }
0xa1: {  	v9 =	vld [tilespmem:s20+$0x4240]  }
0xa2: {  	v8 =	vld [tilespmem:s20+$0x4250]  }
0xa3: {  	v7 =	vld [tilespmem:s20+$0x4260]  }
0xa4: {  	v6 =	vld [tilespmem:s20+$0x4270]  }
0xa5: {  	v13 =	vld [tilespmem:s20+$0x200]  }
0xa6: {  	v19 =	vld [tilespmem:s20+$0x210]  }
.Ltmp1:
0xa7: {  	v16 =	vld [tilespmem:s20+$0x220];
	(pc) =	sbr.rel @p0 .LBB2_4-.Ltmp1, $4  }
0xa8: {  	v15 =	vld [tilespmem:s20+$0x230]  }
0xa9: {  	v14 =	vld [tilespmem:s20+$0x240]  }
0xaa: {  	v18 =	vadd.f32 v12, v13;
	v13 =	vld [tilespmem:s20+$0x250]  }
0xab: {  	s21 =	sadd.s32 $0x200, s21;
	v17 =	vadd.f32 v17, v19;
	v12 =	vld [tilespmem:s20+$0x260]  }
0xac: {  	v5 =	vadd.f32 v5, v18;
	v55 =	vld [tilespmem:s20+$0x270];
	v11 =	vadd.f32 v11, v16  }
0xad: {  	v56 =	vld [tilespmem:s20+$0x8260];
	v4 =	vadd.f32 v4, v17;
	v10 =	vadd.f32 v10, v15  }
0xae: {  	v58 =	vld [tilespmem:s20+$0x8270];
	[tilespmem:s20+$0x200] =	vst v5;
	v3 =	vadd.f32 v3, v11;
	v57 =	vadd.f32 v9, v14  }
0xaf: {  	[tilespmem:s20+$0x210] =	vst v4;
	v2 =	vadd.f32 v2, v10;
	v59 =	vadd.f32 v8, v13  }
0xb0: {  	[tilespmem:s20+$0x220] =	vst v3;
	v1 =	vadd.f32 v1, v57;
	v60 =	vadd.f32 v7, v12  }
0xb1: {  	[tilespmem:s20+$0x230] =	vst v2;
	v0 =	vadd.f32 v0, v59;
	v61 =	vadd.f32 v6, v55  }
0xb2: {  	[tilespmem:s20+$0x240] =	vst v1;
	v62 =	vadd.f32 v56, v60  }
0xb3: {  	s19 =	sadd.s32 $0x1, s19;
	[tilespmem:s20+$0x250] =	vst v0;
	v63 =	vadd.f32 v58, v61  }
0xb4: {  	p0 =	sne.s32 s19, s8;
	[tilespmem:s20+$0x260] =	vst v62  }
.Ltmp2:
0xb5: {  	[tilespmem:s20+$0x270] =	vst v63;
	(pc) =	sbr.rel @p0 .LBB2_1-.Ltmp2, $4  }
0xb6: {  	[hbm4b:s7+s2] =	stream.linear.scatter [tilespmem:s11], [sflag:$0x4], $0x4000, $0x38;
	[tilespmem:$0xC200] =	vst v63  }
0xb7: {  	_ =	swait.ge [sflag:s9], $0x4000  }
0xb8: {  	[sflag:s9] =	ssyncset.done $0x0  }
0xb9: {  	[sflag:s9] =	ssyncadd.s32 $0xFFFFC000  }
0xba: {  	_ =	sfence.sel $0x180000  }
0xbb: {  	[bflag:$0x0] =	sbarrier.arrive $0xFFFF  }
0xbc: {  	p0 =	sne.s32 s3, $0x0;
	_ =	strace $0x9000004A  }
0xbd: {  	s0 =	sadd.s32 @!p0 $0x100000, s0;
	[bflag:$0x2] =	sbarrier.arrive $0xFFFF  }
0xbe: {  	[sflag:s0] =	ssyncadd.tile.s32 @!p0 $0x1;
	_ =	shalt  }
.Lfunc_end2:
_tile_overlayer_lowered:
.L_overlay_start_2:
0xbf: {  	(tag) =	ssettag $0x2  }
0xc0: {  	s0 =	rddreg [dreg:$0x0];
	s2 =	stileid.u32  }
0xc1: {  	s1 =	rddreg [dreg:$0x1];
	p0 =	sne.s32 s2, $0x0  }
0xc2: {  	s3 =	rddreg [dreg:$0x2];
	[bflag:$0x3] =	sbarrier.arrive $0xFFFF;
	s2 =	simm.s32 @!p0 $0x1C04  }
0xc3: {  	[timem:s3], [sflag:s2] =	dma.local @!p0 [hbm:s0], s1  }
0xc4: {  	s0 =	simm.s32 @!p0 $0x4  }
0xc5: {  	_ =	swait.ge @!p0 [sflag:s0], s1  }
0xc6: {  	s1 =	ssub.s32 @!p0 $0x0, s1;
	[sflag:s0] =	ssyncset.done @!p0 $0x0  }
0xc7: {  	[sflag:s0] =	ssyncadd.s32 @!p0 s1  }
0xc8: {  	[bflag:$0x3] =	sbarrier.arrive $0xFFFF  }
0xc9: {  	_ =	shalt  }

</sc_bundles>
